<compile_context>
chip_gen: v7x
topology: tpu7x:2x2x1
jax: 0.10.2.dev20260603
libtpu: 0.0.44.dev20260713+nightly
codegen_flags: <defaults>
</compile_context>

<pallas_src>
import functools

import jax
import jax.numpy as jnp
from jax import lax
from jax.experimental import pallas as pl
from jax.experimental.pallas import tpu as pltpu
from jax.experimental.pallas import tpu_sc as plsc

IGNORE_THRES = 0.5
OBJECT_SCALE = 1.0
NOOBJECT_SCALE = 100.0


@functools.lru_cache(maxsize=None)
def _sc_gather_kernel(B, A, G, C, N, TPAD):
    NT = TPAD // 16
    Gf = float(G)
    TOT = B * A * G * G
    info = plsc.get_sparse_core_info()
    NC = info.num_cores
    mesh = plsc.VectorSubcoreMesh(core_axis_name="c", subcore_axis_name="s")

    @functools.partial(
        pl.kernel,
        mesh=mesh,
        out_type=[
            jax.ShapeDtypeStruct((5 * TPAD,), jnp.int32),
            jax.ShapeDtypeStruct((8 * TPAD,), jnp.float32),
            jax.ShapeDtypeStruct((4 * TPAD,), jnp.float32),
            jax.ShapeDtypeStruct((TPAD, C), jnp.float32),
        ],
        scratch_types=[
            pltpu.VMEM((6, 16), jnp.float32),
            pltpu.VMEM((16,), jnp.float32),
            pltpu.VMEM((4, 16), jnp.int32),
            pltpu.VMEM((5, 16), jnp.int32),
            pltpu.VMEM((8, 16), jnp.float32),
            pltpu.VMEM((4, 16), jnp.float32),
            pltpu.VMEM((16, C), jnp.float32),
            pltpu.SemaphoreType.DMA,
        ],
        compiler_params=pltpu.CompilerParams(needs_layout_passes=False),
    )
    def sc_fn(tg_hbm, an_hbm, cf_hbm, cx_hbm, cy_hbm, wd_hbm, ht_hbm, pc_hbm,
              mi_hbm, mf_hbm, cg_hbm, pr_hbm,
              tv, av, idx_v, mi_v, mf_v, cg_v, pr_v, sem):
        wid = lax.axis_index("s") * NC + lax.axis_index("c")

        @pl.when(wid < NT)
        def _():
            off = wid * 16
            ins = [pltpu.async_copy(tg_hbm.at[pl.ds(j * TPAD + off, 16)],
                                    tv.at[j], sem) for j in range(6)]
            ins.append(pltpu.async_copy(an_hbm, av, sem))
            for h in ins:
                h.wait()

            lanes = lax.broadcasted_iota(jnp.int32, (16,), 0)
            valid = (lanes + off) < N
            bf = tv[0, :]
            lf = tv[1, :]
            gx = tv[2, :] * Gf
            gy = tv[3, :] * Gf
            gw = tv[4, :] * Gf
            gh = tv[5, :] * Gf
            b = bf.astype(jnp.int32)
            lbl = lf.astype(jnp.int32)
            gxi = gx.astype(jnp.int32)
            gyi = gy.astype(jnp.int32)
            gi = jnp.clip(gxi, 0, G - 1)
            gj = jnp.clip(gyi, 0, G - 1)
            tx = gx - gxi.astype(jnp.float32)
            ty = gy - gyi.astype(jnp.float32)

            def bcast(j):
                return plsc.load_gather(av, [jnp.full((16,), j, jnp.int32)])
            aw = [bcast(0), bcast(2), bcast(4)]
            ah = [bcast(1), bcast(3), bcast(5)]
            iou = []
            for a in range(A):
                inter = jnp.minimum(aw[a], gw) * jnp.minimum(ah[a], gh)
                union = aw[a] * ah[a] + 1e-16 + gw * gh - inter
                iou.append(inter / union)
            bn = jnp.zeros((16,), jnp.int32)
            bi = iou[0]
            for a in range(1, A):
                m = iou[a] > bi
                bn = jnp.where(m, a, bn)
                bi = jnp.where(m, iou[a], bi)
            awb = jnp.where(bn == 0, aw[0], jnp.where(bn == 1, aw[1], aw[2]))
            ahb = jnp.where(bn == 0, ah[0], jnp.where(bn == 1, ah[1], ah[2]))
            rw = gw / awb
            rh = gh / ahb

            cell = ((b * A + bn) * G + gj) * G + gi
            cid = jnp.where(valid, cell, -1)
            mi_v[0, :] = cid
            mi_v[1, :] = jnp.where(valid, lbl, 0)
            idx_v[0, :] = jnp.maximum(cid, 0)
            for a in range(A):
                aida = ((b * A + a) * G + gj) * G + gi
                va = valid & (iou[a] > IGNORE_THRES)
                mi_v[2 + a, :] = jnp.where(va, aida, -1)
                idx_v[1 + a, :] = jnp.where(va, aida, 0)
            mf_v[0, :] = jnp.where(valid, tx, 0.0)
            mf_v[1, :] = jnp.where(valid, ty, 0.0)
            mf_v[2, :] = jnp.where(valid, rw, 0.0)
            mf_v[3, :] = jnp.where(valid, rh, 0.0)

            hs = [
                pltpu.async_copy(cx_hbm.at[idx_v.at[0]], mf_v.at[4], sem),
                pltpu.async_copy(cy_hbm.at[idx_v.at[0]], mf_v.at[5], sem),
                pltpu.async_copy(wd_hbm.at[idx_v.at[0]], mf_v.at[6], sem),
                pltpu.async_copy(ht_hbm.at[idx_v.at[0]], mf_v.at[7], sem),
                pltpu.async_copy(cf_hbm.at[idx_v.at[0]], cg_v.at[0], sem),
                pltpu.async_copy(cf_hbm.at[idx_v.at[1]], cg_v.at[1], sem),
                pltpu.async_copy(cf_hbm.at[idx_v.at[2]], cg_v.at[2], sem),
                pltpu.async_copy(cf_hbm.at[idx_v.at[3]], cg_v.at[3], sem),
            ]
            bq = jnp.where(valid, b, 0)
            nq = jnp.where(valid, bn, 0)
            jq = jnp.where(valid, gj, 0)
            iq = jnp.where(valid, gi, 0)
            for r in range(16):
                hs.append(pltpu.async_copy(
                    pc_hbm.at[bq[r], nq[r], jq[r], iq[r], :], pr_v.at[r], sem))
            for h in hs:
                h.wait()

            outs = []
            for j in range(5):
                outs.append(pltpu.async_copy(
                    mi_v.at[j], mi_hbm.at[pl.ds(j * TPAD + off, 16)], sem))
            for j in range(8):
                outs.append(pltpu.async_copy(
                    mf_v.at[j], mf_hbm.at[pl.ds(j * TPAD + off, 16)], sem))
            for j in range(4):
                outs.append(pltpu.async_copy(
                    cg_v.at[j], cg_hbm.at[pl.ds(j * TPAD + off, 16)], sem))
            outs.append(pltpu.async_copy(pr_v, pr_hbm.at[pl.ds(off, 16), :], sem))
            for h in outs:
                h.wait()

    return sc_fn


@functools.lru_cache(maxsize=None)
def _tc_reduce_kernel(B, A, G, C, N, TPAD):
    TOT = B * A * G * G
    KC = 4 * TPAD
    CH = 128

    def clipv(p):
        return jnp.clip(p, 1e-7, 1.0 - 1e-7)

    def tc_fn(conf_ref, mi_ref, mf_ref, cg_ref, pr_ref, out_ref):
        t_total = -jnp.sum(jnp.log(1.0 - clipv(conf_ref[...])))

        cid = mi_ref[0, :]
        lbl = mi_ref[1, :]
        valid = cid >= 0
        ii = lax.broadcasted_iota(jnp.int32, (TPAD, TPAD), 0)
        jj = lax.broadcasted_iota(jnp.int32, (TPAD, TPAD), 1)
        later = jj > ii
        dup = jnp.any((cid[None, :] == cid[:, None]) & later, axis=1)
        w = valid & (~dup)
        key = jnp.where(valid, cid * C + lbl, -1)
        dup2 = jnp.any((key[None, :] == key[:, None]) & later, axis=1)
        u = valid & (~dup2)

        ids = jnp.concatenate([cid, mi_ref[2, :], mi_ref[3, :], mi_ref[4, :]])
        eparts = []
        for c in range(0, KC, CH):
            n = min(CH, KC - c)
            riota = lax.broadcasted_iota(jnp.int32, (n, KC), 0) + c
            ciota = lax.broadcasted_iota(jnp.int32, (n, KC), 1)
            ear = (ids[None, :] == ids[c:c + n][:, None]) & (ciota < riota)
            eparts.append(jnp.any(ear, axis=1).astype(jnp.float32))
        seen_before = jnp.concatenate(eparts)
        vf = jnp.where(ids >= 0, 1.0 - seen_before, 0.0)

        wf = w.astype(jnp.float32)
        uf = u.astype(jnp.float32)
        n_obj = jnp.sum(wf)
        n_nn = jnp.sum(vf)

        cgf = jnp.concatenate([cg_ref[0, :], cg_ref[1, :], cg_ref[2, :], cg_ref[3, :]])
        nn_sum = jnp.sum(vf * (-jnp.log(1.0 - clipv(cgf))))

        tx = mf_ref[0, :]
        ty = mf_ref[1, :]
        tw = jnp.log(mf_ref[2, :] + 1e-16)
        th = jnp.log(mf_ref[3, :] + 1e-16)
        cxg = mf_ref[4, :]
        cyg = mf_ref[5, :]
        wdg = mf_ref[6, :]
        htg = mf_ref[7, :]
        num_obj = jnp.sum(wf * ((cxg - tx) ** 2 + (cyg - ty) ** 2
                                + (wdg - tw) ** 2 + (htg - th) ** 2
                                - OBJECT_SCALE * jnp.log(clipv(cg_ref[0, :]))))

        rows = pr_ref[...]
        base = jnp.sum(wf * jnp.sum(-jnp.log(1.0 - clipv(rows)), axis=1))
        onehot = lax.broadcasted_iota(jnp.int32, (TPAD, C), 1) == lbl[:, None]
        psel = clipv(jnp.sum(jnp.where(onehot, rows, 0.0), axis=1))
        corr = jnp.sum(uf * (-jnp.log(psel) + jnp.log(1.0 - psel)))

        loss = (num_obj / jnp.maximum(n_obj, 1.0)
                + NOOBJECT_SCALE * (t_total - nn_sum) / jnp.maximum(TOT - n_nn, 1.0)
                + (base + corr) / jnp.maximum(n_obj * C, 1.0))
        out_ref[...] = jnp.reshape(loss, (1, 1))

    return tc_fn


def kernel(pred_boxes, pred_cls, anchors, center_x, center_y, width, height,
           confidence, targets):
    B, A, G, _ = center_x.shape
    C = pred_cls.shape[-1]
    N = targets.shape[0]
    TPAD = ((N + 15) // 16) * 16

    tg = jnp.pad(targets.T.astype(jnp.float32), ((0, 0), (0, TPAD - N))).reshape(-1)
    an = jnp.pad(anchors.reshape(-1).astype(jnp.float32), (0, 16 - 2 * A))
    sc_fn = _sc_gather_kernel(B, A, G, C, N, TPAD)
    mi, mf, cg, pr = sc_fn(tg, an, confidence.reshape(-1), center_x.reshape(-1),
                           center_y.reshape(-1), width.reshape(-1),
                           height.reshape(-1), pred_cls)
    mi = mi.reshape(5, TPAD)
    mf = mf.reshape(8, TPAD)
    cg = cg.reshape(4, TPAD)

    tot = B * A * G * G
    conf2d = confidence.reshape((tot // 128, 128) if tot % 128 == 0 else (1, tot))
    tc_fn = _tc_reduce_kernel(B, A, G, C, N, TPAD)
    out = pl.pallas_call(
        tc_fn,
        out_shape=jax.ShapeDtypeStruct((1, 1), jnp.float32),
    )(conf2d, mi, mf, cg, pr)
    return out[0, 0]

# --- scband reference (transcript-rebuilt; emitter-appended) ---
"""Pipeline reference for scband-yololoss-37855841747437 (READ-ONLY COPY).

The authoritative reference and input builder live on the scoring server;
editing this copy changes nothing except your own understanding.
"""

import jax, jax.numpy as jnp
import numpy as np

IGNORE_THRES = 0.5
OBJECT_SCALE = 1.0
NOOBJECT_SCALE = 100.0


def bbox_iou_xywh(box1, box2):
    b1_x1 = box1[:, 0] - box1[:, 2] / 2
    b1_x2 = box1[:, 0] + box1[:, 2] / 2
    b1_y1 = box1[:, 1] - box1[:, 3] / 2
    b1_y2 = box1[:, 1] + box1[:, 3] / 2
    b2_x1 = box2[:, 0] - box2[:, 2] / 2
    b2_x2 = box2[:, 0] + box2[:, 2] / 2
    b2_y1 = box2[:, 1] - box2[:, 3] / 2
    b2_y2 = box2[:, 1] + box2[:, 3] / 2
    iw = jnp.maximum(jnp.minimum(b1_x2, b2_x2) - jnp.maximum(b1_x1, b2_x1), 0.0)
    ih = jnp.maximum(jnp.minimum(b1_y2, b2_y2) - jnp.maximum(b1_y1, b2_y1), 0.0)
    inter = iw * ih
    area1 = (b1_x2 - b1_x1) * (b1_y2 - b1_y1)
    area2 = (b2_x2 - b2_x1) * (b2_y2 - b2_y1)
    return inter / (area1 + area2 - inter + 1e-16)


def build_targets(pred_boxes, pred_cls, target, anchors, ignore_thres):
    B, A, G = pred_boxes.shape[0], pred_boxes.shape[1], pred_boxes.shape[2]
    C = pred_cls.shape[-1]
    obj = jnp.zeros((B, A, G, G), dtype=bool)
    noobj = jnp.ones((B, A, G, G), dtype=bool)
    tx = jnp.zeros((B, A, G, G), dtype=jnp.float32)
    ty = jnp.zeros((B, A, G, G), dtype=jnp.float32)
    tw = jnp.zeros((B, A, G, G), dtype=jnp.float32)
    th = jnp.zeros((B, A, G, G), dtype=jnp.float32)
    tcls = jnp.zeros((B, A, G, G, C), dtype=jnp.float32)
    cmask = jnp.zeros((B, A, G, G), dtype=jnp.float32)
    iou_scores = jnp.zeros((B, A, G, G), dtype=jnp.float32)

    tb = target[:, 2:6] * G
    gxy = tb[:, :2]
    gwh = tb[:, 2:]
    # wh IoU between each anchor and each gt box: [A, N]
    inter = jnp.minimum(anchors[:, 0][:, None], gwh[:, 0][None, :]) * \
            jnp.minimum(anchors[:, 1][:, None], gwh[:, 1][None, :])
    union = (anchors[:, 0] * anchors[:, 1])[:, None] + 1e-16 + \
            (gwh[:, 0] * gwh[:, 1])[None, :] - inter
    ious = inter / union
    best_n = jnp.argmax(ious, axis=0)

    b = target[:, 0].astype(jnp.int32)
    labels = target[:, 1].astype(jnp.int32)
    gx, gy = gxy[:, 0], gxy[:, 1]
    gw, gh = gwh[:, 0], gwh[:, 1]
    gi = jnp.clip(gx.astype(jnp.int32), 0, G - 1)
    gj = jnp.clip(gy.astype(jnp.int32), 0, G - 1)

    obj = obj.at[b, best_n, gj, gi].set(True)
    noobj = noobj.at[b, best_n, gj, gi].set(False)
    for a in range(A):
        gj_m = jnp.where(ious[a] > ignore_thres, gj, G)  # OOB -> dropped
        noobj = noobj.at[b, a, gj_m, gi].set(False, mode='drop')

    tx = tx.at[b, best_n, gj, gi].set(gx - jnp.floor(gx))
    ty = ty.at[b, best_n, gj, gi].set(gy - jnp.floor(gy))
    tw = tw.at[b, best_n, gj, gi].set(jnp.log(gw / anchors[best_n, 0] + 1e-16))
    th = th.at[b, best_n, gj, gi].set(jnp.log(gh / anchors[best_n, 1] + 1e-16))
    tcls = tcls.at[b, best_n, gj, gi, labels].set(1.0)

    pc = pred_cls[b, best_n, gj, gi]
    cmask = cmask.at[b, best_n, gj, gi].set(
        (jnp.argmax(pc, axis=-1) == labels).astype(jnp.float32))
    pb = pred_boxes[b, best_n, gj, gi]
    iou_scores = iou_scores.at[b, best_n, gj, gi].set(bbox_iou_xywh(pb, tb))

    tconf = obj.astype(jnp.float32)
    return iou_scores, cmask, obj, noobj, tx, ty, tw, th, tcls, tconf


def masked_mse(pred, tgt, mask):
    m = mask.astype(jnp.float32)
    return jnp.sum(((pred - tgt) ** 2) * m) / jnp.maximum(jnp.sum(m), 1.0)


def masked_bce(p, t, mask):
    p = jnp.clip(p, 1e-7, 1.0 - 1e-7)
    bce = -(t * jnp.log(p) + (1.0 - t) * jnp.log(1.0 - p))
    m = mask.astype(jnp.float32)
    while m.ndim < bce.ndim:
        m = m[..., None]
    m = jnp.broadcast_to(m, bce.shape)
    return jnp.sum(bce * m) / jnp.maximum(jnp.sum(m), 1.0)


def reference(pred_boxes, pred_cls, anchors, center_x, center_y, width, height, confidence, targets):
    (iou_scores, class_mask, obj, noobj, tx, ty, tw, th, tcls,
     tconf) = build_targets(pred_boxes, pred_cls, targets, anchors, IGNORE_THRES)
    loss_x = masked_mse(center_x, tx, obj)
    loss_y = masked_mse(center_y, ty, obj)
    loss_w = masked_mse(width, tw, obj)
    loss_h = masked_mse(height, th, obj)
    loss_conf_obj = masked_bce(confidence, tconf, obj)
    loss_conf_noobj = masked_bce(confidence, tconf, noobj)
    loss_conf = OBJECT_SCALE * loss_conf_obj + NOOBJECT_SCALE * loss_conf_noobj
    loss_cls = masked_bce(pred_cls, tcls, obj)
    return loss_x + loss_y + loss_w + loss_h + loss_conf + loss_cls


def setup_inputs(seed: int = 0) -> dict:
    key = jax.random.key(seed)
    ks = jax.random.split(key, 12)
    B, A, G, C, N = 16, 3, 52, 80, 300
    pred_boxes = jax.random.uniform(ks[0], (B, A, G, G, 4), dtype=jnp.float32) * \
        jnp.array([G, G, 8.0, 8.0], dtype=jnp.float32)
    pred_cls = jax.random.uniform(ks[1], (B, A, G, G, C), minval=0.01, maxval=0.99, dtype=jnp.float32)
    anchors = jnp.array([[1.25, 1.625], [2.0, 3.75], [4.125, 2.875]], dtype=jnp.float32)
    center_x = jax.random.uniform(ks[2], (B, A, G, G), minval=0.01, maxval=0.99, dtype=jnp.float32)
    center_y = jax.random.uniform(ks[3], (B, A, G, G), minval=0.01, maxval=0.99, dtype=jnp.float32)
    width = jax.random.normal(ks[4], (B, A, G, G), dtype=jnp.float32) * 0.5
    height = jax.random.normal(ks[5], (B, A, G, G), dtype=jnp.float32) * 0.5
    confidence = jax.random.uniform(ks[6], (B, A, G, G), minval=0.01, maxval=0.99, dtype=jnp.float32)
    sample = jax.random.randint(ks[7], (N,), 0, B).astype(jnp.float32)
    label = jax.random.randint(ks[8], (N,), 0, C).astype(jnp.float32)
    xy = jax.random.uniform(ks[9], (N, 2), minval=0.02, maxval=0.98, dtype=jnp.float32)
    wh = jax.random.uniform(ks[10], (N, 2), minval=0.02, maxval=0.30, dtype=jnp.float32)
    targets = jnp.concatenate([sample[:, None], label[:, None], xy, wh], axis=1)
    return {"pred_boxes": pred_boxes, "pred_cls": pred_cls, "anchors": anchors,
            "center_x": center_x, "center_y": center_y, "width": width,
            "height": height, "confidence": confidence, "targets": targets}

if __name__ == "__main__":
    import jax
    _d = setup_inputs()
    print(jax.jit(kernel)(*tuple(_d.values())))

</pallas_src>

<mosaic_0001>
#map = affine_map<(d0, d1) -> (0)>
#map1 = affine_map<(d0, d1) -> (0, 0, 0, 0, 0)>
#map2 = affine_map<(d0, d1) -> (0, 0)>
module attributes {stable_mosaic.version = 14 : i64} {
  func.func @sc_fn(%arg0: i32, %arg1: i32, %arg2: memref<1824xf32, #tpu.memory_space<hbm>>, %arg3: memref<16xf32, #tpu.memory_space<hbm>>, %arg4: memref<129792xf32, #tpu.memory_space<hbm>>, %arg5: memref<129792xf32, #tpu.memory_space<hbm>>, %arg6: memref<129792xf32, #tpu.memory_space<hbm>>, %arg7: memref<129792xf32, #tpu.memory_space<hbm>>, %arg8: memref<129792xf32, #tpu.memory_space<hbm>>, %arg9: memref<16x3x52x52x80xf32, #tpu.memory_space<hbm>>, %arg10: memref<1520xi32, #tpu.memory_space<hbm>>, %arg11: memref<2432xf32, #tpu.memory_space<hbm>>, %arg12: memref<1216xf32, #tpu.memory_space<hbm>>, %arg13: memref<304x80xf32, #tpu.memory_space<hbm>>, %arg14: memref<6x16xf32, #tpu.memory_space<vmem>>, %arg15: memref<16xf32, #tpu.memory_space<vmem>>, %arg16: memref<4x16xi32, #tpu.memory_space<vmem>>, %arg17: memref<5x16xi32, #tpu.memory_space<vmem>>, %arg18: memref<8x16xf32, #tpu.memory_space<vmem>>, %arg19: memref<4x16xf32, #tpu.memory_space<vmem>>, %arg20: memref<16x80xf32, #tpu.memory_space<vmem>>, %arg21: memref<!tpu.dma_semaphore, #tpu.memory_space<semaphore_mem>>) attributes {dimension_semantics = [#tpu.dimension_semantics<core_parallel>, #tpu.dimension_semantics<subcore_parallel>], iteration_bounds = array<i64: 2, 16>, scalar_prefetch = 0 : i64, scratch_operands = 8 : i64, tpu.core_type = #tpu.core_type<sc_vector_subcore>, window_params = [{transform_indices = #map}, {transform_indices = #map}, {transform_indices = #map}, {transform_indices = #map}, {transform_indices = #map}, {transform_indices = #map}, {transform_indices = #map}, {transform_indices = #map1}, {transform_indices = #map}, {transform_indices = #map}, {transform_indices = #map}, {transform_indices = #map2}]} {
    %mul3A = arith.constant 2 : i32
    %mul3A_0 = arith.muli %arg1, %mul3A : i32
    %add3A = arith.addi %mul3A_0, %arg0 : i32
    %lt3A = arith.constant 19 : i32
    %lt3A_1 = arith.cmpi slt, %add3A, %lt3A : i32
    %convert_element_type3A = arith.extui %lt3A_1 : i1 to i32
    %cond3A = arith.constant 0 : i32
    %cond3A_2 = arith.cmpi ne, %convert_element_type3A, %cond3A : i32
    scf.if %cond3A_2 {
      %mul3A_3 = arith.constant 16 : i32
      %mul3A_4 = arith.muli %add3A, %mul3A_3 : i32
      %add3A_5 = arith.constant 0 : i32
      %add3A_6 = arith.addi %add3A_5, %mul3A_4 : i32
      %dma_start3A = arith.constant 0 : i32
      %dma_start3A_7 = arith.constant 0 : i32
      %dma_start3A_8 = tpu.memref_slice %arg14[%dma_start3A, %dma_start3A_7] : memref<6x16xf32, #tpu.memory_space<vmem>> -> memref<1x16xf32, #tpu.memory_space<vmem>>
      %dma_start3A_9 = tpu.memref_squeeze %dma_start3A_8 : memref<1x16xf32, #tpu.memory_space<vmem>> -> memref<16xf32, #tpu.memory_space<vmem>>
      %dma_start3A_10 = tpu.memref_slice %arg2[%add3A_6] : memref<1824xf32, #tpu.memory_space<hbm>> -> memref<16xf32, #tpu.memory_space<hbm>>
      %dma_start3A_11 = arith.constant 0 : i32
      %dma_start3A_12 = tpu.memref_slice %arg14[%dma_start3A, %dma_start3A_11] : memref<6x16xf32, #tpu.memory_space<vmem>> -> memref<1x16xf32, #tpu.memory_space<vmem>>
      %dma_start3A_13 = tpu.memref_squeeze %dma_start3A_12 : memref<1x16xf32, #tpu.memory_space<vmem>> -> memref<16xf32, #tpu.memory_space<vmem>>
      %dma_start3A_14 = tpu.memref_slice %arg2[%add3A_6] : memref<1824xf32, #tpu.memory_space<hbm>> -> memref<16xf32, #tpu.memory_space<hbm>>
      tpu.enqueue_dma source(%dma_start3A_14 : memref<16xf32, #tpu.memory_space<hbm>>) target(%dma_start3A_13 : memref<16xf32, #tpu.memory_space<vmem>>) target_semaphore(%arg21 : memref<!tpu.dma_semaphore, #tpu.memory_space<semaphore_mem>>)
      %add3A_15 = arith.constant 304 : i32
      %add3A_16 = arith.addi %add3A_15, %mul3A_4 : i32
      %dma_start3A_17 = arith.constant 1 : i32
      %dma_start3A_18 = arith.constant 0 : i32
      %dma_start3A_19 = tpu.memref_slice %arg14[%dma_start3A_17, %dma_start3A_18] : memref<6x16xf32, #tpu.memory_space<vmem>> -> memref<1x16xf32, #tpu.memory_space<vmem>>
      %dma_start3A_20 = tpu.memref_squeeze %dma_start3A_19 : memref<1x16xf32, #tpu.memory_space<vmem>> -> memref<16xf32, #tpu.memory_space<vmem>>
      %dma_start3A_21 = tpu.memref_slice %arg2[%add3A_16] : memref<1824xf32, #tpu.memory_space<hbm>> -> memref<16xf32, #tpu.memory_space<hbm>>
      %dma_start3A_22 = arith.constant 0 : i32
      %dma_start3A_23 = tpu.memref_slice %arg14[%dma_start3A_17, %dma_start3A_22] : memref<6x16xf32, #tpu.memory_space<vmem>> -> memref<1x16xf32, #tpu.memory_space<vmem>>
      %dma_start3A_24 = tpu.memref_squeeze %dma_start3A_23 : memref<1x16xf32, #tpu.memory_space<vmem>> -> memref<16xf32, #tpu.memory_space<vmem>>
      %dma_start3A_25 = tpu.memref_slice %arg2[%add3A_16] : memref<1824xf32, #tpu.memory_space<hbm>> -> memref<16xf32, #tpu.memory_space<hbm>>
      tpu.enqueue_dma source(%dma_start3A_25 : memref<16xf32, #tpu.memory_space<hbm>>) target(%dma_start3A_24 : memref<16xf32, #tpu.memory_space<vmem>>) target_semaphore(%arg21 : memref<!tpu.dma_semaphore, #tpu.memory_space<semaphore_mem>>)
      %add3A_26 = arith.constant 608 : i32
      %add3A_27 = arith.addi %add3A_26, %mul3A_4 : i32
      %dma_start3A_28 = arith.constant 2 : i32
      %dma_start3A_29 = arith.constant 0 : i32
      %dma_start3A_30 = tpu.memref_slice %arg14[%dma_start3A_28, %dma_start3A_29] : memref<6x16xf32, #tpu.memory_space<vmem>> -> memref<1x16xf32, #tpu.memory_space<vmem>>
      %dma_start3A_31 = tpu.memref_squeeze %dma_start3A_30 : memref<1x16xf32, #tpu.memory_space<vmem>> -> memref<16xf32, #tpu.memory_space<vmem>>
      %dma_start3A_32 = tpu.memref_slice %arg2[%add3A_27] : memref<1824xf32, #tpu.memory_space<hbm>> -> memref<16xf32, #tpu.memory_space<hbm>>
      %dma_start3A_33 = arith.constant 0 : i32
      %dma_start3A_34 = tpu.memref_slice %arg14[%dma_start3A_28, %dma_start3A_33] : memref<6x16xf32, #tpu.memory_space<vmem>> -> memref<1x16xf32, #tpu.memory_space<vmem>>
      %dma_start3A_35 = tpu.memref_squeeze %dma_start3A_34 : memref<1x16xf32, #tpu.memory_space<vmem>> -> memref<16xf32, #tpu.memory_space<vmem>>
      %dma_start3A_36 = tpu.memref_slice %arg2[%add3A_27] : memref<1824xf32, #tpu.memory_space<hbm>> -> memref<16xf32, #tpu.memory_space<hbm>>
      tpu.enqueue_dma source(%dma_start3A_36 : memref<16xf32, #tpu.memory_space<hbm>>) target(%dma_start3A_35 : memref<16xf32, #tpu.memory_space<vmem>>) target_semaphore(%arg21 : memref<!tpu.dma_semaphore, #tpu.memory_space<semaphore_mem>>)
      %add3A_37 = arith.constant 912 : i32
      %add3A_38 = arith.addi %add3A_37, %mul3A_4 : i32
      %dma_start3A_39 = arith.constant 3 : i32
      %dma_start3A_40 = arith.constant 0 : i32
      %dma_start3A_41 = tpu.memref_slice %arg14[%dma_start3A_39, %dma_start3A_40] : memref<6x16xf32, #tpu.memory_space<vmem>> -> memref<1x16xf32, #tpu.memory_space<vmem>>
      %dma_start3A_42 = tpu.memref_squeeze %dma_start3A_41 : memref<1x16xf32, #tpu.memory_space<vmem>> -> memref<16xf32, #tpu.memory_space<vmem>>
      %dma_start3A_43 = tpu.memref_slice %arg2[%add3A_38] : memref<1824xf32, #tpu.memory_space<hbm>> -> memref<16xf32, #tpu.memory_space<hbm>>
      %dma_start3A_44 = arith.constant 0 : i32
      %dma_start3A_45 = tpu.memref_slice %arg14[%dma_start3A_39, %dma_start3A_44] : memref<6x16xf32, #tpu.memory_space<vmem>> -> memref<1x16xf32, #tpu.memory_space<vmem>>
      %dma_start3A_46 = tpu.memref_squeeze %dma_start3A_45 : memref<1x16xf32, #tpu.memory_space<vmem>> -> memref<16xf32, #tpu.memory_space<vmem>>
      %dma_start3A_47 = tpu.memref_slice %arg2[%add3A_38] : memref<1824xf32, #tpu.memory_space<hbm>> -> memref<16xf32, #tpu.memory_space<hbm>>
      tpu.enqueue_dma source(%dma_start3A_47 : memref<16xf32, #tpu.memory_space<hbm>>) target(%dma_start3A_46 : memref<16xf32, #tpu.memory_space<vmem>>) target_semaphore(%arg21 : memref<!tpu.dma_semaphore, #tpu.memory_space<semaphore_mem>>)
      %add3A_48 = arith.constant 1216 : i32
      %add3A_49 = arith.addi %add3A_48, %mul3A_4 : i32
      %dma_start3A_50 = arith.constant 4 : i32
      %dma_start3A_51 = arith.constant 0 : i32
      %dma_start3A_52 = tpu.memref_slice %arg14[%dma_start3A_50, %dma_start3A_51] : memref<6x16xf32, #tpu.memory_space<vmem>> -> memref<1x16xf32, #tpu.memory_space<vmem>>
      %dma_start3A_53 = tpu.memref_squeeze %dma_start3A_52 : memref<1x16xf32, #tpu.memory_space<vmem>> -> memref<16xf32, #tpu.memory_space<vmem>>
      %dma_start3A_54 = tpu.memref_slice %arg2[%add3A_49] : memref<1824xf32, #tpu.memory_space<hbm>> -> memref<16xf32, #tpu.memory_space<hbm>>
      %dma_start3A_55 = arith.constant 0 : i32
      %dma_start3A_56 = tpu.memref_slice %arg14[%dma_start3A_50, %dma_start3A_55] : memref<6x16xf32, #tpu.memory_space<vmem>> -> memref<1x16xf32, #tpu.memory_space<vmem>>
      %dma_start3A_57 = tpu.memref_squeeze %dma_start3A_56 : memref<1x16xf32, #tpu.memory_space<vmem>> -> memref<16xf32, #tpu.memory_space<vmem>>
      %dma_start3A_58 = tpu.memref_slice %arg2[%add3A_49] : memref<1824xf32, #tpu.memory_space<hbm>> -> memref<16xf32, #tpu.memory_space<hbm>>
      tpu.enqueue_dma source(%dma_start3A_58 : memref<16xf32, #tpu.memory_space<hbm>>) target(%dma_start3A_57 : memref<16xf32, #tpu.memory_space<vmem>>) target_semaphore(%arg21 : memref<!tpu.dma_semaphore, #tpu.memory_space<semaphore_mem>>)
      %add3A_59 = arith.constant 1520 : i32
      %add3A_60 = arith.addi %add3A_59, %mul3A_4 : i32
      %dma_start3A_61 = arith.constant 5 : i32
      %dma_start3A_62 = arith.constant 0 : i32
      %dma_start3A_63 = tpu.memref_slice %arg14[%dma_start3A_61, %dma_start3A_62] : memref<6x16xf32, #tpu.memory_space<vmem>> -> memref<1x16xf32, #tpu.memory_space<vmem>>
      %dma_start3A_64 = tpu.memref_squeeze %dma_start3A_63 : memref<1x16xf32, #tpu.memory_space<vmem>> -> memref<16xf32, #tpu.memory_space<vmem>>
      %dma_start3A_65 = tpu.memref_slice %arg2[%add3A_60] : memref<1824xf32, #tpu.memory_space<hbm>> -> memref<16xf32, #tpu.memory_space<hbm>>
      %dma_start3A_66 = arith.constant 0 : i32
      %dma_start3A_67 = tpu.memref_slice %arg14[%dma_start3A_61, %dma_start3A_66] : memref<6x16xf32, #tpu.memory_space<vmem>> -> memref<1x16xf32, #tpu.memory_space<vmem>>
      %dma_start3A_68 = tpu.memref_squeeze %dma_start3A_67 : memref<1x16xf32, #tpu.memory_space<vmem>> -> memref<16xf32, #tpu.memory_space<vmem>>
      %dma_start3A_69 = tpu.memref_slice %arg2[%add3A_60] : memref<1824xf32, #tpu.memory_space<hbm>> -> memref<16xf32, #tpu.memory_space<hbm>>
      tpu.enqueue_dma source(%dma_start3A_69 : memref<16xf32, #tpu.memory_space<hbm>>) target(%dma_start3A_68 : memref<16xf32, #tpu.memory_space<vmem>>) target_semaphore(%arg21 : memref<!tpu.dma_semaphore, #tpu.memory_space<semaphore_mem>>)
      tpu.enqueue_dma source(%arg3 : memref<16xf32, #tpu.memory_space<hbm>>) target(%arg15 : memref<16xf32, #tpu.memory_space<vmem>>) target_semaphore(%arg21 : memref<!tpu.dma_semaphore, #tpu.memory_space<semaphore_mem>>)
      %dma_wait3A = arith.constant 0 : i32
      %dma_wait3A_70 = arith.constant 0 : i32
      %dma_wait3A_71 = tpu.memref_slice %arg14[%dma_wait3A, %dma_wait3A_70] : memref<6x16xf32, #tpu.memory_space<vmem>> -> memref<1x16xf32, #tpu.memory_space<vmem>>
      %dma_wait3A_72 = tpu.memref_squeeze %dma_wait3A_71 : memref<1x16xf32, #tpu.memory_space<vmem>> -> memref<16xf32, #tpu.memory_space<vmem>>
      %dma_wait3A_73 = tpu.memref_slice %arg2[%add3A_6] : memref<1824xf32, #tpu.memory_space<hbm>> -> memref<16xf32, #tpu.memory_space<hbm>>
      %dma_wait3A_74 = arith.constant 0 : i32
      %dma_wait3A_75 = tpu.memref_slice %arg14[%dma_wait3A, %dma_wait3A_74] : memref<6x16xf32, #tpu.memory_space<vmem>> -> memref<1x16xf32, #tpu.memory_space<vmem>>
      %dma_wait3A_76 = tpu.memref_squeeze %dma_wait3A_75 : memref<1x16xf32, #tpu.memory_space<vmem>> -> memref<16xf32, #tpu.memory_space<vmem>>
      %dma_wait3A_77 = tpu.memref_slice %arg2[%add3A_6] : memref<1824xf32, #tpu.memory_space<hbm>> -> memref<16xf32, #tpu.memory_space<hbm>>
      tpu.wait_dma2 semaphore(%arg21 : memref<!tpu.dma_semaphore, #tpu.memory_space<semaphore_mem>>) src(%dma_wait3A_77 : memref<16xf32, #tpu.memory_space<hbm>>) dst(%dma_wait3A_76 : memref<16xf32, #tpu.memory_space<vmem>>)
      %dma_wait3A_78 = arith.constant 1 : i32
      %dma_wait3A_79 = arith.constant 0 : i32
      %dma_wait3A_80 = tpu.memref_slice %arg14[%dma_wait3A_78, %dma_wait3A_79] : memref<6x16xf32, #tpu.memory_space<vmem>> -> memref<1x16xf32, #tpu.memory_space<vmem>>
      %dma_wait3A_81 = tpu.memref_squeeze %dma_wait3A_80 : memref<1x16xf32, #tpu.memory_space<vmem>> -> memref<16xf32, #tpu.memory_space<vmem>>
      %dma_wait3A_82 = tpu.memref_slice %arg2[%add3A_16] : memref<1824xf32, #tpu.memory_space<hbm>> -> memref<16xf32, #tpu.memory_space<hbm>>
      %dma_wait3A_83 = arith.constant 0 : i32
      %dma_wait3A_84 = tpu.memref_slice %arg14[%dma_wait3A_78, %dma_wait3A_83] : memref<6x16xf32, #tpu.memory_space<vmem>> -> memref<1x16xf32, #tpu.memory_space<vmem>>
      %dma_wait3A_85 = tpu.memref_squeeze %dma_wait3A_84 : memref<1x16xf32, #tpu.memory_space<vmem>> -> memref<16xf32, #tpu.memory_space<vmem>>
      %dma_wait3A_86 = tpu.memref_slice %arg2[%add3A_16] : memref<1824xf32, #tpu.memory_space<hbm>> -> memref<16xf32, #tpu.memory_space<hbm>>
      tpu.wait_dma2 semaphore(%arg21 : memref<!tpu.dma_semaphore, #tpu.memory_space<semaphore_mem>>) src(%dma_wait3A_86 : memref<16xf32, #tpu.memory_space<hbm>>) dst(%dma_wait3A_85 : memref<16xf32, #tpu.memory_space<vmem>>)
      %dma_wait3A_87 = arith.constant 2 : i32
      %dma_wait3A_88 = arith.constant 0 : i32
      %dma_wait3A_89 = tpu.memref_slice %arg14[%dma_wait3A_87, %dma_wait3A_88] : memref<6x16xf32, #tpu.memory_space<vmem>> -> memref<1x16xf32, #tpu.memory_space<vmem>>
      %dma_wait3A_90 = tpu.memref_squeeze %dma_wait3A_89 : memref<1x16xf32, #tpu.memory_space<vmem>> -> memref<16xf32, #tpu.memory_space<vmem>>
      %dma_wait3A_91 = tpu.memref_slice %arg2[%add3A_27] : memref<1824xf32, #tpu.memory_space<hbm>> -> memref<16xf32, #tpu.memory_space<hbm>>
      %dma_wait3A_92 = arith.constant 0 : i32
      %dma_wait3A_93 = tpu.memref_slice %arg14[%dma_wait3A_87, %dma_wait3A_92] : memref<6x16xf32, #tpu.memory_space<vmem>> -> memref<1x16xf32, #tpu.memory_space<vmem>>
      %dma_wait3A_94 = tpu.memref_squeeze %dma_wait3A_93 : memref<1x16xf32, #tpu.memory_space<vmem>> -> memref<16xf32, #tpu.memory_space<vmem>>
      %dma_wait3A_95 = tpu.memref_slice %arg2[%add3A_27] : memref<1824xf32, #tpu.memory_space<hbm>> -> memref<16xf32, #tpu.memory_space<hbm>>
      tpu.wait_dma2 semaphore(%arg21 : memref<!tpu.dma_semaphore, #tpu.memory_space<semaphore_mem>>) src(%dma_wait3A_95 : memref<16xf32, #tpu.memory_space<hbm>>) dst(%dma_wait3A_94 : memref<16xf32, #tpu.memory_space<vmem>>)
      %dma_wait3A_96 = arith.constant 3 : i32
      %dma_wait3A_97 = arith.constant 0 : i32
      %dma_wait3A_98 = tpu.memref_slice %arg14[%dma_wait3A_96, %dma_wait3A_97] : memref<6x16xf32, #tpu.memory_space<vmem>> -> memref<1x16xf32, #tpu.memory_space<vmem>>
      %dma_wait3A_99 = tpu.memref_squeeze %dma_wait3A_98 : memref<1x16xf32, #tpu.memory_space<vmem>> -> memref<16xf32, #tpu.memory_space<vmem>>
      %dma_wait3A_100 = tpu.memref_slice %arg2[%add3A_38] : memref<1824xf32, #tpu.memory_space<hbm>> -> memref<16xf32, #tpu.memory_space<hbm>>
      %dma_wait3A_101 = arith.constant 0 : i32
      %dma_wait3A_102 = tpu.memref_slice %arg14[%dma_wait3A_96, %dma_wait3A_101] : memref<6x16xf32, #tpu.memory_space<vmem>> -> memref<1x16xf32, #tpu.memory_space<vmem>>
      %dma_wait3A_103 = tpu.memref_squeeze %dma_wait3A_102 : memref<1x16xf32, #tpu.memory_space<vmem>> -> memref<16xf32, #tpu.memory_space<vmem>>
      %dma_wait3A_104 = tpu.memref_slice %arg2[%add3A_38] : memref<1824xf32, #tpu.memory_space<hbm>> -> memref<16xf32, #tpu.memory_space<hbm>>
      tpu.wait_dma2 semaphore(%arg21 : memref<!tpu.dma_semaphore, #tpu.memory_space<semaphore_mem>>) src(%dma_wait3A_104 : memref<16xf32, #tpu.memory_space<hbm>>) dst(%dma_wait3A_103 : memref<16xf32, #tpu.memory_space<vmem>>)
      %dma_wait3A_105 = arith.constant 4 : i32
      %dma_wait3A_106 = arith.constant 0 : i32
      %dma_wait3A_107 = tpu.memref_slice %arg14[%dma_wait3A_105, %dma_wait3A_106] : memref<6x16xf32, #tpu.memory_space<vmem>> -> memref<1x16xf32, #tpu.memory_space<vmem>>
      %dma_wait3A_108 = tpu.memref_squeeze %dma_wait3A_107 : memref<1x16xf32, #tpu.memory_space<vmem>> -> memref<16xf32, #tpu.memory_space<vmem>>
      %dma_wait3A_109 = tpu.memref_slice %arg2[%add3A_49] : memref<1824xf32, #tpu.memory_space<hbm>> -> memref<16xf32, #tpu.memory_space<hbm>>
      %dma_wait3A_110 = arith.constant 0 : i32
      %dma_wait3A_111 = tpu.memref_slice %arg14[%dma_wait3A_105, %dma_wait3A_110] : memref<6x16xf32, #tpu.memory_space<vmem>> -> memref<1x16xf32, #tpu.memory_space<vmem>>
      %dma_wait3A_112 = tpu.memref_squeeze %dma_wait3A_111 : memref<1x16xf32, #tpu.memory_space<vmem>> -> memref<16xf32, #tpu.memory_space<vmem>>
      %dma_wait3A_113 = tpu.memref_slice %arg2[%add3A_49] : memref<1824xf32, #tpu.memory_space<hbm>> -> memref<16xf32, #tpu.memory_space<hbm>>
      tpu.wait_dma2 semaphore(%arg21 : memref<!tpu.dma_semaphore, #tpu.memory_space<semaphore_mem>>) src(%dma_wait3A_113 : memref<16xf32, #tpu.memory_space<hbm>>) dst(%dma_wait3A_112 : memref<16xf32, #tpu.memory_space<vmem>>)
      %dma_wait3A_114 = arith.constant 5 : i32
      %dma_wait3A_115 = arith.constant 0 : i32
      %dma_wait3A_116 = tpu.memref_slice %arg14[%dma_wait3A_114, %dma_wait3A_115] : memref<6x16xf32, #tpu.memory_space<vmem>> -> memref<1x16xf32, #tpu.memory_space<vmem>>
      %dma_wait3A_117 = tpu.memref_squeeze %dma_wait3A_116 : memref<1x16xf32, #tpu.memory_space<vmem>> -> memref<16xf32, #tpu.memory_space<vmem>>
      %dma_wait3A_118 = tpu.memref_slice %arg2[%add3A_60] : memref<1824xf32, #tpu.memory_space<hbm>> -> memref<16xf32, #tpu.memory_space<hbm>>
      %dma_wait3A_119 = arith.constant 0 : i32
      %dma_wait3A_120 = tpu.memref_slice %arg14[%dma_wait3A_114, %dma_wait3A_119] : memref<6x16xf32, #tpu.memory_space<vmem>> -> memref<1x16xf32, #tpu.memory_space<vmem>>
      %dma_wait3A_121 = tpu.memref_squeeze %dma_wait3A_120 : memref<1x16xf32, #tpu.memory_space<vmem>> -> memref<16xf32, #tpu.memory_space<vmem>>
      %dma_wait3A_122 = tpu.memref_slice %arg2[%add3A_60] : memref<1824xf32, #tpu.memory_space<hbm>> -> memref<16xf32, #tpu.memory_space<hbm>>
      tpu.wait_dma2 semaphore(%arg21 : memref<!tpu.dma_semaphore, #tpu.memory_space<semaphore_mem>>) src(%dma_wait3A_122 : memref<16xf32, #tpu.memory_space<hbm>>) dst(%dma_wait3A_121 : memref<16xf32, #tpu.memory_space<vmem>>)
      tpu.wait_dma2 semaphore(%arg21 : memref<!tpu.dma_semaphore, #tpu.memory_space<semaphore_mem>>) src(%arg3 : memref<16xf32, #tpu.memory_space<hbm>>) dst(%arg15 : memref<16xf32, #tpu.memory_space<vmem>>)
      %iota3A = tpu.iota {dimensions = array<i32: 0>} : vector<16xi32>
      %add3A_123 = vector.broadcast %mul3A_4 : i32 to vector<16xi32>
      %add3A_124 = arith.addi %iota3A, %add3A_123 : vector<16xi32>
      %lt3A_125 = arith.constant 300 : i32
      %lt3A_126 = vector.broadcast %lt3A_125 : i32 to vector<16xi32>
      %lt3A_127 = arith.cmpi slt, %add3A_124, %lt3A_126 : vector<16xi32>
      %get3A = arith.constant 0 : i32
      %get3A_128 = arith.index_cast %get3A : i32 to index
      %get3A_129 = arith.constant 0 : index
      %get3A_130 = tpu.vector_load %arg14[%get3A_128, %get3A_129] {strides = array<i32>} : memref<6x16xf32, #tpu.memory_space<vmem>>, vector<16xf32>,
      %get3A_131 = arith.constant 1 : i32
      %get3A_132 = arith.index_cast %get3A_131 : i32 to index
      %get3A_133 = arith.constant 0 : index
      %get3A_134 = tpu.vector_load %arg14[%get3A_132, %get3A_133] {strides = array<i32>} : memref<6x16xf32, #tpu.memory_space<vmem>>, vector<16xf32>,
      %get3A_135 = arith.constant 2 : i32
      %get3A_136 = arith.index_cast %get3A_135 : i32 to index
      %get3A_137 = arith.constant 0 : index
      %get3A_138 = tpu.vector_load %arg14[%get3A_136, %get3A_137] {strides = array<i32>} : memref<6x16xf32, #tpu.memory_space<vmem>>, vector<16xf32>,
      %mul3A_139 = arith.constant 5.200000e+01 : f32
      %mul3A_140 = vector.broadcast %mul3A_139 : f32 to vector<16xf32>
      %mul3A_141 = arith.mulf %get3A_138, %mul3A_140 : vector<16xf32>
      %get3A_142 = arith.constant 3 : i32
      %get3A_143 = arith.index_cast %get3A_142 : i32 to index
      %get3A_144 = arith.constant 0 : index
      %get3A_145 = tpu.vector_load %arg14[%get3A_143, %get3A_144] {strides = array<i32>} : memref<6x16xf32, #tpu.memory_space<vmem>>, vector<16xf32>,
      %mul3A_146 = arith.constant 5.200000e+01 : f32
      %mul3A_147 = vector.broadcast %mul3A_146 : f32 to vector<16xf32>
      %mul3A_148 = arith.mulf %get3A_145, %mul3A_147 : vector<16xf32>
      %get3A_149 = arith.constant 4 : i32
      %get3A_150 = arith.index_cast %get3A_149 : i32 to index
      %get3A_151 = arith.constant 0 : index
      %get3A_152 = tpu.vector_load %arg14[%get3A_150, %get3A_151] {strides = array<i32>} : memref<6x16xf32, #tpu.memory_space<vmem>>, vector<16xf32>,
      %mul3A_153 = arith.constant 5.200000e+01 : f32
      %mul3A_154 = vector.broadcast %mul3A_153 : f32 to vector<16xf32>
      %mul3A_155 = arith.mulf %get3A_152, %mul3A_154 : vector<16xf32>
      %get3A_156 = arith.constant 5 : i32
      %get3A_157 = arith.index_cast %get3A_156 : i32 to index
      %get3A_158 = arith.constant 0 : index
      %get3A_159 = tpu.vector_load %arg14[%get3A_157, %get3A_158] {strides = array<i32>} : memref<6x16xf32, #tpu.memory_space<vmem>>, vector<16xf32>,
      %mul3A_160 = arith.constant 5.200000e+01 : f32
      %mul3A_161 = vector.broadcast %mul3A_160 : f32 to vector<16xf32>
      %mul3A_162 = arith.mulf %get3A_159, %mul3A_161 : vector<16xf32>
      %convert_element_type3A_163 = arith.fptosi %get3A_130 : vector<16xf32> to vector<16xi32>
      %convert_element_type3A_164 = arith.fptosi %get3A_134 : vector<16xf32> to vector<16xi32>
      %convert_element_type3A_165 = arith.fptosi %mul3A_141 : vector<16xf32> to vector<16xi32>
      %convert_element_type3A_166 = arith.fptosi %mul3A_148 : vector<16xf32> to vector<16xi32>
      %jit3A = arith.constant 0 : i32
      %jit3A_167 = arith.constant 51 : i32
      %max3A = vector.broadcast %jit3A : i32 to vector<16xi32>
      %max3A_168 = arith.maxsi %max3A, %convert_element_type3A_165 : vector<16xi32>
      %min3A = vector.broadcast %jit3A_167 : i32 to vector<16xi32>
      %min3A_169 = arith.minsi %min3A, %max3A_168 : vector<16xi32>
      %jit3A_170 = arith.constant 0 : i32
      %jit3A_171 = arith.constant 51 : i32
      %max3A_172 = vector.broadcast %jit3A_170 : i32 to vector<16xi32>
      %max3A_173 = arith.maxsi %max3A_172, %convert_element_type3A_166 : vector<16xi32>
      %min3A_174 = vector.broadcast %jit3A_171 : i32 to vector<16xi32>
      %min3A_175 = arith.minsi %min3A_174, %max3A_173 : vector<16xi32>
      %convert_element_type3A_176 = arith.sitofp %convert_element_type3A_165 : vector<16xi32> to vector<16xf32>
      %sub3A = arith.subf %mul3A_141, %convert_element_type3A_176 : vector<16xf32>
      %convert_element_type3A_177 = arith.sitofp %convert_element_type3A_166 : vector<16xi32> to vector<16xf32>
      %sub3A_178 = arith.subf %mul3A_148, %convert_element_type3A_177 : vector<16xf32>
      %broadcast_in_dim3A = arith.constant 0 : i32
      %broadcast_in_dim3A_179 = vector.broadcast %broadcast_in_dim3A : i32 to vector<16xi32>
      %gather3A = tpu.vector_load_idx %arg15[%broadcast_in_dim3A_179] : memref<16xf32, #tpu.memory_space<vmem>>[vector<16xi32>], vector<16xf32>,
      %broadcast_in_dim3A_180 = arith.constant 2 : i32
      %broadcast_in_dim3A_181 = vector.broadcast %broadcast_in_dim3A_180 : i32 to vector<16xi32>
      %gather3A_182 = tpu.vector_load_idx %arg15[%broadcast_in_dim3A_181] : memref<16xf32, #tpu.memory_space<vmem>>[vector<16xi32>], vector<16xf32>,
      %broadcast_in_dim3A_183 = arith.constant 4 : i32
      %broadcast_in_dim3A_184 = vector.broadcast %broadcast_in_dim3A_183 : i32 to vector<16xi32>
      %gather3A_185 = tpu.vector_load_idx %arg15[%broadcast_in_dim3A_184] : memref<16xf32, #tpu.memory_space<vmem>>[vector<16xi32>], vector<16xf32>,
      %broadcast_in_dim3A_186 = arith.constant 1 : i32
      %broadcast_in_dim3A_187 = vector.broadcast %broadcast_in_dim3A_186 : i32 to vector<16xi32>
      %gather3A_188 = tpu.vector_load_idx %arg15[%broadcast_in_dim3A_187] : memref<16xf32, #tpu.memory_space<vmem>>[vector<16xi32>], vector<16xf32>,
      %broadcast_in_dim3A_189 = arith.constant 3 : i32
      %broadcast_in_dim3A_190 = vector.broadcast %broadcast_in_dim3A_189 : i32 to vector<16xi32>
      %gather3A_191 = tpu.vector_load_idx %arg15[%broadcast_in_dim3A_190] : memref<16xf32, #tpu.memory_space<vmem>>[vector<16xi32>], vector<16xf32>,
      %broadcast_in_dim3A_192 = arith.constant 5 : i32
      %broadcast_in_dim3A_193 = vector.broadcast %broadcast_in_dim3A_192 : i32 to vector<16xi32>
      %gather3A_194 = tpu.vector_load_idx %arg15[%broadcast_in_dim3A_193] : memref<16xf32, #tpu.memory_space<vmem>>[vector<16xi32>], vector<16xf32>,
      %min3A_195 = arith.minimumf %gather3A, %mul3A_155 : vector<16xf32>
      %min3A_196 = arith.minimumf %gather3A_188, %mul3A_162 : vector<16xf32>
      %mul3A_197 = arith.mulf %min3A_195, %min3A_196 : vector<16xf32>
      %mul3A_198 = arith.mulf %gather3A, %gather3A_188 : vector<16xf32>
      %add3A_199 = arith.constant 1.000000e-16 : f32
      %add3A_200 = vector.broadcast %add3A_199 : f32 to vector<16xf32>
      %add3A_201 = arith.addf %mul3A_198, %add3A_200 : vector<16xf32>
      %mul3A_202 = arith.mulf %mul3A_155, %mul3A_162 : vector<16xf32>
      %add3A_203 = arith.addf %add3A_201, %mul3A_202 : vector<16xf32>
      %sub3A_204 = arith.subf %add3A_203, %mul3A_197 : vector<16xf32>
      %div3A = arith.divf %mul3A_197, %sub3A_204 : vector<16xf32>
      %min3A_205 = arith.minimumf %gather3A_182, %mul3A_155 : vector<16xf32>
      %min3A_206 = arith.minimumf %gather3A_191, %mul3A_162 : vector<16xf32>
      %mul3A_207 = arith.mulf %min3A_205, %min3A_206 : vector<16xf32>
      %mul3A_208 = arith.mulf %gather3A_182, %gather3A_191 : vector<16xf32>
      %add3A_209 = arith.constant 1.000000e-16 : f32
      %add3A_210 = vector.broadcast %add3A_209 : f32 to vector<16xf32>
      %add3A_211 = arith.addf %mul3A_208, %add3A_210 : vector<16xf32>
      %mul3A_212 = arith.mulf %mul3A_155, %mul3A_162 : vector<16xf32>
      %add3A_213 = arith.addf %add3A_211, %mul3A_212 : vector<16xf32>
      %sub3A_214 = arith.subf %add3A_213, %mul3A_207 : vector<16xf32>
      %div3A_215 = arith.divf %mul3A_207, %sub3A_214 : vector<16xf32>
      %min3A_216 = arith.minimumf %gather3A_185, %mul3A_155 : vector<16xf32>
      %min3A_217 = arith.minimumf %gather3A_194, %mul3A_162 : vector<16xf32>
      %mul3A_218 = arith.mulf %min3A_216, %min3A_217 : vector<16xf32>
      %mul3A_219 = arith.mulf %gather3A_185, %gather3A_194 : vector<16xf32>
      %add3A_220 = arith.constant 1.000000e-16 : f32
      %add3A_221 = vector.broadcast %add3A_220 : f32 to vector<16xf32>
      %add3A_222 = arith.addf %mul3A_219, %add3A_221 : vector<16xf32>
      %mul3A_223 = arith.mulf %mul3A_155, %mul3A_162 : vector<16xf32>
      %add3A_224 = arith.addf %add3A_222, %mul3A_223 : vector<16xf32>
      %sub3A_225 = arith.subf %add3A_224, %mul3A_218 : vector<16xf32>
      %div3A_226 = arith.divf %mul3A_218, %sub3A_225 : vector<16xf32>
      %broadcast_in_dim3A_227 = arith.constant 0 : i32
      %broadcast_in_dim3A_228 = vector.broadcast %broadcast_in_dim3A_227 : i32 to vector<16xi32>
      %gt3A = arith.cmpf ogt, %div3A_215, %div3A : vector<16xf32>
      %jit3A_229 = arith.constant 1 : i32
      %broadcast_in_dim3A_230 = vector.broadcast %jit3A_229 : i32 to vector<16xi32>
      %select_n3A = arith.select %gt3A, %broadcast_in_dim3A_230, %broadcast_in_dim3A_228 : vector<16xi1>, vector<16xi32>
      %select_n3A_231 = arith.select %gt3A, %div3A_215, %div3A : vector<16xi1>, vector<16xf32>
      %gt3A_232 = arith.cmpf ogt, %div3A_226, %select_n3A_231 : vector<16xf32>
      %jit3A_233 = arith.constant 2 : i32
      %broadcast_in_dim3A_234 = vector.broadcast %jit3A_233 : i32 to vector<16xi32>
      %select_n3A_235 = arith.select %gt3A_232, %broadcast_in_dim3A_234, %select_n3A : vector<16xi1>, vector<16xi32>
      %select_n3A_236 = arith.select %gt3A_232, %div3A_226, %select_n3A_231 : vector<16xi1>, vector<16xf32>
      %eq3A = arith.constant 0 : i32
      %eq3A_237 = vector.broadcast %eq3A : i32 to vector<16xi32>
      %eq3A_238 = arith.cmpi eq, %select_n3A_235, %eq3A_237 : vector<16xi32>
      %eq3A_239 = arith.constant 1 : i32
      %eq3A_240 = vector.broadcast %eq3A_239 : i32 to vector<16xi32>
      %eq3A_241 = arith.cmpi eq, %select_n3A_235, %eq3A_240 : vector<16xi32>
      %select_n3A_242 = arith.select %eq3A_241, %gather3A_182, %gather3A_185 : vector<16xi1>, vector<16xf32>
      %select_n3A_243 = arith.select %eq3A_238, %gather3A, %select_n3A_242 : vector<16xi1>, vector<16xf32>
      %eq3A_244 = arith.constant 0 : i32
      %eq3A_245 = vector.broadcast %eq3A_244 : i32 to vector<16xi32>
      %eq3A_246 = arith.cmpi eq, %select_n3A_235, %eq3A_245 : vector<16xi32>
      %eq3A_247 = arith.constant 1 : i32
      %eq3A_248 = vector.broadcast %eq3A_247 : i32 to vector<16xi32>
      %eq3A_249 = arith.cmpi eq, %select_n3A_235, %eq3A_248 : vector<16xi32>
      %select_n3A_250 = arith.select %eq3A_249, %gather3A_191, %gather3A_194 : vector<16xi1>, vector<16xf32>
      %select_n3A_251 = arith.select %eq3A_246, %gather3A_188, %select_n3A_250 : vector<16xi1>, vector<16xf32>
      %div3A_252 = arith.divf %mul3A_155, %select_n3A_243 : vector<16xf32>
      %div3A_253 = arith.divf %mul3A_162, %select_n3A_251 : vector<16xf32>
      %mul3A_254 = arith.constant 3 : i32
      %mul3A_255 = vector.broadcast %mul3A_254 : i32 to vector<16xi32>
      %mul3A_256 = arith.muli %convert_element_type3A_163, %mul3A_255 : vector<16xi32>
      %add3A_257 = arith.addi %mul3A_256, %select_n3A_235 : vector<16xi32>
      %mul3A_258 = arith.constant 52 : i32
      %mul3A_259 = vector.broadcast %mul3A_258 : i32 to vector<16xi32>
      %mul3A_260 = arith.muli %add3A_257, %mul3A_259 : vector<16xi32>
      %add3A_261 = arith.addi %mul3A_260, %min3A_175 : vector<16xi32>
      %mul3A_262 = arith.constant 52 : i32
      %mul3A_263 = vector.broadcast %mul3A_262 : i32 to vector<16xi32>
      %mul3A_264 = arith.muli %add3A_261, %mul3A_263 : vector<16xi32>
      %add3A_265 = arith.addi %mul3A_264, %min3A_169 : vector<16xi32>
      %jit3A_266 = arith.constant -1 : i32
      %broadcast_in_dim3A_267 = vector.broadcast %jit3A_266 : i32 to vector<16xi32>
      %select_n3A_268 = arith.select %lt3A_127, %add3A_265, %broadcast_in_dim3A_267 : vector<16xi1>, vector<16xi32>
      %swap3A = arith.constant 0 : i32
      %swap3A_269 = arith.index_cast %swap3A : i32 to index
      %swap3A_270 = arith.constant 0 : index
      %swap3A_271 = tpu.vector_load %arg17[%swap3A_269, %swap3A_270] {strides = array<i32>} : memref<5x16xi32, #tpu.memory_space<vmem>>, vector<16xi32>,
      tpu.vector_store %arg17[%swap3A_269, %swap3A_270], %select_n3A_268 {strides = array<i32>} : memref<5x16xi32, #tpu.memory_space<vmem>>, vector<16xi32>,
      %jit3A_272 = arith.constant 0 : i32
      %broadcast_in_dim3A_273 = vector.broadcast %jit3A_272 : i32 to vector<16xi32>
      %select_n3A_274 = arith.select %lt3A_127, %convert_element_type3A_164, %broadcast_in_dim3A_273 : vector<16xi1>, vector<16xi32>
      %swap3A_275 = arith.constant 1 : i32
      %swap3A_276 = arith.index_cast %swap3A_275 : i32 to index
      %swap3A_277 = arith.constant 0 : index
      %swap3A_278 = tpu.vector_load %arg17[%swap3A_276, %swap3A_277] {strides = array<i32>} : memref<5x16xi32, #tpu.memory_space<vmem>>, vector<16xi32>,
      tpu.vector_store %arg17[%swap3A_276, %swap3A_277], %select_n3A_274 {strides = array<i32>} : memref<5x16xi32, #tpu.memory_space<vmem>>, vector<16xi32>,
      %max3A_279 = arith.constant 0 : i32
      %max3A_280 = vector.broadcast %max3A_279 : i32 to vector<16xi32>
      %max3A_281 = arith.maxsi %select_n3A_268, %max3A_280 : vector<16xi32>
      %swap3A_282 = arith.constant 0 : i32
      %swap3A_283 = arith.index_cast %swap3A_282 : i32 to index
      %swap3A_284 = arith.constant 0 : index
      %swap3A_285 = tpu.vector_load %arg16[%swap3A_283, %swap3A_284] {strides = array<i32>} : memref<4x16xi32, #tpu.memory_space<vmem>>, vector<16xi32>,
      tpu.vector_store %arg16[%swap3A_283, %swap3A_284], %max3A_281 {strides = array<i32>} : memref<4x16xi32, #tpu.memory_space<vmem>>, vector<16xi32>,
      %mul3A_286 = arith.constant 3 : i32
      %mul3A_287 = vector.broadcast %mul3A_286 : i32 to vector<16xi32>
      %mul3A_288 = arith.muli %convert_element_type3A_163, %mul3A_287 : vector<16xi32>
      %add3A_289 = arith.constant 0 : i32
      %add3A_290 = vector.broadcast %add3A_289 : i32 to vector<16xi32>
      %add3A_291 = arith.addi %mul3A_288, %add3A_290 : vector<16xi32>
      %mul3A_292 = arith.constant 52 : i32
      %mul3A_293 = vector.broadcast %mul3A_292 : i32 to vector<16xi32>
      %mul3A_294 = arith.muli %add3A_291, %mul3A_293 : vector<16xi32>
      %add3A_295 = arith.addi %mul3A_294, %min3A_175 : vector<16xi32>
      %mul3A_296 = arith.constant 52 : i32
      %mul3A_297 = vector.broadcast %mul3A_296 : i32 to vector<16xi32>
      %mul3A_298 = arith.muli %add3A_295, %mul3A_297 : vector<16xi32>
      %add3A_299 = arith.addi %mul3A_298, %min3A_169 : vector<16xi32>
      %gt3A_300 = arith.constant 5.000000e-01 : f32
      %gt3A_301 = vector.broadcast %gt3A_300 : f32 to vector<16xf32>
      %gt3A_302 = arith.cmpf ogt, %div3A, %gt3A_301 : vector<16xf32>
      %and3A = arith.andi %lt3A_127, %gt3A_302 : vector<16xi1>
      %jit3A_303 = arith.constant -1 : i32
      %broadcast_in_dim3A_304 = vector.broadcast %jit3A_303 : i32 to vector<16xi32>
      %select_n3A_305 = arith.select %and3A, %add3A_299, %broadcast_in_dim3A_304 : vector<16xi1>, vector<16xi32>
      %swap3A_306 = arith.constant 2 : i32
      %swap3A_307 = arith.index_cast %swap3A_306 : i32 to index
      %swap3A_308 = arith.constant 0 : index
      %swap3A_309 = tpu.vector_load %arg17[%swap3A_307, %swap3A_308] {strides = array<i32>} : memref<5x16xi32, #tpu.memory_space<vmem>>, vector<16xi32>,
      tpu.vector_store %arg17[%swap3A_307, %swap3A_308], %select_n3A_305 {strides = array<i32>} : memref<5x16xi32, #tpu.memory_space<vmem>>, vector<16xi32>,
      %jit3A_310 = arith.constant 0 : i32
      %broadcast_in_dim3A_311 = vector.broadcast %jit3A_310 : i32 to vector<16xi32>
      %select_n3A_312 = arith.select %and3A, %add3A_299, %broadcast_in_dim3A_311 : vector<16xi1>, vector<16xi32>
      %swap3A_313 = arith.constant 1 : i32
      %swap3A_314 = arith.index_cast %swap3A_313 : i32 to index
      %swap3A_315 = arith.constant 0 : index
      %swap3A_316 = tpu.vector_load %arg16[%swap3A_314, %swap3A_315] {strides = array<i32>} : memref<4x16xi32, #tpu.memory_space<vmem>>, vector<16xi32>,
      tpu.vector_store %arg16[%swap3A_314, %swap3A_315], %select_n3A_312 {strides = array<i32>} : memref<4x16xi32, #tpu.memory_space<vmem>>, vector<16xi32>,
      %mul3A_317 = arith.constant 3 : i32
      %mul3A_318 = vector.broadcast %mul3A_317 : i32 to vector<16xi32>
      %mul3A_319 = arith.muli %convert_element_type3A_163, %mul3A_318 : vector<16xi32>
      %add3A_320 = arith.constant 1 : i32
      %add3A_321 = vector.broadcast %add3A_320 : i32 to vector<16xi32>
      %add3A_322 = arith.addi %mul3A_319, %add3A_321 : vector<16xi32>
      %mul3A_323 = arith.constant 52 : i32
      %mul3A_324 = vector.broadcast %mul3A_323 : i32 to vector<16xi32>
      %mul3A_325 = arith.muli %add3A_322, %mul3A_324 : vector<16xi32>
      %add3A_326 = arith.addi %mul3A_325, %min3A_175 : vector<16xi32>
      %mul3A_327 = arith.constant 52 : i32
      %mul3A_328 = vector.broadcast %mul3A_327 : i32 to vector<16xi32>
      %mul3A_329 = arith.muli %add3A_326, %mul3A_328 : vector<16xi32>
      %add3A_330 = arith.addi %mul3A_329, %min3A_169 : vector<16xi32>
      %gt3A_331 = arith.constant 5.000000e-01 : f32
      %gt3A_332 = vector.broadcast %gt3A_331 : f32 to vector<16xf32>
      %gt3A_333 = arith.cmpf ogt, %div3A_215, %gt3A_332 : vector<16xf32>
      %and3A_334 = arith.andi %lt3A_127, %gt3A_333 : vector<16xi1>
      %jit3A_335 = arith.constant -1 : i32
      %broadcast_in_dim3A_336 = vector.broadcast %jit3A_335 : i32 to vector<16xi32>
      %select_n3A_337 = arith.select %and3A_334, %add3A_330, %broadcast_in_dim3A_336 : vector<16xi1>, vector<16xi32>
      %swap3A_338 = arith.constant 3 : i32
      %swap3A_339 = arith.index_cast %swap3A_338 : i32 to index
      %swap3A_340 = arith.constant 0 : index
      %swap3A_341 = tpu.vector_load %arg17[%swap3A_339, %swap3A_340] {strides = array<i32>} : memref<5x16xi32, #tpu.memory_space<vmem>>, vector<16xi32>,
      tpu.vector_store %arg17[%swap3A_339, %swap3A_340], %select_n3A_337 {strides = array<i32>} : memref<5x16xi32, #tpu.memory_space<vmem>>, vector<16xi32>,
      %jit3A_342 = arith.constant 0 : i32
      %broadcast_in_dim3A_343 = vector.broadcast %jit3A_342 : i32 to vector<16xi32>
      %select_n3A_344 = arith.select %and3A_334, %add3A_330, %broadcast_in_dim3A_343 : vector<16xi1>, vector<16xi32>
      %swap3A_345 = arith.constant 2 : i32
      %swap3A_346 = arith.index_cast %swap3A_345 : i32 to index
      %swap3A_347 = arith.constant 0 : index
      %swap3A_348 = tpu.vector_load %arg16[%swap3A_346, %swap3A_347] {strides = array<i32>} : memref<4x16xi32, #tpu.memory_space<vmem>>, vector<16xi32>,
      tpu.vector_store %arg16[%swap3A_346, %swap3A_347], %select_n3A_344 {strides = array<i32>} : memref<4x16xi32, #tpu.memory_space<vmem>>, vector<16xi32>,
      %mul3A_349 = arith.constant 3 : i32
      %mul3A_350 = vector.broadcast %mul3A_349 : i32 to vector<16xi32>
      %mul3A_351 = arith.muli %convert_element_type3A_163, %mul3A_350 : vector<16xi32>
      %add3A_352 = arith.constant 2 : i32
      %add3A_353 = vector.broadcast %add3A_352 : i32 to vector<16xi32>
      %add3A_354 = arith.addi %mul3A_351, %add3A_353 : vector<16xi32>
      %mul3A_355 = arith.constant 52 : i32
      %mul3A_356 = vector.broadcast %mul3A_355 : i32 to vector<16xi32>
      %mul3A_357 = arith.muli %add3A_354, %mul3A_356 : vector<16xi32>
      %add3A_358 = arith.addi %mul3A_357, %min3A_175 : vector<16xi32>
      %mul3A_359 = arith.constant 52 : i32
      %mul3A_360 = vector.broadcast %mul3A_359 : i32 to vector<16xi32>
      %mul3A_361 = arith.muli %add3A_358, %mul3A_360 : vector<16xi32>
      %add3A_362 = arith.addi %mul3A_361, %min3A_169 : vector<16xi32>
      %gt3A_363 = arith.constant 5.000000e-01 : f32
      %gt3A_364 = vector.broadcast %gt3A_363 : f32 to vector<16xf32>
      %gt3A_365 = arith.cmpf ogt, %div3A_226, %gt3A_364 : vector<16xf32>
      %and3A_366 = arith.andi %lt3A_127, %gt3A_365 : vector<16xi1>
      %jit3A_367 = arith.constant -1 : i32
      %broadcast_in_dim3A_368 = vector.broadcast %jit3A_367 : i32 to vector<16xi32>
      %select_n3A_369 = arith.select %and3A_366, %add3A_362, %broadcast_in_dim3A_368 : vector<16xi1>, vector<16xi32>
      %swap3A_370 = arith.constant 4 : i32
      %swap3A_371 = arith.index_cast %swap3A_370 : i32 to index
      %swap3A_372 = arith.constant 0 : index
      %swap3A_373 = tpu.vector_load %arg17[%swap3A_371, %swap3A_372] {strides = array<i32>} : memref<5x16xi32, #tpu.memory_space<vmem>>, vector<16xi32>,
      tpu.vector_store %arg17[%swap3A_371, %swap3A_372], %select_n3A_369 {strides = array<i32>} : memref<5x16xi32, #tpu.memory_space<vmem>>, vector<16xi32>,
      %jit3A_374 = arith.constant 0 : i32
      %broadcast_in_dim3A_375 = vector.broadcast %jit3A_374 : i32 to vector<16xi32>
      %select_n3A_376 = arith.select %and3A_366, %add3A_362, %broadcast_in_dim3A_375 : vector<16xi1>, vector<16xi32>
      %swap3A_377 = arith.constant 3 : i32
      %swap3A_378 = arith.index_cast %swap3A_377 : i32 to index
      %swap3A_379 = arith.constant 0 : index
      %swap3A_380 = tpu.vector_load %arg16[%swap3A_378, %swap3A_379] {strides = array<i32>} : memref<4x16xi32, #tpu.memory_space<vmem>>, vector<16xi32>,
      tpu.vector_store %arg16[%swap3A_378, %swap3A_379], %select_n3A_376 {strides = array<i32>} : memref<4x16xi32, #tpu.memory_space<vmem>>, vector<16xi32>,
      %jit3A_381 = arith.constant 0.000000e+00 : f32
      %broadcast_in_dim3A_382 = vector.broadcast %jit3A_381 : f32 to vector<16xf32>
      %select_n3A_383 = arith.select %lt3A_127, %sub3A, %broadcast_in_dim3A_382 : vector<16xi1>, vector<16xf32>
      %swap3A_384 = arith.constant 0 : i32
      %swap3A_385 = arith.index_cast %swap3A_384 : i32 to index
      %swap3A_386 = arith.constant 0 : index
      %swap3A_387 = tpu.vector_load %arg18[%swap3A_385, %swap3A_386] {strides = array<i32>} : memref<8x16xf32, #tpu.memory_space<vmem>>, vector<16xf32>,
      tpu.vector_store %arg18[%swap3A_385, %swap3A_386], %select_n3A_383 {strides = array<i32>} : memref<8x16xf32, #tpu.memory_space<vmem>>, vector<16xf32>,
      %jit3A_388 = arith.constant 0.000000e+00 : f32
      %broadcast_in_dim3A_389 = vector.broadcast %jit3A_388 : f32 to vector<16xf32>
      %select_n3A_390 = arith.select %lt3A_127, %sub3A_178, %broadcast_in_dim3A_389 : vector<16xi1>, vector<16xf32>
      %swap3A_391 = arith.constant 1 : i32
      %swap3A_392 = arith.index_cast %swap3A_391 : i32 to index
      %swap3A_393 = arith.constant 0 : index
      %swap3A_394 = tpu.vector_load %arg18[%swap3A_392, %swap3A_393] {strides = array<i32>} : memref<8x16xf32, #tpu.memory_space<vmem>>, vector<16xf32>,
      tpu.vector_store %arg18[%swap3A_392, %swap3A_393], %select_n3A_390 {strides = array<i32>} : memref<8x16xf32, #tpu.memory_space<vmem>>, vector<16xf32>,
      %jit3A_395 = arith.constant 0.000000e+00 : f32
      %broadcast_in_dim3A_396 = vector.broadcast %jit3A_395 : f32 to vector<16xf32>
      %select_n3A_397 = arith.select %lt3A_127, %div3A_252, %broadcast_in_dim3A_396 : vector<16xi1>, vector<16xf32>
      %swap3A_398 = arith.constant 2 : i32
      %swap3A_399 = arith.index_cast %swap3A_398 : i32 to index
      %swap3A_400 = arith.constant 0 : index
      %swap3A_401 = tpu.vector_load %arg18[%swap3A_399, %swap3A_400] {strides = array<i32>} : memref<8x16xf32, #tpu.memory_space<vmem>>, vector<16xf32>,
      tpu.vector_store %arg18[%swap3A_399, %swap3A_400], %select_n3A_397 {strides = array<i32>} : memref<8x16xf32, #tpu.memory_space<vmem>>, vector<16xf32>,
      %jit3A_402 = arith.constant 0.000000e+00 : f32
      %broadcast_in_dim3A_403 = vector.broadcast %jit3A_402 : f32 to vector<16xf32>
      %select_n3A_404 = arith.select %lt3A_127, %div3A_253, %broadcast_in_dim3A_403 : vector<16xi1>, vector<16xf32>
      %swap3A_405 = arith.constant 3 : i32
      %swap3A_406 = arith.index_cast %swap3A_405 : i32 to index
      %swap3A_407 = arith.constant 0 : index
      %swap3A_408 = tpu.vector_load %arg18[%swap3A_406, %swap3A_407] {strides = array<i32>} : memref<8x16xf32, #tpu.memory_space<vmem>>, vector<16xf32>,
      tpu.vector_store %arg18[%swap3A_406, %swap3A_407], %select_n3A_404 {strides = array<i32>} : memref<8x16xf32, #tpu.memory_space<vmem>>, vector<16xf32>,
      %dma_start3A_409 = arith.constant 0 : i32
      %dma_start3A_410 = arith.constant 4 : i32
      %dma_start3A_411 = arith.constant 0 : i32
      %dma_start3A_412 = tpu.memref_slice %arg18[%dma_start3A_410, %dma_start3A_411] : memref<8x16xf32, #tpu.memory_space<vmem>> -> memref<1x16xf32, #tpu.memory_space<vmem>>
      %dma_start3A_413 = tpu.memref_squeeze %dma_start3A_412 : memref<1x16xf32, #tpu.memory_space<vmem>> -> memref<16xf32, #tpu.memory_space<vmem>>
      %dma_start3A_414 = arith.constant 0 : i32
      %dma_start3A_415 = tpu.memref_slice %arg16[%dma_start3A_409, %dma_start3A_414] : memref<4x16xi32, #tpu.memory_space<vmem>> -> memref<1x16xi32, #tpu.memory_space<vmem>>
      %dma_start3A_416 = tpu.memref_squeeze %dma_start3A_415 : memref<1x16xi32, #tpu.memory_space<vmem>> -> memref<16xi32, #tpu.memory_space<vmem>>
      %dma_start3A_417 = arith.constant 0 : i32
      %dma_start3A_418 = tpu.memref_slice %arg5[%dma_start3A_417] : memref<129792xf32, #tpu.memory_space<hbm>> -> memref<129792xf32, #tpu.memory_space<hbm>>
      tpu.enqueue_indirect_dma source(%dma_start3A_418 : memref<129792xf32, #tpu.memory_space<hbm>>) target(%dma_start3A_413 : memref<16xf32, #tpu.memory_space<vmem>>) offsets(%dma_start3A_416 : memref<16xi32, #tpu.memory_space<vmem>>) semaphore(%arg21 : memref<!tpu.dma_semaphore, #tpu.memory_space<semaphore_mem>>)
      %dma_start3A_419 = arith.constant 0 : i32
      %dma_start3A_420 = arith.constant 5 : i32
      %dma_start3A_421 = arith.constant 0 : i32
      %dma_start3A_422 = tpu.memref_slice %arg18[%dma_start3A_420, %dma_start3A_421] : memref<8x16xf32, #tpu.memory_space<vmem>> -> memref<1x16xf32, #tpu.memory_space<vmem>>
      %dma_start3A_423 = tpu.memref_squeeze %dma_start3A_422 : memref<1x16xf32, #tpu.memory_space<vmem>> -> memref<16xf32, #tpu.memory_space<vmem>>
      %dma_start3A_424 = arith.constant 0 : i32
      %dma_start3A_425 = tpu.memref_slice %arg16[%dma_start3A_419, %dma_start3A_424] : memref<4x16xi32, #tpu.memory_space<vmem>> -> memref<1x16xi32, #tpu.memory_space<vmem>>
      %dma_start3A_426 = tpu.memref_squeeze %dma_start3A_425 : memref<1x16xi32, #tpu.memory_space<vmem>> -> memref<16xi32, #tpu.memory_space<vmem>>
      %dma_start3A_427 = arith.constant 0 : i32
      %dma_start3A_428 = tpu.memref_slice %arg6[%dma_start3A_427] : memref<129792xf32, #tpu.memory_space<hbm>> -> memref<129792xf32, #tpu.memory_space<hbm>>
      tpu.enqueue_indirect_dma source(%dma_start3A_428 : memref<129792xf32, #tpu.memory_space<hbm>>) target(%dma_start3A_423 : memref<16xf32, #tpu.memory_space<vmem>>) offsets(%dma_start3A_426 : memref<16xi32, #tpu.memory_space<vmem>>) semaphore(%arg21 : memref<!tpu.dma_semaphore, #tpu.memory_space<semaphore_mem>>)
      %dma_start3A_429 = arith.constant 0 : i32
      %dma_start3A_430 = arith.constant 6 : i32
      %dma_start3A_431 = arith.constant 0 : i32
      %dma_start3A_432 = tpu.memref_slice %arg18[%dma_start3A_430, %dma_start3A_431] : memref<8x16xf32, #tpu.memory_space<vmem>> -> memref<1x16xf32, #tpu.memory_space<vmem>>
      %dma_start3A_433 = tpu.memref_squeeze %dma_start3A_432 : memref<1x16xf32, #tpu.memory_space<vmem>> -> memref<16xf32, #tpu.memory_space<vmem>>
      %dma_start3A_434 = arith.constant 0 : i32
      %dma_start3A_435 = tpu.memref_slice %arg16[%dma_start3A_429, %dma_start3A_434] : memref<4x16xi32, #tpu.memory_space<vmem>> -> memref<1x16xi32, #tpu.memory_space<vmem>>
      %dma_start3A_436 = tpu.memref_squeeze %dma_start3A_435 : memref<1x16xi32, #tpu.memory_space<vmem>> -> memref<16xi32, #tpu.memory_space<vmem>>
      %dma_start3A_437 = arith.constant 0 : i32
      %dma_start3A_438 = tpu.memref_slice %arg7[%dma_start3A_437] : memref<129792xf32, #tpu.memory_space<hbm>> -> memref<129792xf32, #tpu.memory_space<hbm>>
      tpu.enqueue_indirect_dma source(%dma_start3A_438 : memref<129792xf32, #tpu.memory_space<hbm>>) target(%dma_start3A_433 : memref<16xf32, #tpu.memory_space<vmem>>) offsets(%dma_start3A_436 : memref<16xi32, #tpu.memory_space<vmem>>) semaphore(%arg21 : memref<!tpu.dma_semaphore, #tpu.memory_space<semaphore_mem>>)
      %dma_start3A_439 = arith.constant 0 : i32
      %dma_start3A_440 = arith.constant 7 : i32
      %dma_start3A_441 = arith.constant 0 : i32
      %dma_start3A_442 = tpu.memref_slice %arg18[%dma_start3A_440, %dma_start3A_441] : memref<8x16xf32, #tpu.memory_space<vmem>> -> memref<1x16xf32, #tpu.memory_space<vmem>>
      %dma_start3A_443 = tpu.memref_squeeze %dma_start3A_442 : memref<1x16xf32, #tpu.memory_space<vmem>> -> memref<16xf32, #tpu.memory_space<vmem>>
      %dma_start3A_444 = arith.constant 0 : i32
      %dma_start3A_445 = tpu.memref_slice %arg16[%dma_start3A_439, %dma_start3A_444] : memref<4x16xi32, #tpu.memory_space<vmem>> -> memref<1x16xi32, #tpu.memory_space<vmem>>
      %dma_start3A_446 = tpu.memref_squeeze %dma_start3A_445 : memref<1x16xi32, #tpu.memory_space<vmem>> -> memref<16xi32, #tpu.memory_space<vmem>>
      %dma_start3A_447 = arith.constant 0 : i32
      %dma_start3A_448 = tpu.memref_slice %arg8[%dma_start3A_447] : memref<129792xf32, #tpu.memory_space<hbm>> -> memref<129792xf32, #tpu.memory_space<hbm>>
      tpu.enqueue_indirect_dma source(%dma_start3A_448 : memref<129792xf32, #tpu.memory_space<hbm>>) target(%dma_start3A_443 : memref<16xf32, #tpu.memory_space<vmem>>) offsets(%dma_start3A_446 : memref<16xi32, #tpu.memory_space<vmem>>) semaphore(%arg21 : memref<!tpu.dma_semaphore, #tpu.memory_space<semaphore_mem>>)
      %dma_start3A_449 = arith.constant 0 : i32
      %dma_start3A_450 = arith.constant 0 : i32
      %dma_start3A_451 = arith.constant 0 : i32
      %dma_start3A_452 = tpu.memref_slice %arg19[%dma_start3A_450, %dma_start3A_451] : memref<4x16xf32, #tpu.memory_space<vmem>> -> memref<1x16xf32, #tpu.memory_space<vmem>>
      %dma_start3A_453 = tpu.memref_squeeze %dma_start3A_452 : memref<1x16xf32, #tpu.memory_space<vmem>> -> memref<16xf32, #tpu.memory_space<vmem>>
      %dma_start3A_454 = arith.constant 0 : i32
      %dma_start3A_455 = tpu.memref_slice %arg16[%dma_start3A_449, %dma_start3A_454] : memref<4x16xi32, #tpu.memory_space<vmem>> -> memref<1x16xi32, #tpu.memory_space<vmem>>
      %dma_start3A_456 = tpu.memref_squeeze %dma_start3A_455 : memref<1x16xi32, #tpu.memory_space<vmem>> -> memref<16xi32, #tpu.memory_space<vmem>>
      %dma_start3A_457 = arith.constant 0 : i32
      %dma_start3A_458 = tpu.memref_slice %arg4[%dma_start3A_457] : memref<129792xf32, #tpu.memory_space<hbm>> -> memref<129792xf32, #tpu.memory_space<hbm>>
      tpu.enqueue_indirect_dma source(%dma_start3A_458 : memref<129792xf32, #tpu.memory_space<hbm>>) target(%dma_start3A_453 : memref<16xf32, #tpu.memory_space<vmem>>) offsets(%dma_start3A_456 : memref<16xi32, #tpu.memory_space<vmem>>) semaphore(%arg21 : memref<!tpu.dma_semaphore, #tpu.memory_space<semaphore_mem>>)
      %dma_start3A_459 = arith.constant 1 : i32
      %dma_start3A_460 = arith.constant 1 : i32
      %dma_start3A_461 = arith.constant 0 : i32
      %dma_start3A_462 = tpu.memref_slice %arg19[%dma_start3A_460, %dma_start3A_461] : memref<4x16xf32, #tpu.memory_space<vmem>> -> memref<1x16xf32, #tpu.memory_space<vmem>>
      %dma_start3A_463 = tpu.memref_squeeze %dma_start3A_462 : memref<1x16xf32, #tpu.memory_space<vmem>> -> memref<16xf32, #tpu.memory_space<vmem>>
      %dma_start3A_464 = arith.constant 0 : i32
      %dma_start3A_465 = tpu.memref_slice %arg16[%dma_start3A_459, %dma_start3A_464] : memref<4x16xi32, #tpu.memory_space<vmem>> -> memref<1x16xi32, #tpu.memory_space<vmem>>
      %dma_start3A_466 = tpu.memref_squeeze %dma_start3A_465 : memref<1x16xi32, #tpu.memory_space<vmem>> -> memref<16xi32, #tpu.memory_space<vmem>>
      %dma_start3A_467 = arith.constant 0 : i32
      %dma_start3A_468 = tpu.memref_slice %arg4[%dma_start3A_467] : memref<129792xf32, #tpu.memory_space<hbm>> -> memref<129792xf32, #tpu.memory_space<hbm>>
      tpu.enqueue_indirect_dma source(%dma_start3A_468 : memref<129792xf32, #tpu.memory_space<hbm>>) target(%dma_start3A_463 : memref<16xf32, #tpu.memory_space<vmem>>) offsets(%dma_start3A_466 : memref<16xi32, #tpu.memory_space<vmem>>) semaphore(%arg21 : memref<!tpu.dma_semaphore, #tpu.memory_space<semaphore_mem>>)
      %dma_start3A_469 = arith.constant 2 : i32
      %dma_start3A_470 = arith.constant 2 : i32
      %dma_start3A_471 = arith.constant 0 : i32
      %dma_start3A_472 = tpu.memref_slice %arg19[%dma_start3A_470, %dma_start3A_471] : memref<4x16xf32, #tpu.memory_space<vmem>> -> memref<1x16xf32, #tpu.memory_space<vmem>>
      %dma_start3A_473 = tpu.memref_squeeze %dma_start3A_472 : memref<1x16xf32, #tpu.memory_space<vmem>> -> memref<16xf32, #tpu.memory_space<vmem>>
      %dma_start3A_474 = arith.constant 0 : i32
      %dma_start3A_475 = tpu.memref_slice %arg16[%dma_start3A_469, %dma_start3A_474] : memref<4x16xi32, #tpu.memory_space<vmem>> -> memref<1x16xi32, #tpu.memory_space<vmem>>
      %dma_start3A_476 = tpu.memref_squeeze %dma_start3A_475 : memref<1x16xi32, #tpu.memory_space<vmem>> -> memref<16xi32, #tpu.memory_space<vmem>>
      %dma_start3A_477 = arith.constant 0 : i32
      %dma_start3A_478 = tpu.memref_slice %arg4[%dma_start3A_477] : memref<129792xf32, #tpu.memory_space<hbm>> -> memref<129792xf32, #tpu.memory_space<hbm>>
      tpu.enqueue_indirect_dma source(%dma_start3A_478 : memref<129792xf32, #tpu.memory_space<hbm>>) target(%dma_start3A_473 : memref<16xf32, #tpu.memory_space<vmem>>) offsets(%dma_start3A_476 : memref<16xi32, #tpu.memory_space<vmem>>) semaphore(%arg21 : memref<!tpu.dma_semaphore, #tpu.memory_space<semaphore_mem>>)
      %dma_start3A_479 = arith.constant 3 : i32
      %dma_start3A_480 = arith.constant 3 : i32
      %dma_start3A_481 = arith.constant 0 : i32
      %dma_start3A_482 = tpu.memref_slice %arg19[%dma_start3A_480, %dma_start3A_481] : memref<4x16xf32, #tpu.memory_space<vmem>> -> memref<1x16xf32, #tpu.memory_space<vmem>>
      %dma_start3A_483 = tpu.memref_squeeze %dma_start3A_482 : memref<1x16xf32, #tpu.memory_space<vmem>> -> memref<16xf32, #tpu.memory_space<vmem>>
      %dma_start3A_484 = arith.constant 0 : i32
      %dma_start3A_485 = tpu.memref_slice %arg16[%dma_start3A_479, %dma_start3A_484] : memref<4x16xi32, #tpu.memory_space<vmem>> -> memref<1x16xi32, #tpu.memory_space<vmem>>
      %dma_start3A_486 = tpu.memref_squeeze %dma_start3A_485 : memref<1x16xi32, #tpu.memory_space<vmem>> -> memref<16xi32, #tpu.memory_space<vmem>>
      %dma_start3A_487 = arith.constant 0 : i32
      %dma_start3A_488 = tpu.memref_slice %arg4[%dma_start3A_487] : memref<129792xf32, #tpu.memory_space<hbm>> -> memref<129792xf32, #tpu.memory_space<hbm>>
      tpu.enqueue_indirect_dma source(%dma_start3A_488 : memref<129792xf32, #tpu.memory_space<hbm>>) target(%dma_start3A_483 : memref<16xf32, #tpu.memory_space<vmem>>) offsets(%dma_start3A_486 : memref<16xi32, #tpu.memory_space<vmem>>) semaphore(%arg21 : memref<!tpu.dma_semaphore, #tpu.memory_space<semaphore_mem>>)
      %jit3A_489 = arith.constant 0 : i32
      %broadcast_in_dim3A_490 = vector.broadcast %jit3A_489 : i32 to vector<16xi32>
      %select_n3A_491 = arith.select %lt3A_127, %convert_element_type3A_163, %broadcast_in_dim3A_490 : vector<16xi1>, vector<16xi32>
      %jit3A_492 = arith.constant 0 : i32
      %broadcast_in_dim3A_493 = vector.broadcast %jit3A_492 : i32 to vector<16xi32>
      %select_n3A_494 = arith.select %lt3A_127, %select_n3A_235, %broadcast_in_dim3A_493 : vector<16xi1>, vector<16xi32>
      %jit3A_495 = arith.constant 0 : i32
      %broadcast_in_dim3A_496 = vector.broadcast %jit3A_495 : i32 to vector<16xi32>
      %select_n3A_497 = arith.select %lt3A_127, %min3A_175, %broadcast_in_dim3A_496 : vector<16xi1>, vector<16xi32>
      %jit3A_498 = arith.constant 0 : i32
      %broadcast_in_dim3A_499 = vector.broadcast %jit3A_498 : i32 to vector<16xi32>
      %select_n3A_500 = arith.select %lt3A_127, %min3A_169, %broadcast_in_dim3A_499 : vector<16xi1>, vector<16xi32>
      %slice3A = vector.extract_strided_slice %select_n3A_491 {offsets = [0], sizes = [1], strides = [1]} : vector<16xi32> to vector<1xi32>
      %squeeze3A = vector.extract %slice3A[0] : i32 from vector<1xi32>
      %slice3A_501 = vector.extract_strided_slice %select_n3A_494 {offsets = [0], sizes = [1], strides = [1]} : vector<16xi32> to vector<1xi32>
      %squeeze3A_502 = vector.extract %slice3A_501[0] : i32 from vector<1xi32>
      %slice3A_503 = vector.extract_strided_slice %select_n3A_497 {offsets = [0], sizes = [1], strides = [1]} : vector<16xi32> to vector<1xi32>
      %squeeze3A_504 = vector.extract %slice3A_503[0] : i32 from vector<1xi32>
      %slice3A_505 = vector.extract_strided_slice %select_n3A_500 {offsets = [0], sizes = [1], strides = [1]} : vector<16xi32> to vector<1xi32>
      %squeeze3A_506 = vector.extract %slice3A_505[0] : i32 from vector<1xi32>
      %dma_start3A_507 = arith.constant 0 : i32
      %dma_start3A_508 = arith.constant 0 : i32
      %dma_start3A_509 = tpu.memref_slice %arg20[%dma_start3A_507, %dma_start3A_508] : memref<16x80xf32, #tpu.memory_space<vmem>> -> memref<1x80xf32, #tpu.memory_space<vmem>>
      %dma_start3A_510 = tpu.memref_squeeze %dma_start3A_509 : memref<1x80xf32, #tpu.memory_space<vmem>> -> memref<80xf32, #tpu.memory_space<vmem>>
      %dma_start3A_511 = arith.constant 0 : i32
      %dma_start3A_512 = tpu.memref_slice %arg9[%squeeze3A, %squeeze3A_502, %squeeze3A_504, %squeeze3A_506, %dma_start3A_511] : memref<16x3x52x52x80xf32, #tpu.memory_space<hbm>> -> memref<1x1x1x1x80xf32, #tpu.memory_space<hbm>>
      %dma_start3A_513 = tpu.memref_squeeze %dma_start3A_512 : memref<1x1x1x1x80xf32, #tpu.memory_space<hbm>> -> memref<80xf32, #tpu.memory_space<hbm>>
      %dma_start3A_514 = arith.constant 0 : i32
      %dma_start3A_515 = tpu.memref_slice %arg20[%dma_start3A_507, %dma_start3A_514] : memref<16x80xf32, #tpu.memory_space<vmem>> -> memref<1x80xf32, #tpu.memory_space<vmem>>
      %dma_start3A_516 = tpu.memref_squeeze %dma_start3A_515 : memref<1x80xf32, #tpu.memory_space<vmem>> -> memref<80xf32, #tpu.memory_space<vmem>>
      %dma_start3A_517 = arith.constant 0 : i32
      %dma_start3A_518 = tpu.memref_slice %arg9[%squeeze3A, %squeeze3A_502, %squeeze3A_504, %squeeze3A_506, %dma_start3A_517] : memref<16x3x52x52x80xf32, #tpu.memory_space<hbm>> -> memref<1x1x1x1x80xf32, #tpu.memory_space<hbm>>
      %dma_start3A_519 = tpu.memref_squeeze %dma_start3A_518 : memref<1x1x1x1x80xf32, #tpu.memory_space<hbm>> -> memref<80xf32, #tpu.memory_space<hbm>>
      tpu.enqueue_dma source(%dma_start3A_519 : memref<80xf32, #tpu.memory_space<hbm>>) target(%dma_start3A_516 : memref<80xf32, #tpu.memory_space<vmem>>) target_semaphore(%arg21 : memref<!tpu.dma_semaphore, #tpu.memory_space<semaphore_mem>>)
      %slice3A_520 = vector.extract_strided_slice %select_n3A_491 {offsets = [1], sizes = [1], strides = [1]} : vector<16xi32> to vector<1xi32>
      %squeeze3A_521 = vector.extract %slice3A_520[0] : i32 from vector<1xi32>
      %slice3A_522 = vector.extract_strided_slice %select_n3A_494 {offsets = [1], sizes = [1], strides = [1]} : vector<16xi32> to vector<1xi32>
      %squeeze3A_523 = vector.extract %slice3A_522[0] : i32 from vector<1xi32>
      %slice3A_524 = vector.extract_strided_slice %select_n3A_497 {offsets = [1], sizes = [1], strides = [1]} : vector<16xi32> to vector<1xi32>
      %squeeze3A_525 = vector.extract %slice3A_524[0] : i32 from vector<1xi32>
      %slice3A_526 = vector.extract_strided_slice %select_n3A_500 {offsets = [1], sizes = [1], strides = [1]} : vector<16xi32> to vector<1xi32>
      %squeeze3A_527 = vector.extract %slice3A_526[0] : i32 from vector<1xi32>
      %dma_start3A_528 = arith.constant 1 : i32
      %dma_start3A_529 = arith.constant 0 : i32
      %dma_start3A_530 = tpu.memref_slice %arg20[%dma_start3A_528, %dma_start3A_529] : memref<16x80xf32, #tpu.memory_space<vmem>> -> memref<1x80xf32, #tpu.memory_space<vmem>>
      %dma_start3A_531 = tpu.memref_squeeze %dma_start3A_530 : memref<1x80xf32, #tpu.memory_space<vmem>> -> memref<80xf32, #tpu.memory_space<vmem>>
      %dma_start3A_532 = arith.constant 0 : i32
      %dma_start3A_533 = tpu.memref_slice %arg9[%squeeze3A_521, %squeeze3A_523, %squeeze3A_525, %squeeze3A_527, %dma_start3A_532] : memref<16x3x52x52x80xf32, #tpu.memory_space<hbm>> -> memref<1x1x1x1x80xf32, #tpu.memory_space<hbm>>
      %dma_start3A_534 = tpu.memref_squeeze %dma_start3A_533 : memref<1x1x1x1x80xf32, #tpu.memory_space<hbm>> -> memref<80xf32, #tpu.memory_space<hbm>>
      %dma_start3A_535 = arith.constant 0 : i32
      %dma_start3A_536 = tpu.memref_slice %arg20[%dma_start3A_528, %dma_start3A_535] : memref<16x80xf32, #tpu.memory_space<vmem>> -> memref<1x80xf32, #tpu.memory_space<vmem>>
      %dma_start3A_537 = tpu.memref_squeeze %dma_start3A_536 : memref<1x80xf32, #tpu.memory_space<vmem>> -> memref<80xf32, #tpu.memory_space<vmem>>
      %dma_start3A_538 = arith.constant 0 : i32
      %dma_start3A_539 = tpu.memref_slice %arg9[%squeeze3A_521, %squeeze3A_523, %squeeze3A_525, %squeeze3A_527, %dma_start3A_538] : memref<16x3x52x52x80xf32, #tpu.memory_space<hbm>> -> memref<1x1x1x1x80xf32, #tpu.memory_space<hbm>>
      %dma_start3A_540 = tpu.memref_squeeze %dma_start3A_539 : memref<1x1x1x1x80xf32, #tpu.memory_space<hbm>> -> memref<80xf32, #tpu.memory_space<hbm>>
      tpu.enqueue_dma source(%dma_start3A_540 : memref<80xf32, #tpu.memory_space<hbm>>) target(%dma_start3A_537 : memref<80xf32, #tpu.memory_space<vmem>>) target_semaphore(%arg21 : memref<!tpu.dma_semaphore, #tpu.memory_space<semaphore_mem>>)
      %slice3A_541 = vector.extract_strided_slice %select_n3A_491 {offsets = [2], sizes = [1], strides = [1]} : vector<16xi32> to vector<1xi32>
      %squeeze3A_542 = vector.extract %slice3A_541[0] : i32 from vector<1xi32>
      %slice3A_543 = vector.extract_strided_slice %select_n3A_494 {offsets = [2], sizes = [1], strides = [1]} : vector<16xi32> to vector<1xi32>
      %squeeze3A_544 = vector.extract %slice3A_543[0] : i32 from vector<1xi32>
      %slice3A_545 = vector.extract_strided_slice %select_n3A_497 {offsets = [2], sizes = [1], strides = [1]} : vector<16xi32> to vector<1xi32>
      %squeeze3A_546 = vector.extract %slice3A_545[0] : i32 from vector<1xi32>
      %slice3A_547 = vector.extract_strided_slice %select_n3A_500 {offsets = [2], sizes = [1], strides = [1]} : vector<16xi32> to vector<1xi32>
      %squeeze3A_548 = vector.extract %slice3A_547[0] : i32 from vector<1xi32>
      %dma_start3A_549 = arith.constant 2 : i32
      %dma_start3A_550 = arith.constant 0 : i32
      %dma_start3A_551 = tpu.memref_slice %arg20[%dma_start3A_549, %dma_start3A_550] : memref<16x80xf32, #tpu.memory_space<vmem>> -> memref<1x80xf32, #tpu.memory_space<vmem>>
      %dma_start3A_552 = tpu.memref_squeeze %dma_start3A_551 : memref<1x80xf32, #tpu.memory_space<vmem>> -> memref<80xf32, #tpu.memory_space<vmem>>
      %dma_start3A_553 = arith.constant 0 : i32
      %dma_start3A_554 = tpu.memref_slice %arg9[%squeeze3A_542, %squeeze3A_544, %squeeze3A_546, %squeeze3A_548, %dma_start3A_553] : memref<16x3x52x52x80xf32, #tpu.memory_space<hbm>> -> memref<1x1x1x1x80xf32, #tpu.memory_space<hbm>>
      %dma_start3A_555 = tpu.memref_squeeze %dma_start3A_554 : memref<1x1x1x1x80xf32, #tpu.memory_space<hbm>> -> memref<80xf32, #tpu.memory_space<hbm>>
      %dma_start3A_556 = arith.constant 0 : i32
      %dma_start3A_557 = tpu.memref_slice %arg20[%dma_start3A_549, %dma_start3A_556] : memref<16x80xf32, #tpu.memory_space<vmem>> -> memref<1x80xf32, #tpu.memory_space<vmem>>
      %dma_start3A_558 = tpu.memref_squeeze %dma_start3A_557 : memref<1x80xf32, #tpu.memory_space<vmem>> -> memref<80xf32, #tpu.memory_space<vmem>>
      %dma_start3A_559 = arith.constant 0 : i32
      %dma_start3A_560 = tpu.memref_slice %arg9[%squeeze3A_542, %squeeze3A_544, %squeeze3A_546, %squeeze3A_548, %dma_start3A_559] : memref<16x3x52x52x80xf32, #tpu.memory_space<hbm>> -> memref<1x1x1x1x80xf32, #tpu.memory_space<hbm>>
      %dma_start3A_561 = tpu.memref_squeeze %dma_start3A_560 : memref<1x1x1x1x80xf32, #tpu.memory_space<hbm>> -> memref<80xf32, #tpu.memory_space<hbm>>
      tpu.enqueue_dma source(%dma_start3A_561 : memref<80xf32, #tpu.memory_space<hbm>>) target(%dma_start3A_558 : memref<80xf32, #tpu.memory_space<vmem>>) target_semaphore(%arg21 : memref<!tpu.dma_semaphore, #tpu.memory_space<semaphore_mem>>)
      %slice3A_562 = vector.extract_strided_slice %select_n3A_491 {offsets = [3], sizes = [1], strides = [1]} : vector<16xi32> to vector<1xi32>
      %squeeze3A_563 = vector.extract %slice3A_562[0] : i32 from vector<1xi32>
      %slice3A_564 = vector.extract_strided_slice %select_n3A_494 {offsets = [3], sizes = [1], strides = [1]} : vector<16xi32> to vector<1xi32>
      %squeeze3A_565 = vector.extract %slice3A_564[0] : i32 from vector<1xi32>
      %slice3A_566 = vector.extract_strided_slice %select_n3A_497 {offsets = [3], sizes = [1], strides = [1]} : vector<16xi32> to vector<1xi32>
      %squeeze3A_567 = vector.extract %slice3A_566[0] : i32 from vector<1xi32>
      %slice3A_568 = vector.extract_strided_slice %select_n3A_500 {offsets = [3], sizes = [1], strides = [1]} : vector<16xi32> to vector<1xi32>
      %squeeze3A_569 = vector.extract %slice3A_568[0] : i32 from vector<1xi32>
      %dma_start3A_570 = arith.constant 3 : i32
      %dma_start3A_571 = arith.constant 0 : i32
      %dma_start3A_572 = tpu.memref_slice %arg20[%dma_start3A_570, %dma_start3A_571] : memref<16x80xf32, #tpu.memory_space<vmem>> -> memref<1x80xf32, #tpu.memory_space<vmem>>
      %dma_start3A_573 = tpu.memref_squeeze %dma_start3A_572 : memref<1x80xf32, #tpu.memory_space<vmem>> -> memref<80xf32, #tpu.memory_space<vmem>>
      %dma_start3A_574 = arith.constant 0 : i32
      %dma_start3A_575 = tpu.memref_slice %arg9[%squeeze3A_563, %squeeze3A_565, %squeeze3A_567, %squeeze3A_569, %dma_start3A_574] : memref<16x3x52x52x80xf32, #tpu.memory_space<hbm>> -> memref<1x1x1x1x80xf32, #tpu.memory_space<hbm>>
      %dma_start3A_576 = tpu.memref_squeeze %dma_start3A_575 : memref<1x1x1x1x80xf32, #tpu.memory_space<hbm>> -> memref<80xf32, #tpu.memory_space<hbm>>
      %dma_start3A_577 = arith.constant 0 : i32
      %dma_start3A_578 = tpu.memref_slice %arg20[%dma_start3A_570, %dma_start3A_577] : memref<16x80xf32, #tpu.memory_space<vmem>> -> memref<1x80xf32, #tpu.memory_space<vmem>>
      %dma_start3A_579 = tpu.memref_squeeze %dma_start3A_578 : memref<1x80xf32, #tpu.memory_space<vmem>> -> memref<80xf32, #tpu.memory_space<vmem>>
      %dma_start3A_580 = arith.constant 0 : i32
      %dma_start3A_581 = tpu.memref_slice %arg9[%squeeze3A_563, %squeeze3A_565, %squeeze3A_567, %squeeze3A_569, %dma_start3A_580] : memref<16x3x52x52x80xf32, #tpu.memory_space<hbm>> -> memref<1x1x1x1x80xf32, #tpu.memory_space<hbm>>
      %dma_start3A_582 = tpu.memref_squeeze %dma_start3A_581 : memref<1x1x1x1x80xf32, #tpu.memory_space<hbm>> -> memref<80xf32, #tpu.memory_space<hbm>>
      tpu.enqueue_dma source(%dma_start3A_582 : memref<80xf32, #tpu.memory_space<hbm>>) target(%dma_start3A_579 : memref<80xf32, #tpu.memory_space<vmem>>) target_semaphore(%arg21 : memref<!tpu.dma_semaphore, #tpu.memory_space<semaphore_mem>>)
      %slice3A_583 = vector.extract_strided_slice %select_n3A_491 {offsets = [4], sizes = [1], strides = [1]} : vector<16xi32> to vector<1xi32>
      %squeeze3A_584 = vector.extract %slice3A_583[0] : i32 from vector<1xi32>
      %slice3A_585 = vector.extract_strided_slice %select_n3A_494 {offsets = [4], sizes = [1], strides = [1]} : vector<16xi32> to vector<1xi32>
      %squeeze3A_586 = vector.extract %slice3A_585[0] : i32 from vector<1xi32>
      %slice3A_587 = vector.extract_strided_slice %select_n3A_497 {offsets = [4], sizes = [1], strides = [1]} : vector<16xi32> to vector<1xi32>
      %squeeze3A_588 = vector.extract %slice3A_587[0] : i32 from vector<1xi32>
      %slice3A_589 = vector.extract_strided_slice %select_n3A_500 {offsets = [4], sizes = [1], strides = [1]} : vector<16xi32> to vector<1xi32>
      %squeeze3A_590 = vector.extract %slice3A_589[0] : i32 from vector<1xi32>
      %dma_start3A_591 = arith.constant 4 : i32
      %dma_start3A_592 = arith.constant 0 : i32
      %dma_start3A_593 = tpu.memref_slice %arg20[%dma_start3A_591, %dma_start3A_592] : memref<16x80xf32, #tpu.memory_space<vmem>> -> memref<1x80xf32, #tpu.memory_space<vmem>>
      %dma_start3A_594 = tpu.memref_squeeze %dma_start3A_593 : memref<1x80xf32, #tpu.memory_space<vmem>> -> memref<80xf32, #tpu.memory_space<vmem>>
      %dma_start3A_595 = arith.constant 0 : i32
      %dma_start3A_596 = tpu.memref_slice %arg9[%squeeze3A_584, %squeeze3A_586, %squeeze3A_588, %squeeze3A_590, %dma_start3A_595] : memref<16x3x52x52x80xf32, #tpu.memory_space<hbm>> -> memref<1x1x1x1x80xf32, #tpu.memory_space<hbm>>
      %dma_start3A_597 = tpu.memref_squeeze %dma_start3A_596 : memref<1x1x1x1x80xf32, #tpu.memory_space<hbm>> -> memref<80xf32, #tpu.memory_space<hbm>>
      %dma_start3A_598 = arith.constant 0 : i32
      %dma_start3A_599 = tpu.memref_slice %arg20[%dma_start3A_591, %dma_start3A_598] : memref<16x80xf32, #tpu.memory_space<vmem>> -> memref<1x80xf32, #tpu.memory_space<vmem>>
      %dma_start3A_600 = tpu.memref_squeeze %dma_start3A_599 : memref<1x80xf32, #tpu.memory_space<vmem>> -> memref<80xf32, #tpu.memory_space<vmem>>
      %dma_start3A_601 = arith.constant 0 : i32
      %dma_start3A_602 = tpu.memref_slice %arg9[%squeeze3A_584, %squeeze3A_586, %squeeze3A_588, %squeeze3A_590, %dma_start3A_601] : memref<16x3x52x52x80xf32, #tpu.memory_space<hbm>> -> memref<1x1x1x1x80xf32, #tpu.memory_space<hbm>>
      %dma_start3A_603 = tpu.memref_squeeze %dma_start3A_602 : memref<1x1x1x1x80xf32, #tpu.memory_space<hbm>> -> memref<80xf32, #tpu.memory_space<hbm>>
      tpu.enqueue_dma source(%dma_start3A_603 : memref<80xf32, #tpu.memory_space<hbm>>) target(%dma_start3A_600 : memref<80xf32, #tpu.memory_space<vmem>>) target_semaphore(%arg21 : memref<!tpu.dma_semaphore, #tpu.memory_space<semaphore_mem>>)
      %slice3A_604 = vector.extract_strided_slice %select_n3A_491 {offsets = [5], sizes = [1], strides = [1]} : vector<16xi32> to vector<1xi32>
      %squeeze3A_605 = vector.extract %slice3A_604[0] : i32 from vector<1xi32>
      %slice3A_606 = vector.extract_strided_slice %select_n3A_494 {offsets = [5], sizes = [1], strides = [1]} : vector<16xi32> to vector<1xi32>
      %squeeze3A_607 = vector.extract %slice3A_606[0] : i32 from vector<1xi32>
      %slice3A_608 = vector.extract_strided_slice %select_n3A_497 {offsets = [5], sizes = [1], strides = [1]} : vector<16xi32> to vector<1xi32>
      %squeeze3A_609 = vector.extract %slice3A_608[0] : i32 from vector<1xi32>
      %slice3A_610 = vector.extract_strided_slice %select_n3A_500 {offsets = [5], sizes = [1], strides = [1]} : vector<16xi32> to vector<1xi32>
      %squeeze3A_611 = vector.extract %slice3A_610[0] : i32 from vector<1xi32>
      %dma_start3A_612 = arith.constant 5 : i32
      %dma_start3A_613 = arith.constant 0 : i32
      %dma_start3A_614 = tpu.memref_slice %arg20[%dma_start3A_612, %dma_start3A_613] : memref<16x80xf32, #tpu.memory_space<vmem>> -> memref<1x80xf32, #tpu.memory_space<vmem>>
      %dma_start3A_615 = tpu.memref_squeeze %dma_start3A_614 : memref<1x80xf32, #tpu.memory_space<vmem>> -> memref<80xf32, #tpu.memory_space<vmem>>
      %dma_start3A_616 = arith.constant 0 : i32
      %dma_start3A_617 = tpu.memref_slice %arg9[%squeeze3A_605, %squeeze3A_607, %squeeze3A_609, %squeeze3A_611, %dma_start3A_616] : memref<16x3x52x52x80xf32, #tpu.memory_space<hbm>> -> memref<1x1x1x1x80xf32, #tpu.memory_space<hbm>>
      %dma_start3A_618 = tpu.memref_squeeze %dma_start3A_617 : memref<1x1x1x1x80xf32, #tpu.memory_space<hbm>> -> memref<80xf32, #tpu.memory_space<hbm>>
      %dma_start3A_619 = arith.constant 0 : i32
      %dma_start3A_620 = tpu.memref_slice %arg20[%dma_start3A_612, %dma_start3A_619] : memref<16x80xf32, #tpu.memory_space<vmem>> -> memref<1x80xf32, #tpu.memory_space<vmem>>
      %dma_start3A_621 = tpu.memref_squeeze %dma_start3A_620 : memref<1x80xf32, #tpu.memory_space<vmem>> -> memref<80xf32, #tpu.memory_space<vmem>>
      %dma_start3A_622 = arith.constant 0 : i32
      %dma_start3A_623 = tpu.memref_slice %arg9[%squeeze3A_605, %squeeze3A_607, %squeeze3A_609, %squeeze3A_611, %dma_start3A_622] : memref<16x3x52x52x80xf32, #tpu.memory_space<hbm>> -> memref<1x1x1x1x80xf32, #tpu.memory_space<hbm>>
      %dma_start3A_624 = tpu.memref_squeeze %dma_start3A_623 : memref<1x1x1x1x80xf32, #tpu.memory_space<hbm>> -> memref<80xf32, #tpu.memory_space<hbm>>
      tpu.enqueue_dma source(%dma_start3A_624 : memref<80xf32, #tpu.memory_space<hbm>>) target(%dma_start3A_621 : memref<80xf32, #tpu.memory_space<vmem>>) target_semaphore(%arg21 : memref<!tpu.dma_semaphore, #tpu.memory_space<semaphore_mem>>)
      %slice3A_625 = vector.extract_strided_slice %select_n3A_491 {offsets = [6], sizes = [1], strides = [1]} : vector<16xi32> to vector<1xi32>
      %squeeze3A_626 = vector.extract %slice3A_625[0] : i32 from vector<1xi32>
      %slice3A_627 = vector.extract_strided_slice %select_n3A_494 {offsets = [6], sizes = [1], strides = [1]} : vector<16xi32> to vector<1xi32>
      %squeeze3A_628 = vector.extract %slice3A_627[0] : i32 from vector<1xi32>
      %slice3A_629 = vector.extract_strided_slice %select_n3A_497 {offsets = [6], sizes = [1], strides = [1]} : vector<16xi32> to vector<1xi32>
      %squeeze3A_630 = vector.extract %slice3A_629[0] : i32 from vector<1xi32>
      %slice3A_631 = vector.extract_strided_slice %select_n3A_500 {offsets = [6], sizes = [1], strides = [1]} : vector<16xi32> to vector<1xi32>
      %squeeze3A_632 = vector.extract %slice3A_631[0] : i32 from vector<1xi32>
      %dma_start3A_633 = arith.constant 6 : i32
      %dma_start3A_634 = arith.constant 0 : i32
      %dma_start3A_635 = tpu.memref_slice %arg20[%dma_start3A_633, %dma_start3A_634] : memref<16x80xf32, #tpu.memory_space<vmem>> -> memref<1x80xf32, #tpu.memory_space<vmem>>
      %dma_start3A_636 = tpu.memref_squeeze %dma_start3A_635 : memref<1x80xf32, #tpu.memory_space<vmem>> -> memref<80xf32, #tpu.memory_space<vmem>>
      %dma_start3A_637 = arith.constant 0 : i32
      %dma_start3A_638 = tpu.memref_slice %arg9[%squeeze3A_626, %squeeze3A_628, %squeeze3A_630, %squeeze3A_632, %dma_start3A_637] : memref<16x3x52x52x80xf32, #tpu.memory_space<hbm>> -> memref<1x1x1x1x80xf32, #tpu.memory_space<hbm>>
      %dma_start3A_639 = tpu.memref_squeeze %dma_start3A_638 : memref<1x1x1x1x80xf32, #tpu.memory_space<hbm>> -> memref<80xf32, #tpu.memory_space<hbm>>
      %dma_start3A_640 = arith.constant 0 : i32
      %dma_start3A_641 = tpu.memref_slice %arg20[%dma_start3A_633, %dma_start3A_640] : memref<16x80xf32, #tpu.memory_space<vmem>> -> memref<1x80xf32, #tpu.memory_space<vmem>>
      %dma_start3A_642 = tpu.memref_squeeze %dma_start3A_641 : memref<1x80xf32, #tpu.memory_space<vmem>> -> memref<80xf32, #tpu.memory_space<vmem>>
      %dma_start3A_643 = arith.constant 0 : i32
      %dma_start3A_644 = tpu.memref_slice %arg9[%squeeze3A_626, %squeeze3A_628, %squeeze3A_630, %squeeze3A_632, %dma_start3A_643] : memref<16x3x52x52x80xf32, #tpu.memory_space<hbm>> -> memref<1x1x1x1x80xf32, #tpu.memory_space<hbm>>
      %dma_start3A_645 = tpu.memref_squeeze %dma_start3A_644 : memref<1x1x1x1x80xf32, #tpu.memory_space<hbm>> -> memref<80xf32, #tpu.memory_space<hbm>>
      tpu.enqueue_dma source(%dma_start3A_645 : memref<80xf32, #tpu.memory_space<hbm>>) target(%dma_start3A_642 : memref<80xf32, #tpu.memory_space<vmem>>) target_semaphore(%arg21 : memref<!tpu.dma_semaphore, #tpu.memory_space<semaphore_mem>>)
      %slice3A_646 = vector.extract_strided_slice %select_n3A_491 {offsets = [7], sizes = [1], strides = [1]} : vector<16xi32> to vector<1xi32>
      %squeeze3A_647 = vector.extract %slice3A_646[0] : i32 from vector<1xi32>
      %slice3A_648 = vector.extract_strided_slice %select_n3A_494 {offsets = [7], sizes = [1], strides = [1]} : vector<16xi32> to vector<1xi32>
      %squeeze3A_649 = vector.extract %slice3A_648[0] : i32 from vector<1xi32>
      %slice3A_650 = vector.extract_strided_slice %select_n3A_497 {offsets = [7], sizes = [1], strides = [1]} : vector<16xi32> to vector<1xi32>
      %squeeze3A_651 = vector.extract %slice3A_650[0] : i32 from vector<1xi32>
      %slice3A_652 = vector.extract_strided_slice %select_n3A_500 {offsets = [7], sizes = [1], strides = [1]} : vector<16xi32> to vector<1xi32>
      %squeeze3A_653 = vector.extract %slice3A_652[0] : i32 from vector<1xi32>
      %dma_start3A_654 = arith.constant 7 : i32
      %dma_start3A_655 = arith.constant 0 : i32
      %dma_start3A_656 = tpu.memref_slice %arg20[%dma_start3A_654, %dma_start3A_655] : memref<16x80xf32, #tpu.memory_space<vmem>> -> memref<1x80xf32, #tpu.memory_space<vmem>>
      %dma_start3A_657 = tpu.memref_squeeze %dma_start3A_656 : memref<1x80xf32, #tpu.memory_space<vmem>> -> memref<80xf32, #tpu.memory_space<vmem>>
      %dma_start3A_658 = arith.constant 0 : i32
      %dma_start3A_659 = tpu.memref_slice %arg9[%squeeze3A_647, %squeeze3A_649, %squeeze3A_651, %squeeze3A_653, %dma_start3A_658] : memref<16x3x52x52x80xf32, #tpu.memory_space<hbm>> -> memref<1x1x1x1x80xf32, #tpu.memory_space<hbm>>
      %dma_start3A_660 = tpu.memref_squeeze %dma_start3A_659 : memref<1x1x1x1x80xf32, #tpu.memory_space<hbm>> -> memref<80xf32, #tpu.memory_space<hbm>>
      %dma_start3A_661 = arith.constant 0 : i32
      %dma_start3A_662 = tpu.memref_slice %arg20[%dma_start3A_654, %dma_start3A_661] : memref<16x80xf32, #tpu.memory_space<vmem>> -> memref<1x80xf32, #tpu.memory_space<vmem>>
      %dma_start3A_663 = tpu.memref_squeeze %dma_start3A_662 : memref<1x80xf32, #tpu.memory_space<vmem>> -> memref<80xf32, #tpu.memory_space<vmem>>
      %dma_start3A_664 = arith.constant 0 : i32
      %dma_start3A_665 = tpu.memref_slice %arg9[%squeeze3A_647, %squeeze3A_649, %squeeze3A_651, %squeeze3A_653, %dma_start3A_664] : memref<16x3x52x52x80xf32, #tpu.memory_space<hbm>> -> memref<1x1x1x1x80xf32, #tpu.memory_space<hbm>>
      %dma_start3A_666 = tpu.memref_squeeze %dma_start3A_665 : memref<1x1x1x1x80xf32, #tpu.memory_space<hbm>> -> memref<80xf32, #tpu.memory_space<hbm>>
      tpu.enqueue_dma source(%dma_start3A_666 : memref<80xf32, #tpu.memory_space<hbm>>) target(%dma_start3A_663 : memref<80xf32, #tpu.memory_space<vmem>>) target_semaphore(%arg21 : memref<!tpu.dma_semaphore, #tpu.memory_space<semaphore_mem>>)
      %slice3A_667 = vector.extract_strided_slice %select_n3A_491 {offsets = [8], sizes = [1], strides = [1]} : vector<16xi32> to vector<1xi32>
      %squeeze3A_668 = vector.extract %slice3A_667[0] : i32 from vector<1xi32>
      %slice3A_669 = vector.extract_strided_slice %select_n3A_494 {offsets = [8], sizes = [1], strides = [1]} : vector<16xi32> to vector<1xi32>
      %squeeze3A_670 = vector.extract %slice3A_669[0] : i32 from vector<1xi32>
      %slice3A_671 = vector.extract_strided_slice %select_n3A_497 {offsets = [8], sizes = [1], strides = [1]} : vector<16xi32> to vector<1xi32>
      %squeeze3A_672 = vector.extract %slice3A_671[0] : i32 from vector<1xi32>
      %slice3A_673 = vector.extract_strided_slice %select_n3A_500 {offsets = [8], sizes = [1], strides = [1]} : vector<16xi32> to vector<1xi32>
      %squeeze3A_674 = vector.extract %slice3A_673[0] : i32 from vector<1xi32>
      %dma_start3A_675 = arith.constant 8 : i32
      %dma_start3A_676 = arith.constant 0 : i32
      %dma_start3A_677 = tpu.memref_slice %arg20[%dma_start3A_675, %dma_start3A_676] : memref<16x80xf32, #tpu.memory_space<vmem>> -> memref<1x80xf32, #tpu.memory_space<vmem>>
      %dma_start3A_678 = tpu.memref_squeeze %dma_start3A_677 : memref<1x80xf32, #tpu.memory_space<vmem>> -> memref<80xf32, #tpu.memory_space<vmem>>
      %dma_start3A_679 = arith.constant 0 : i32
      %dma_start3A_680 = tpu.memref_slice %arg9[%squeeze3A_668, %squeeze3A_670, %squeeze3A_672, %squeeze3A_674, %dma_start3A_679] : memref<16x3x52x52x80xf32, #tpu.memory_space<hbm>> -> memref<1x1x1x1x80xf32, #tpu.memory_space<hbm>>
      %dma_start3A_681 = tpu.memref_squeeze %dma_start3A_680 : memref<1x1x1x1x80xf32, #tpu.memory_space<hbm>> -> memref<80xf32, #tpu.memory_space<hbm>>
      %dma_start3A_682 = arith.constant 0 : i32
      %dma_start3A_683 = tpu.memref_slice %arg20[%dma_start3A_675, %dma_start3A_682] : memref<16x80xf32, #tpu.memory_space<vmem>> -> memref<1x80xf32, #tpu.memory_space<vmem>>
      %dma_start3A_684 = tpu.memref_squeeze %dma_start3A_683 : memref<1x80xf32, #tpu.memory_space<vmem>> -> memref<80xf32, #tpu.memory_space<vmem>>
      %dma_start3A_685 = arith.constant 0 : i32
      %dma_start3A_686 = tpu.memref_slice %arg9[%squeeze3A_668, %squeeze3A_670, %squeeze3A_672, %squeeze3A_674, %dma_start3A_685] : memref<16x3x52x52x80xf32, #tpu.memory_space<hbm>> -> memref<1x1x1x1x80xf32, #tpu.memory_space<hbm>>
      %dma_start3A_687 = tpu.memref_squeeze %dma_start3A_686 : memref<1x1x1x1x80xf32, #tpu.memory_space<hbm>> -> memref<80xf32, #tpu.memory_space<hbm>>
      tpu.enqueue_dma source(%dma_start3A_687 : memref<80xf32, #tpu.memory_space<hbm>>) target(%dma_start3A_684 : memref<80xf32, #tpu.memory_space<vmem>>) target_semaphore(%arg21 : memref<!tpu.dma_semaphore, #tpu.memory_space<semaphore_mem>>)
      %slice3A_688 = vector.extract_strided_slice %select_n3A_491 {offsets = [9], sizes = [1], strides = [1]} : vector<16xi32> to vector<1xi32>
      %squeeze3A_689 = vector.extract %slice3A_688[0] : i32 from vector<1xi32>
      %slice3A_690 = vector.extract_strided_slice %select_n3A_494 {offsets = [9], sizes = [1], strides = [1]} : vector<16xi32> to vector<1xi32>
      %squeeze3A_691 = vector.extract %slice3A_690[0] : i32 from vector<1xi32>
      %slice3A_692 = vector.extract_strided_slice %select_n3A_497 {offsets = [9], sizes = [1], strides = [1]} : vector<16xi32> to vector<1xi32>
      %squeeze3A_693 = vector.extract %slice3A_692[0] : i32 from vector<1xi32>
      %slice3A_694 = vector.extract_strided_slice %select_n3A_500 {offsets = [9], sizes = [1], strides = [1]} : vector<16xi32> to vector<1xi32>
      %squeeze3A_695 = vector.extract %slice3A_694[0] : i32 from vector<1xi32>
      %dma_start3A_696 = arith.constant 9 : i32
      %dma_start3A_697 = arith.constant 0 : i32
      %dma_start3A_698 = tpu.memref_slice %arg20[%dma_start3A_696, %dma_start3A_697] : memref<16x80xf32, #tpu.memory_space<vmem>> -> memref<1x80xf32, #tpu.memory_space<vmem>>
      %dma_start3A_699 = tpu.memref_squeeze %dma_start3A_698 : memref<1x80xf32, #tpu.memory_space<vmem>> -> memref<80xf32, #tpu.memory_space<vmem>>
      %dma_start3A_700 = arith.constant 0 : i32
      %dma_start3A_701 = tpu.memref_slice %arg9[%squeeze3A_689, %squeeze3A_691, %squeeze3A_693, %squeeze3A_695, %dma_start3A_700] : memref<16x3x52x52x80xf32, #tpu.memory_space<hbm>> -> memref<1x1x1x1x80xf32, #tpu.memory_space<hbm>>
      %dma_start3A_702 = tpu.memref_squeeze %dma_start3A_701 : memref<1x1x1x1x80xf32, #tpu.memory_space<hbm>> -> memref<80xf32, #tpu.memory_space<hbm>>
      %dma_start3A_703 = arith.constant 0 : i32
      %dma_start3A_704 = tpu.memref_slice %arg20[%dma_start3A_696, %dma_start3A_703] : memref<16x80xf32, #tpu.memory_space<vmem>> -> memref<1x80xf32, #tpu.memory_space<vmem>>
      %dma_start3A_705 = tpu.memref_squeeze %dma_start3A_704 : memref<1x80xf32, #tpu.memory_space<vmem>> -> memref<80xf32, #tpu.memory_space<vmem>>
      %dma_start3A_706 = arith.constant 0 : i32
      %dma_start3A_707 = tpu.memref_slice %arg9[%squeeze3A_689, %squeeze3A_691, %squeeze3A_693, %squeeze3A_695, %dma_start3A_706] : memref<16x3x52x52x80xf32, #tpu.memory_space<hbm>> -> memref<1x1x1x1x80xf32, #tpu.memory_space<hbm>>
      %dma_start3A_708 = tpu.memref_squeeze %dma_start3A_707 : memref<1x1x1x1x80xf32, #tpu.memory_space<hbm>> -> memref<80xf32, #tpu.memory_space<hbm>>
      tpu.enqueue_dma source(%dma_start3A_708 : memref<80xf32, #tpu.memory_space<hbm>>) target(%dma_start3A_705 : memref<80xf32, #tpu.memory_space<vmem>>) target_semaphore(%arg21 : memref<!tpu.dma_semaphore, #tpu.memory_space<semaphore_mem>>)
      %slice3A_709 = vector.extract_strided_slice %select_n3A_491 {offsets = [10], sizes = [1], strides = [1]} : vector<16xi32> to vector<1xi32>
      %squeeze3A_710 = vector.extract %slice3A_709[0] : i32 from vector<1xi32>
      %slice3A_711 = vector.extract_strided_slice %select_n3A_494 {offsets = [10], sizes = [1], strides = [1]} : vector<16xi32> to vector<1xi32>
      %squeeze3A_712 = vector.extract %slice3A_711[0] : i32 from vector<1xi32>
      %slice3A_713 = vector.extract_strided_slice %select_n3A_497 {offsets = [10], sizes = [1], strides = [1]} : vector<16xi32> to vector<1xi32>
      %squeeze3A_714 = vector.extract %slice3A_713[0] : i32 from vector<1xi32>
      %slice3A_715 = vector.extract_strided_slice %select_n3A_500 {offsets = [10], sizes = [1], strides = [1]} : vector<16xi32> to vector<1xi32>
      %squeeze3A_716 = vector.extract %slice3A_715[0] : i32 from vector<1xi32>
      %dma_start3A_717 = arith.constant 10 : i32
      %dma_start3A_718 = arith.constant 0 : i32
      %dma_start3A_719 = tpu.memref_slice %arg20[%dma_start3A_717, %dma_start3A_718] : memref<16x80xf32, #tpu.memory_space<vmem>> -> memref<1x80xf32, #tpu.memory_space<vmem>>
      %dma_start3A_720 = tpu.memref_squeeze %dma_start3A_719 : memref<1x80xf32, #tpu.memory_space<vmem>> -> memref<80xf32, #tpu.memory_space<vmem>>
      %dma_start3A_721 = arith.constant 0 : i32
      %dma_start3A_722 = tpu.memref_slice %arg9[%squeeze3A_710, %squeeze3A_712, %squeeze3A_714, %squeeze3A_716, %dma_start3A_721] : memref<16x3x52x52x80xf32, #tpu.memory_space<hbm>> -> memref<1x1x1x1x80xf32, #tpu.memory_space<hbm>>
      %dma_start3A_723 = tpu.memref_squeeze %dma_start3A_722 : memref<1x1x1x1x80xf32, #tpu.memory_space<hbm>> -> memref<80xf32, #tpu.memory_space<hbm>>
      %dma_start3A_724 = arith.constant 0 : i32
      %dma_start3A_725 = tpu.memref_slice %arg20[%dma_start3A_717, %dma_start3A_724] : memref<16x80xf32, #tpu.memory_space<vmem>> -> memref<1x80xf32, #tpu.memory_space<vmem>>
      %dma_start3A_726 = tpu.memref_squeeze %dma_start3A_725 : memref<1x80xf32, #tpu.memory_space<vmem>> -> memref<80xf32, #tpu.memory_space<vmem>>
      %dma_start3A_727 = arith.constant 0 : i32
      %dma_start3A_728 = tpu.memref_slice %arg9[%squeeze3A_710, %squeeze3A_712, %squeeze3A_714, %squeeze3A_716, %dma_start3A_727] : memref<16x3x52x52x80xf32, #tpu.memory_space<hbm>> -> memref<1x1x1x1x80xf32, #tpu.memory_space<hbm>>
      %dma_start3A_729 = tpu.memref_squeeze %dma_start3A_728 : memref<1x1x1x1x80xf32, #tpu.memory_space<hbm>> -> memref<80xf32, #tpu.memory_space<hbm>>
      tpu.enqueue_dma source(%dma_start3A_729 : memref<80xf32, #tpu.memory_space<hbm>>) target(%dma_start3A_726 : memref<80xf32, #tpu.memory_space<vmem>>) target_semaphore(%arg21 : memref<!tpu.dma_semaphore, #tpu.memory_space<semaphore_mem>>)
      %slice3A_730 = vector.extract_strided_slice %select_n3A_491 {offsets = [11], sizes = [1], strides = [1]} : vector<16xi32> to vector<1xi32>
      %squeeze3A_731 = vector.extract %slice3A_730[0] : i32 from vector<1xi32>
      %slice3A_732 = vector.extract_strided_slice %select_n3A_494 {offsets = [11], sizes = [1], strides = [1]} : vector<16xi32> to vector<1xi32>
      %squeeze3A_733 = vector.extract %slice3A_732[0] : i32 from vector<1xi32>
      %slice3A_734 = vector.extract_strided_slice %select_n3A_497 {offsets = [11], sizes = [1], strides = [1]} : vector<16xi32> to vector<1xi32>
      %squeeze3A_735 = vector.extract %slice3A_734[0] : i32 from vector<1xi32>
      %slice3A_736 = vector.extract_strided_slice %select_n3A_500 {offsets = [11], sizes = [1], strides = [1]} : vector<16xi32> to vector<1xi32>
      %squeeze3A_737 = vector.extract %slice3A_736[0] : i32 from vector<1xi32>
      %dma_start3A_738 = arith.constant 11 : i32
      %dma_start3A_739 = arith.constant 0 : i32
      %dma_start3A_740 = tpu.memref_slice %arg20[%dma_start3A_738, %dma_start3A_739] : memref<16x80xf32, #tpu.memory_space<vmem>> -> memref<1x80xf32, #tpu.memory_space<vmem>>
      %dma_start3A_741 = tpu.memref_squeeze %dma_start3A_740 : memref<1x80xf32, #tpu.memory_space<vmem>> -> memref<80xf32, #tpu.memory_space<vmem>>
      %dma_start3A_742 = arith.constant 0 : i32
      %dma_start3A_743 = tpu.memref_slice %arg9[%squeeze3A_731, %squeeze3A_733, %squeeze3A_735, %squeeze3A_737, %dma_start3A_742] : memref<16x3x52x52x80xf32, #tpu.memory_space<hbm>> -> memref<1x1x1x1x80xf32, #tpu.memory_space<hbm>>
      %dma_start3A_744 = tpu.memref_squeeze %dma_start3A_743 : memref<1x1x1x1x80xf32, #tpu.memory_space<hbm>> -> memref<80xf32, #tpu.memory_space<hbm>>
      %dma_start3A_745 = arith.constant 0 : i32
      %dma_start3A_746 = tpu.memref_slice %arg20[%dma_start3A_738, %dma_start3A_745] : memref<16x80xf32, #tpu.memory_space<vmem>> -> memref<1x80xf32, #tpu.memory_space<vmem>>
      %dma_start3A_747 = tpu.memref_squeeze %dma_start3A_746 : memref<1x80xf32, #tpu.memory_space<vmem>> -> memref<80xf32, #tpu.memory_space<vmem>>
      %dma_start3A_748 = arith.constant 0 : i32
      %dma_start3A_749 = tpu.memref_slice %arg9[%squeeze3A_731, %squeeze3A_733, %squeeze3A_735, %squeeze3A_737, %dma_start3A_748] : memref<16x3x52x52x80xf32, #tpu.memory_space<hbm>> -> memref<1x1x1x1x80xf32, #tpu.memory_space<hbm>>
      %dma_start3A_750 = tpu.memref_squeeze %dma_start3A_749 : memref<1x1x1x1x80xf32, #tpu.memory_space<hbm>> -> memref<80xf32, #tpu.memory_space<hbm>>
      tpu.enqueue_dma source(%dma_start3A_750 : memref<80xf32, #tpu.memory_space<hbm>>) target(%dma_start3A_747 : memref<80xf32, #tpu.memory_space<vmem>>) target_semaphore(%arg21 : memref<!tpu.dma_semaphore, #tpu.memory_space<semaphore_mem>>)
      %slice3A_751 = vector.extract_strided_slice %select_n3A_491 {offsets = [12], sizes = [1], strides = [1]} : vector<16xi32> to vector<1xi32>
      %squeeze3A_752 = vector.extract %slice3A_751[0] : i32 from vector<1xi32>
      %slice3A_753 = vector.extract_strided_slice %select_n3A_494 {offsets = [12], sizes = [1], strides = [1]} : vector<16xi32> to vector<1xi32>
      %squeeze3A_754 = vector.extract %slice3A_753[0] : i32 from vector<1xi32>
      %slice3A_755 = vector.extract_strided_slice %select_n3A_497 {offsets = [12], sizes = [1], strides = [1]} : vector<16xi32> to vector<1xi32>
      %squeeze3A_756 = vector.extract %slice3A_755[0] : i32 from vector<1xi32>
      %slice3A_757 = vector.extract_strided_slice %select_n3A_500 {offsets = [12], sizes = [1], strides = [1]} : vector<16xi32> to vector<1xi32>
      %squeeze3A_758 = vector.extract %slice3A_757[0] : i32 from vector<1xi32>
      %dma_start3A_759 = arith.constant 12 : i32
      %dma_start3A_760 = arith.constant 0 : i32
      %dma_start3A_761 = tpu.memref_slice %arg20[%dma_start3A_759, %dma_start3A_760] : memref<16x80xf32, #tpu.memory_space<vmem>> -> memref<1x80xf32, #tpu.memory_space<vmem>>
      %dma_start3A_762 = tpu.memref_squeeze %dma_start3A_761 : memref<1x80xf32, #tpu.memory_space<vmem>> -> memref<80xf32, #tpu.memory_space<vmem>>
      %dma_start3A_763 = arith.constant 0 : i32
      %dma_start3A_764 = tpu.memref_slice %arg9[%squeeze3A_752, %squeeze3A_754, %squeeze3A_756, %squeeze3A_758, %dma_start3A_763] : memref<16x3x52x52x80xf32, #tpu.memory_space<hbm>> -> memref<1x1x1x1x80xf32, #tpu.memory_space<hbm>>
      %dma_start3A_765 = tpu.memref_squeeze %dma_start3A_764 : memref<1x1x1x1x80xf32, #tpu.memory_space<hbm>> -> memref<80xf32, #tpu.memory_space<hbm>>
      %dma_start3A_766 = arith.constant 0 : i32
      %dma_start3A_767 = tpu.memref_slice %arg20[%dma_start3A_759, %dma_start3A_766] : memref<16x80xf32, #tpu.memory_space<vmem>> -> memref<1x80xf32, #tpu.memory_space<vmem>>
      %dma_start3A_768 = tpu.memref_squeeze %dma_start3A_767 : memref<1x80xf32, #tpu.memory_space<vmem>> -> memref<80xf32, #tpu.memory_space<vmem>>
      %dma_start3A_769 = arith.constant 0 : i32
      %dma_start3A_770 = tpu.memref_slice %arg9[%squeeze3A_752, %squeeze3A_754, %squeeze3A_756, %squeeze3A_758, %dma_start3A_769] : memref<16x3x52x52x80xf32, #tpu.memory_space<hbm>> -> memref<1x1x1x1x80xf32, #tpu.memory_space<hbm>>
      %dma_start3A_771 = tpu.memref_squeeze %dma_start3A_770 : memref<1x1x1x1x80xf32, #tpu.memory_space<hbm>> -> memref<80xf32, #tpu.memory_space<hbm>>
      tpu.enqueue_dma source(%dma_start3A_771 : memref<80xf32, #tpu.memory_space<hbm>>) target(%dma_start3A_768 : memref<80xf32, #tpu.memory_space<vmem>>) target_semaphore(%arg21 : memref<!tpu.dma_semaphore, #tpu.memory_space<semaphore_mem>>)
      %slice3A_772 = vector.extract_strided_slice %select_n3A_491 {offsets = [13], sizes = [1], strides = [1]} : vector<16xi32> to vector<1xi32>
      %squeeze3A_773 = vector.extract %slice3A_772[0] : i32 from vector<1xi32>
      %slice3A_774 = vector.extract_strided_slice %select_n3A_494 {offsets = [13], sizes = [1], strides = [1]} : vector<16xi32> to vector<1xi32>
      %squeeze3A_775 = vector.extract %slice3A_774[0] : i32 from vector<1xi32>
      %slice3A_776 = vector.extract_strided_slice %select_n3A_497 {offsets = [13], sizes = [1], strides = [1]} : vector<16xi32> to vector<1xi32>
      %squeeze3A_777 = vector.extract %slice3A_776[0] : i32 from vector<1xi32>
      %slice3A_778 = vector.extract_strided_slice %select_n3A_500 {offsets = [13], sizes = [1], strides = [1]} : vector<16xi32> to vector<1xi32>
      %squeeze3A_779 = vector.extract %slice3A_778[0] : i32 from vector<1xi32>
      %dma_start3A_780 = arith.constant 13 : i32
      %dma_start3A_781 = arith.constant 0 : i32
      %dma_start3A_782 = tpu.memref_slice %arg20[%dma_start3A_780, %dma_start3A_781] : memref<16x80xf32, #tpu.memory_space<vmem>> -> memref<1x80xf32, #tpu.memory_space<vmem>>
      %dma_start3A_783 = tpu.memref_squeeze %dma_start3A_782 : memref<1x80xf32, #tpu.memory_space<vmem>> -> memref<80xf32, #tpu.memory_space<vmem>>
      %dma_start3A_784 = arith.constant 0 : i32
      %dma_start3A_785 = tpu.memref_slice %arg9[%squeeze3A_773, %squeeze3A_775, %squeeze3A_777, %squeeze3A_779, %dma_start3A_784] : memref<16x3x52x52x80xf32, #tpu.memory_space<hbm>> -> memref<1x1x1x1x80xf32, #tpu.memory_space<hbm>>
      %dma_start3A_786 = tpu.memref_squeeze %dma_start3A_785 : memref<1x1x1x1x80xf32, #tpu.memory_space<hbm>> -> memref<80xf32, #tpu.memory_space<hbm>>
      %dma_start3A_787 = arith.constant 0 : i32
      %dma_start3A_788 = tpu.memref_slice %arg20[%dma_start3A_780, %dma_start3A_787] : memref<16x80xf32, #tpu.memory_space<vmem>> -> memref<1x80xf32, #tpu.memory_space<vmem>>
      %dma_start3A_789 = tpu.memref_squeeze %dma_start3A_788 : memref<1x80xf32, #tpu.memory_space<vmem>> -> memref<80xf32, #tpu.memory_space<vmem>>
      %dma_start3A_790 = arith.constant 0 : i32
      %dma_start3A_791 = tpu.memref_slice %arg9[%squeeze3A_773, %squeeze3A_775, %squeeze3A_777, %squeeze3A_779, %dma_start3A_790] : memref<16x3x52x52x80xf32, #tpu.memory_space<hbm>> -> memref<1x1x1x1x80xf32, #tpu.memory_space<hbm>>
      %dma_start3A_792 = tpu.memref_squeeze %dma_start3A_791 : memref<1x1x1x1x80xf32, #tpu.memory_space<hbm>> -> memref<80xf32, #tpu.memory_space<hbm>>
      tpu.enqueue_dma source(%dma_start3A_792 : memref<80xf32, #tpu.memory_space<hbm>>) target(%dma_start3A_789 : memref<80xf32, #tpu.memory_space<vmem>>) target_semaphore(%arg21 : memref<!tpu.dma_semaphore, #tpu.memory_space<semaphore_mem>>)
      %slice3A_793 = vector.extract_strided_slice %select_n3A_491 {offsets = [14], sizes = [1], strides = [1]} : vector<16xi32> to vector<1xi32>
      %squeeze3A_794 = vector.extract %slice3A_793[0] : i32 from vector<1xi32>
      %slice3A_795 = vector.extract_strided_slice %select_n3A_494 {offsets = [14], sizes = [1], strides = [1]} : vector<16xi32> to vector<1xi32>
      %squeeze3A_796 = vector.extract %slice3A_795[0] : i32 from vector<1xi32>
      %slice3A_797 = vector.extract_strided_slice %select_n3A_497 {offsets = [14], sizes = [1], strides = [1]} : vector<16xi32> to vector<1xi32>
      %squeeze3A_798 = vector.extract %slice3A_797[0] : i32 from vector<1xi32>
      %slice3A_799 = vector.extract_strided_slice %select_n3A_500 {offsets = [14], sizes = [1], strides = [1]} : vector<16xi32> to vector<1xi32>
      %squeeze3A_800 = vector.extract %slice3A_799[0] : i32 from vector<1xi32>
      %dma_start3A_801 = arith.constant 14 : i32
      %dma_start3A_802 = arith.constant 0 : i32
      %dma_start3A_803 = tpu.memref_slice %arg20[%dma_start3A_801, %dma_start3A_802] : memref<16x80xf32, #tpu.memory_space<vmem>> -> memref<1x80xf32, #tpu.memory_space<vmem>>
      %dma_start3A_804 = tpu.memref_squeeze %dma_start3A_803 : memref<1x80xf32, #tpu.memory_space<vmem>> -> memref<80xf32, #tpu.memory_space<vmem>>
      %dma_start3A_805 = arith.constant 0 : i32
      %dma_start3A_806 = tpu.memref_slice %arg9[%squeeze3A_794, %squeeze3A_796, %squeeze3A_798, %squeeze3A_800, %dma_start3A_805] : memref<16x3x52x52x80xf32, #tpu.memory_space<hbm>> -> memref<1x1x1x1x80xf32, #tpu.memory_space<hbm>>
      %dma_start3A_807 = tpu.memref_squeeze %dma_start3A_806 : memref<1x1x1x1x80xf32, #tpu.memory_space<hbm>> -> memref<80xf32, #tpu.memory_space<hbm>>
      %dma_start3A_808 = arith.constant 0 : i32
      %dma_start3A_809 = tpu.memref_slice %arg20[%dma_start3A_801, %dma_start3A_808] : memref<16x80xf32, #tpu.memory_space<vmem>> -> memref<1x80xf32, #tpu.memory_space<vmem>>
      %dma_start3A_810 = tpu.memref_squeeze %dma_start3A_809 : memref<1x80xf32, #tpu.memory_space<vmem>> -> memref<80xf32, #tpu.memory_space<vmem>>
      %dma_start3A_811 = arith.constant 0 : i32
      %dma_start3A_812 = tpu.memref_slice %arg9[%squeeze3A_794, %squeeze3A_796, %squeeze3A_798, %squeeze3A_800, %dma_start3A_811] : memref<16x3x52x52x80xf32, #tpu.memory_space<hbm>> -> memref<1x1x1x1x80xf32, #tpu.memory_space<hbm>>
      %dma_start3A_813 = tpu.memref_squeeze %dma_start3A_812 : memref<1x1x1x1x80xf32, #tpu.memory_space<hbm>> -> memref<80xf32, #tpu.memory_space<hbm>>
      tpu.enqueue_dma source(%dma_start3A_813 : memref<80xf32, #tpu.memory_space<hbm>>) target(%dma_start3A_810 : memref<80xf32, #tpu.memory_space<vmem>>) target_semaphore(%arg21 : memref<!tpu.dma_semaphore, #tpu.memory_space<semaphore_mem>>)
      %slice3A_814 = vector.extract_strided_slice %select_n3A_491 {offsets = [15], sizes = [1], strides = [1]} : vector<16xi32> to vector<1xi32>
      %squeeze3A_815 = vector.extract %slice3A_814[0] : i32 from vector<1xi32>
      %slice3A_816 = vector.extract_strided_slice %select_n3A_494 {offsets = [15], sizes = [1], strides = [1]} : vector<16xi32> to vector<1xi32>
      %squeeze3A_817 = vector.extract %slice3A_816[0] : i32 from vector<1xi32>
      %slice3A_818 = vector.extract_strided_slice %select_n3A_497 {offsets = [15], sizes = [1], strides = [1]} : vector<16xi32> to vector<1xi32>
      %squeeze3A_819 = vector.extract %slice3A_818[0] : i32 from vector<1xi32>
      %slice3A_820 = vector.extract_strided_slice %select_n3A_500 {offsets = [15], sizes = [1], strides = [1]} : vector<16xi32> to vector<1xi32>
      %squeeze3A_821 = vector.extract %slice3A_820[0] : i32 from vector<1xi32>
      %dma_start3A_822 = arith.constant 15 : i32
      %dma_start3A_823 = arith.constant 0 : i32
      %dma_start3A_824 = tpu.memref_slice %arg20[%dma_start3A_822, %dma_start3A_823] : memref<16x80xf32, #tpu.memory_space<vmem>> -> memref<1x80xf32, #tpu.memory_space<vmem>>
      %dma_start3A_825 = tpu.memref_squeeze %dma_start3A_824 : memref<1x80xf32, #tpu.memory_space<vmem>> -> memref<80xf32, #tpu.memory_space<vmem>>
      %dma_start3A_826 = arith.constant 0 : i32
      %dma_start3A_827 = tpu.memref_slice %arg9[%squeeze3A_815, %squeeze3A_817, %squeeze3A_819, %squeeze3A_821, %dma_start3A_826] : memref<16x3x52x52x80xf32, #tpu.memory_space<hbm>> -> memref<1x1x1x1x80xf32, #tpu.memory_space<hbm>>
      %dma_start3A_828 = tpu.memref_squeeze %dma_start3A_827 : memref<1x1x1x1x80xf32, #tpu.memory_space<hbm>> -> memref<80xf32, #tpu.memory_space<hbm>>
      %dma_start3A_829 = arith.constant 0 : i32
      %dma_start3A_830 = tpu.memref_slice %arg20[%dma_start3A_822, %dma_start3A_829] : memref<16x80xf32, #tpu.memory_space<vmem>> -> memref<1x80xf32, #tpu.memory_space<vmem>>
      %dma_start3A_831 = tpu.memref_squeeze %dma_start3A_830 : memref<1x80xf32, #tpu.memory_space<vmem>> -> memref<80xf32, #tpu.memory_space<vmem>>
      %dma_start3A_832 = arith.constant 0 : i32
      %dma_start3A_833 = tpu.memref_slice %arg9[%squeeze3A_815, %squeeze3A_817, %squeeze3A_819, %squeeze3A_821, %dma_start3A_832] : memref<16x3x52x52x80xf32, #tpu.memory_space<hbm>> -> memref<1x1x1x1x80xf32, #tpu.memory_space<hbm>>
      %dma_start3A_834 = tpu.memref_squeeze %dma_start3A_833 : memref<1x1x1x1x80xf32, #tpu.memory_space<hbm>> -> memref<80xf32, #tpu.memory_space<hbm>>
      tpu.enqueue_dma source(%dma_start3A_834 : memref<80xf32, #tpu.memory_space<hbm>>) target(%dma_start3A_831 : memref<80xf32, #tpu.memory_space<vmem>>) target_semaphore(%arg21 : memref<!tpu.dma_semaphore, #tpu.memory_space<semaphore_mem>>)
      %dma_wait3A_835 = arith.constant 0 : i32
      %dma_wait3A_836 = arith.constant 4 : i32
      %dma_wait3A_837 = arith.constant 0 : i32
      %dma_wait3A_838 = tpu.memref_slice %arg18[%dma_wait3A_836, %dma_wait3A_837] : memref<8x16xf32, #tpu.memory_space<vmem>> -> memref<1x16xf32, #tpu.memory_space<vmem>>
      %dma_wait3A_839 = tpu.memref_squeeze %dma_wait3A_838 : memref<1x16xf32, #tpu.memory_space<vmem>> -> memref<16xf32, #tpu.memory_space<vmem>>
      %dma_wait3A_840 = arith.constant 0 : i32
      %dma_wait3A_841 = tpu.memref_slice %arg16[%dma_wait3A_835, %dma_wait3A_840] : memref<4x16xi32, #tpu.memory_space<vmem>> -> memref<1x16xi32, #tpu.memory_space<vmem>>
      %dma_wait3A_842 = tpu.memref_squeeze %dma_wait3A_841 : memref<1x16xi32, #tpu.memory_space<vmem>> -> memref<16xi32, #tpu.memory_space<vmem>>
      %dma_wait3A_843 = arith.constant 0 : i32
      %dma_wait3A_844 = tpu.memref_slice %arg5[%dma_wait3A_843] : memref<129792xf32, #tpu.memory_space<hbm>> -> memref<129792xf32, #tpu.memory_space<hbm>>
      tpu.wait_indirect_dma semaphore(%arg21 : memref<!tpu.dma_semaphore, #tpu.memory_space<semaphore_mem>>) src(%dma_wait3A_844 : memref<129792xf32, #tpu.memory_space<hbm>>) dst(%dma_wait3A_839 : memref<16xf32, #tpu.memory_space<vmem>>)
      %dma_wait3A_845 = arith.constant 0 : i32
      %dma_wait3A_846 = arith.constant 5 : i32
      %dma_wait3A_847 = arith.constant 0 : i32
      %dma_wait3A_848 = tpu.memref_slice %arg18[%dma_wait3A_846, %dma_wait3A_847] : memref<8x16xf32, #tpu.memory_space<vmem>> -> memref<1x16xf32, #tpu.memory_space<vmem>>
      %dma_wait3A_849 = tpu.memref_squeeze %dma_wait3A_848 : memref<1x16xf32, #tpu.memory_space<vmem>> -> memref<16xf32, #tpu.memory_space<vmem>>
      %dma_wait3A_850 = arith.constant 0 : i32
      %dma_wait3A_851 = tpu.memref_slice %arg16[%dma_wait3A_845, %dma_wait3A_850] : memref<4x16xi32, #tpu.memory_space<vmem>> -> memref<1x16xi32, #tpu.memory_space<vmem>>
      %dma_wait3A_852 = tpu.memref_squeeze %dma_wait3A_851 : memref<1x16xi32, #tpu.memory_space<vmem>> -> memref<16xi32, #tpu.memory_space<vmem>>
      %dma_wait3A_853 = arith.constant 0 : i32
      %dma_wait3A_854 = tpu.memref_slice %arg6[%dma_wait3A_853] : memref<129792xf32, #tpu.memory_space<hbm>> -> memref<129792xf32, #tpu.memory_space<hbm>>
      tpu.wait_indirect_dma semaphore(%arg21 : memref<!tpu.dma_semaphore, #tpu.memory_space<semaphore_mem>>) src(%dma_wait3A_854 : memref<129792xf32, #tpu.memory_space<hbm>>) dst(%dma_wait3A_849 : memref<16xf32, #tpu.memory_space<vmem>>)
      %dma_wait3A_855 = arith.constant 0 : i32
      %dma_wait3A_856 = arith.constant 6 : i32
      %dma_wait3A_857 = arith.constant 0 : i32
      %dma_wait3A_858 = tpu.memref_slice %arg18[%dma_wait3A_856, %dma_wait3A_857] : memref<8x16xf32, #tpu.memory_space<vmem>> -> memref<1x16xf32, #tpu.memory_space<vmem>>
      %dma_wait3A_859 = tpu.memref_squeeze %dma_wait3A_858 : memref<1x16xf32, #tpu.memory_space<vmem>> -> memref<16xf32, #tpu.memory_space<vmem>>
      %dma_wait3A_860 = arith.constant 0 : i32
      %dma_wait3A_861 = tpu.memref_slice %arg16[%dma_wait3A_855, %dma_wait3A_860] : memref<4x16xi32, #tpu.memory_space<vmem>> -> memref<1x16xi32, #tpu.memory_space<vmem>>
      %dma_wait3A_862 = tpu.memref_squeeze %dma_wait3A_861 : memref<1x16xi32, #tpu.memory_space<vmem>> -> memref<16xi32, #tpu.memory_space<vmem>>
      %dma_wait3A_863 = arith.constant 0 : i32
      %dma_wait3A_864 = tpu.memref_slice %arg7[%dma_wait3A_863] : memref<129792xf32, #tpu.memory_space<hbm>> -> memref<129792xf32, #tpu.memory_space<hbm>>
      tpu.wait_indirect_dma semaphore(%arg21 : memref<!tpu.dma_semaphore, #tpu.memory_space<semaphore_mem>>) src(%dma_wait3A_864 : memref<129792xf32, #tpu.memory_space<hbm>>) dst(%dma_wait3A_859 : memref<16xf32, #tpu.memory_space<vmem>>)
      %dma_wait3A_865 = arith.constant 0 : i32
      %dma_wait3A_866 = arith.constant 7 : i32
      %dma_wait3A_867 = arith.constant 0 : i32
      %dma_wait3A_868 = tpu.memref_slice %arg18[%dma_wait3A_866, %dma_wait3A_867] : memref<8x16xf32, #tpu.memory_space<vmem>> -> memref<1x16xf32, #tpu.memory_space<vmem>>
      %dma_wait3A_869 = tpu.memref_squeeze %dma_wait3A_868 : memref<1x16xf32, #tpu.memory_space<vmem>> -> memref<16xf32, #tpu.memory_space<vmem>>
      %dma_wait3A_870 = arith.constant 0 : i32
      %dma_wait3A_871 = tpu.memref_slice %arg16[%dma_wait3A_865, %dma_wait3A_870] : memref<4x16xi32, #tpu.memory_space<vmem>> -> memref<1x16xi32, #tpu.memory_space<vmem>>
      %dma_wait3A_872 = tpu.memref_squeeze %dma_wait3A_871 : memref<1x16xi32, #tpu.memory_space<vmem>> -> memref<16xi32, #tpu.memory_space<vmem>>
      %dma_wait3A_873 = arith.constant 0 : i32
      %dma_wait3A_874 = tpu.memref_slice %arg8[%dma_wait3A_873] : memref<129792xf32, #tpu.memory_space<hbm>> -> memref<129792xf32, #tpu.memory_space<hbm>>
      tpu.wait_indirect_dma semaphore(%arg21 : memref<!tpu.dma_semaphore, #tpu.memory_space<semaphore_mem>>) src(%dma_wait3A_874 : memref<129792xf32, #tpu.memory_space<hbm>>) dst(%dma_wait3A_869 : memref<16xf32, #tpu.memory_space<vmem>>)
      %dma_wait3A_875 = arith.constant 0 : i32
      %dma_wait3A_876 = arith.constant 0 : i32
      %dma_wait3A_877 = arith.constant 0 : i32
      %dma_wait3A_878 = tpu.memref_slice %arg19[%dma_wait3A_876, %dma_wait3A_877] : memref<4x16xf32, #tpu.memory_space<vmem>> -> memref<1x16xf32, #tpu.memory_space<vmem>>
      %dma_wait3A_879 = tpu.memref_squeeze %dma_wait3A_878 : memref<1x16xf32, #tpu.memory_space<vmem>> -> memref<16xf32, #tpu.memory_space<vmem>>
      %dma_wait3A_880 = arith.constant 0 : i32
      %dma_wait3A_881 = tpu.memref_slice %arg16[%dma_wait3A_875, %dma_wait3A_880] : memref<4x16xi32, #tpu.memory_space<vmem>> -> memref<1x16xi32, #tpu.memory_space<vmem>>
      %dma_wait3A_882 = tpu.memref_squeeze %dma_wait3A_881 : memref<1x16xi32, #tpu.memory_space<vmem>> -> memref<16xi32, #tpu.memory_space<vmem>>
      %dma_wait3A_883 = arith.constant 0 : i32
      %dma_wait3A_884 = tpu.memref_slice %arg4[%dma_wait3A_883] : memref<129792xf32, #tpu.memory_space<hbm>> -> memref<129792xf32, #tpu.memory_space<hbm>>
      tpu.wait_indirect_dma semaphore(%arg21 : memref<!tpu.dma_semaphore, #tpu.memory_space<semaphore_mem>>) src(%dma_wait3A_884 : memref<129792xf32, #tpu.memory_space<hbm>>) dst(%dma_wait3A_879 : memref<16xf32, #tpu.memory_space<vmem>>)
      %dma_wait3A_885 = arith.constant 1 : i32
      %dma_wait3A_886 = arith.constant 1 : i32
      %dma_wait3A_887 = arith.constant 0 : i32
      %dma_wait3A_888 = tpu.memref_slice %arg19[%dma_wait3A_886, %dma_wait3A_887] : memref<4x16xf32, #tpu.memory_space<vmem>> -> memref<1x16xf32, #tpu.memory_space<vmem>>
      %dma_wait3A_889 = tpu.memref_squeeze %dma_wait3A_888 : memref<1x16xf32, #tpu.memory_space<vmem>> -> memref<16xf32, #tpu.memory_space<vmem>>
      %dma_wait3A_890 = arith.constant 0 : i32
      %dma_wait3A_891 = tpu.memref_slice %arg16[%dma_wait3A_885, %dma_wait3A_890] : memref<4x16xi32, #tpu.memory_space<vmem>> -> memref<1x16xi32, #tpu.memory_space<vmem>>
      %dma_wait3A_892 = tpu.memref_squeeze %dma_wait3A_891 : memref<1x16xi32, #tpu.memory_space<vmem>> -> memref<16xi32, #tpu.memory_space<vmem>>
      %dma_wait3A_893 = arith.constant 0 : i32
      %dma_wait3A_894 = tpu.memref_slice %arg4[%dma_wait3A_893] : memref<129792xf32, #tpu.memory_space<hbm>> -> memref<129792xf32, #tpu.memory_space<hbm>>
      tpu.wait_indirect_dma semaphore(%arg21 : memref<!tpu.dma_semaphore, #tpu.memory_space<semaphore_mem>>) src(%dma_wait3A_894 : memref<129792xf32, #tpu.memory_space<hbm>>) dst(%dma_wait3A_889 : memref<16xf32, #tpu.memory_space<vmem>>)
      %dma_wait3A_895 = arith.constant 2 : i32
      %dma_wait3A_896 = arith.constant 2 : i32
      %dma_wait3A_897 = arith.constant 0 : i32
      %dma_wait3A_898 = tpu.memref_slice %arg19[%dma_wait3A_896, %dma_wait3A_897] : memref<4x16xf32, #tpu.memory_space<vmem>> -> memref<1x16xf32, #tpu.memory_space<vmem>>
      %dma_wait3A_899 = tpu.memref_squeeze %dma_wait3A_898 : memref<1x16xf32, #tpu.memory_space<vmem>> -> memref<16xf32, #tpu.memory_space<vmem>>
      %dma_wait3A_900 = arith.constant 0 : i32
      %dma_wait3A_901 = tpu.memref_slice %arg16[%dma_wait3A_895, %dma_wait3A_900] : memref<4x16xi32, #tpu.memory_space<vmem>> -> memref<1x16xi32, #tpu.memory_space<vmem>>
      %dma_wait3A_902 = tpu.memref_squeeze %dma_wait3A_901 : memref<1x16xi32, #tpu.memory_space<vmem>> -> memref<16xi32, #tpu.memory_space<vmem>>
      %dma_wait3A_903 = arith.constant 0 : i32
      %dma_wait3A_904 = tpu.memref_slice %arg4[%dma_wait3A_903] : memref<129792xf32, #tpu.memory_space<hbm>> -> memref<129792xf32, #tpu.memory_space<hbm>>
      tpu.wait_indirect_dma semaphore(%arg21 : memref<!tpu.dma_semaphore, #tpu.memory_space<semaphore_mem>>) src(%dma_wait3A_904 : memref<129792xf32, #tpu.memory_space<hbm>>) dst(%dma_wait3A_899 : memref<16xf32, #tpu.memory_space<vmem>>)
      %dma_wait3A_905 = arith.constant 3 : i32
      %dma_wait3A_906 = arith.constant 3 : i32
      %dma_wait3A_907 = arith.constant 0 : i32
      %dma_wait3A_908 = tpu.memref_slice %arg19[%dma_wait3A_906, %dma_wait3A_907] : memref<4x16xf32, #tpu.memory_space<vmem>> -> memref<1x16xf32, #tpu.memory_space<vmem>>
      %dma_wait3A_909 = tpu.memref_squeeze %dma_wait3A_908 : memref<1x16xf32, #tpu.memory_space<vmem>> -> memref<16xf32, #tpu.memory_space<vmem>>
      %dma_wait3A_910 = arith.constant 0 : i32
      %dma_wait3A_911 = tpu.memref_slice %arg16[%dma_wait3A_905, %dma_wait3A_910] : memref<4x16xi32, #tpu.memory_space<vmem>> -> memref<1x16xi32, #tpu.memory_space<vmem>>
      %dma_wait3A_912 = tpu.memref_squeeze %dma_wait3A_911 : memref<1x16xi32, #tpu.memory_space<vmem>> -> memref<16xi32, #tpu.memory_space<vmem>>
      %dma_wait3A_913 = arith.constant 0 : i32
      %dma_wait3A_914 = tpu.memref_slice %arg4[%dma_wait3A_913] : memref<129792xf32, #tpu.memory_space<hbm>> -> memref<129792xf32, #tpu.memory_space<hbm>>
      tpu.wait_indirect_dma semaphore(%arg21 : memref<!tpu.dma_semaphore, #tpu.memory_space<semaphore_mem>>) src(%dma_wait3A_914 : memref<129792xf32, #tpu.memory_space<hbm>>) dst(%dma_wait3A_909 : memref<16xf32, #tpu.memory_space<vmem>>)
      %dma_wait3A_915 = arith.constant 0 : i32
      %dma_wait3A_916 = arith.constant 0 : i32
      %dma_wait3A_917 = tpu.memref_slice %arg20[%dma_wait3A_915, %dma_wait3A_916] : memref<16x80xf32, #tpu.memory_space<vmem>> -> memref<1x80xf32, #tpu.memory_space<vmem>>
      %dma_wait3A_918 = tpu.memref_squeeze %dma_wait3A_917 : memref<1x80xf32, #tpu.memory_space<vmem>> -> memref<80xf32, #tpu.memory_space<vmem>>
      %dma_wait3A_919 = arith.constant 0 : i32
      %dma_wait3A_920 = tpu.memref_slice %arg9[%squeeze3A, %squeeze3A_502, %squeeze3A_504, %squeeze3A_506, %dma_wait3A_919] : memref<16x3x52x52x80xf32, #tpu.memory_space<hbm>> -> memref<1x1x1x1x80xf32, #tpu.memory_space<hbm>>
      %dma_wait3A_921 = tpu.memref_squeeze %dma_wait3A_920 : memref<1x1x1x1x80xf32, #tpu.memory_space<hbm>> -> memref<80xf32, #tpu.memory_space<hbm>>
      %dma_wait3A_922 = arith.constant 0 : i32
      %dma_wait3A_923 = tpu.memref_slice %arg20[%dma_wait3A_915, %dma_wait3A_922] : memref<16x80xf32, #tpu.memory_space<vmem>> -> memref<1x80xf32, #tpu.memory_space<vmem>>
      %dma_wait3A_924 = tpu.memref_squeeze %dma_wait3A_923 : memref<1x80xf32, #tpu.memory_space<vmem>> -> memref<80xf32, #tpu.memory_space<vmem>>
      %dma_wait3A_925 = arith.constant 0 : i32
      %dma_wait3A_926 = tpu.memref_slice %arg9[%squeeze3A, %squeeze3A_502, %squeeze3A_504, %squeeze3A_506, %dma_wait3A_925] : memref<16x3x52x52x80xf32, #tpu.memory_space<hbm>> -> memref<1x1x1x1x80xf32, #tpu.memory_space<hbm>>
      %dma_wait3A_927 = tpu.memref_squeeze %dma_wait3A_926 : memref<1x1x1x1x80xf32, #tpu.memory_space<hbm>> -> memref<80xf32, #tpu.memory_space<hbm>>
      tpu.wait_dma2 semaphore(%arg21 : memref<!tpu.dma_semaphore, #tpu.memory_space<semaphore_mem>>) src(%dma_wait3A_927 : memref<80xf32, #tpu.memory_space<hbm>>) dst(%dma_wait3A_924 : memref<80xf32, #tpu.memory_space<vmem>>)
      %dma_wait3A_928 = arith.constant 1 : i32
      %dma_wait3A_929 = arith.constant 0 : i32
      %dma_wait3A_930 = tpu.memref_slice %arg20[%dma_wait3A_928, %dma_wait3A_929] : memref<16x80xf32, #tpu.memory_space<vmem>> -> memref<1x80xf32, #tpu.memory_space<vmem>>
      %dma_wait3A_931 = tpu.memref_squeeze %dma_wait3A_930 : memref<1x80xf32, #tpu.memory_space<vmem>> -> memref<80xf32, #tpu.memory_space<vmem>>
      %dma_wait3A_932 = arith.constant 0 : i32
      %dma_wait3A_933 = tpu.memref_slice %arg9[%squeeze3A_521, %squeeze3A_523, %squeeze3A_525, %squeeze3A_527, %dma_wait3A_932] : memref<16x3x52x52x80xf32, #tpu.memory_space<hbm>> -> memref<1x1x1x1x80xf32, #tpu.memory_space<hbm>>
      %dma_wait3A_934 = tpu.memref_squeeze %dma_wait3A_933 : memref<1x1x1x1x80xf32, #tpu.memory_space<hbm>> -> memref<80xf32, #tpu.memory_space<hbm>>
      %dma_wait3A_935 = arith.constant 0 : i32
      %dma_wait3A_936 = tpu.memref_slice %arg20[%dma_wait3A_928, %dma_wait3A_935] : memref<16x80xf32, #tpu.memory_space<vmem>> -> memref<1x80xf32, #tpu.memory_space<vmem>>
      %dma_wait3A_937 = tpu.memref_squeeze %dma_wait3A_936 : memref<1x80xf32, #tpu.memory_space<vmem>> -> memref<80xf32, #tpu.memory_space<vmem>>
      %dma_wait3A_938 = arith.constant 0 : i32
      %dma_wait3A_939 = tpu.memref_slice %arg9[%squeeze3A_521, %squeeze3A_523, %squeeze3A_525, %squeeze3A_527, %dma_wait3A_938] : memref<16x3x52x52x80xf32, #tpu.memory_space<hbm>> -> memref<1x1x1x1x80xf32, #tpu.memory_space<hbm>>
      %dma_wait3A_940 = tpu.memref_squeeze %dma_wait3A_939 : memref<1x1x1x1x80xf32, #tpu.memory_space<hbm>> -> memref<80xf32, #tpu.memory_space<hbm>>
      tpu.wait_dma2 semaphore(%arg21 : memref<!tpu.dma_semaphore, #tpu.memory_space<semaphore_mem>>) src(%dma_wait3A_940 : memref<80xf32, #tpu.memory_space<hbm>>) dst(%dma_wait3A_937 : memref<80xf32, #tpu.memory_space<vmem>>)
      %dma_wait3A_941 = arith.constant 2 : i32
      %dma_wait3A_942 = arith.constant 0 : i32
      %dma_wait3A_943 = tpu.memref_slice %arg20[%dma_wait3A_941, %dma_wait3A_942] : memref<16x80xf32, #tpu.memory_space<vmem>> -> memref<1x80xf32, #tpu.memory_space<vmem>>
      %dma_wait3A_944 = tpu.memref_squeeze %dma_wait3A_943 : memref<1x80xf32, #tpu.memory_space<vmem>> -> memref<80xf32, #tpu.memory_space<vmem>>
      %dma_wait3A_945 = arith.constant 0 : i32
      %dma_wait3A_946 = tpu.memref_slice %arg9[%squeeze3A_542, %squeeze3A_544, %squeeze3A_546, %squeeze3A_548, %dma_wait3A_945] : memref<16x3x52x52x80xf32, #tpu.memory_space<hbm>> -> memref<1x1x1x1x80xf32, #tpu.memory_space<hbm>>
      %dma_wait3A_947 = tpu.memref_squeeze %dma_wait3A_946 : memref<1x1x1x1x80xf32, #tpu.memory_space<hbm>> -> memref<80xf32, #tpu.memory_space<hbm>>
      %dma_wait3A_948 = arith.constant 0 : i32
      %dma_wait3A_949 = tpu.memref_slice %arg20[%dma_wait3A_941, %dma_wait3A_948] : memref<16x80xf32, #tpu.memory_space<vmem>> -> memref<1x80xf32, #tpu.memory_space<vmem>>
      %dma_wait3A_950 = tpu.memref_squeeze %dma_wait3A_949 : memref<1x80xf32, #tpu.memory_space<vmem>> -> memref<80xf32, #tpu.memory_space<vmem>>
      %dma_wait3A_951 = arith.constant 0 : i32
      %dma_wait3A_952 = tpu.memref_slice %arg9[%squeeze3A_542, %squeeze3A_544, %squeeze3A_546, %squeeze3A_548, %dma_wait3A_951] : memref<16x3x52x52x80xf32, #tpu.memory_space<hbm>> -> memref<1x1x1x1x80xf32, #tpu.memory_space<hbm>>
      %dma_wait3A_953 = tpu.memref_squeeze %dma_wait3A_952 : memref<1x1x1x1x80xf32, #tpu.memory_space<hbm>> -> memref<80xf32, #tpu.memory_space<hbm>>
      tpu.wait_dma2 semaphore(%arg21 : memref<!tpu.dma_semaphore, #tpu.memory_space<semaphore_mem>>) src(%dma_wait3A_953 : memref<80xf32, #tpu.memory_space<hbm>>) dst(%dma_wait3A_950 : memref<80xf32, #tpu.memory_space<vmem>>)
      %dma_wait3A_954 = arith.constant 3 : i32
      %dma_wait3A_955 = arith.constant 0 : i32
      %dma_wait3A_956 = tpu.memref_slice %arg20[%dma_wait3A_954, %dma_wait3A_955] : memref<16x80xf32, #tpu.memory_space<vmem>> -> memref<1x80xf32, #tpu.memory_space<vmem>>
      %dma_wait3A_957 = tpu.memref_squeeze %dma_wait3A_956 : memref<1x80xf32, #tpu.memory_space<vmem>> -> memref<80xf32, #tpu.memory_space<vmem>>
      %dma_wait3A_958 = arith.constant 0 : i32
      %dma_wait3A_959 = tpu.memref_slice %arg9[%squeeze3A_563, %squeeze3A_565, %squeeze3A_567, %squeeze3A_569, %dma_wait3A_958] : memref<16x3x52x52x80xf32, #tpu.memory_space<hbm>> -> memref<1x1x1x1x80xf32, #tpu.memory_space<hbm>>
      %dma_wait3A_960 = tpu.memref_squeeze %dma_wait3A_959 : memref<1x1x1x1x80xf32, #tpu.memory_space<hbm>> -> memref<80xf32, #tpu.memory_space<hbm>>
      %dma_wait3A_961 = arith.constant 0 : i32
      %dma_wait3A_962 = tpu.memref_slice %arg20[%dma_wait3A_954, %dma_wait3A_961] : memref<16x80xf32, #tpu.memory_space<vmem>> -> memref<1x80xf32, #tpu.memory_space<vmem>>
      %dma_wait3A_963 = tpu.memref_squeeze %dma_wait3A_962 : memref<1x80xf32, #tpu.memory_space<vmem>> -> memref<80xf32, #tpu.memory_space<vmem>>
      %dma_wait3A_964 = arith.constant 0 : i32
      %dma_wait3A_965 = tpu.memref_slice %arg9[%squeeze3A_563, %squeeze3A_565, %squeeze3A_567, %squeeze3A_569, %dma_wait3A_964] : memref<16x3x52x52x80xf32, #tpu.memory_space<hbm>> -> memref<1x1x1x1x80xf32, #tpu.memory_space<hbm>>
      %dma_wait3A_966 = tpu.memref_squeeze %dma_wait3A_965 : memref<1x1x1x1x80xf32, #tpu.memory_space<hbm>> -> memref<80xf32, #tpu.memory_space<hbm>>
      tpu.wait_dma2 semaphore(%arg21 : memref<!tpu.dma_semaphore, #tpu.memory_space<semaphore_mem>>) src(%dma_wait3A_966 : memref<80xf32, #tpu.memory_space<hbm>>) dst(%dma_wait3A_963 : memref<80xf32, #tpu.memory_space<vmem>>)
      %dma_wait3A_967 = arith.constant 4 : i32
      %dma_wait3A_968 = arith.constant 0 : i32
      %dma_wait3A_969 = tpu.memref_slice %arg20[%dma_wait3A_967, %dma_wait3A_968] : memref<16x80xf32, #tpu.memory_space<vmem>> -> memref<1x80xf32, #tpu.memory_space<vmem>>
      %dma_wait3A_970 = tpu.memref_squeeze %dma_wait3A_969 : memref<1x80xf32, #tpu.memory_space<vmem>> -> memref<80xf32, #tpu.memory_space<vmem>>
      %dma_wait3A_971 = arith.constant 0 : i32
      %dma_wait3A_972 = tpu.memref_slice %arg9[%squeeze3A_584, %squeeze3A_586, %squeeze3A_588, %squeeze3A_590, %dma_wait3A_971] : memref<16x3x52x52x80xf32, #tpu.memory_space<hbm>> -> memref<1x1x1x1x80xf32, #tpu.memory_space<hbm>>
      %dma_wait3A_973 = tpu.memref_squeeze %dma_wait3A_972 : memref<1x1x1x1x80xf32, #tpu.memory_space<hbm>> -> memref<80xf32, #tpu.memory_space<hbm>>
      %dma_wait3A_974 = arith.constant 0 : i32
      %dma_wait3A_975 = tpu.memref_slice %arg20[%dma_wait3A_967, %dma_wait3A_974] : memref<16x80xf32, #tpu.memory_space<vmem>> -> memref<1x80xf32, #tpu.memory_space<vmem>>
      %dma_wait3A_976 = tpu.memref_squeeze %dma_wait3A_975 : memref<1x80xf32, #tpu.memory_space<vmem>> -> memref<80xf32, #tpu.memory_space<vmem>>
      %dma_wait3A_977 = arith.constant 0 : i32
      %dma_wait3A_978 = tpu.memref_slice %arg9[%squeeze3A_584, %squeeze3A_586, %squeeze3A_588, %squeeze3A_590, %dma_wait3A_977] : memref<16x3x52x52x80xf32, #tpu.memory_space<hbm>> -> memref<1x1x1x1x80xf32, #tpu.memory_space<hbm>>
      %dma_wait3A_979 = tpu.memref_squeeze %dma_wait3A_978 : memref<1x1x1x1x80xf32, #tpu.memory_space<hbm>> -> memref<80xf32, #tpu.memory_space<hbm>>
      tpu.wait_dma2 semaphore(%arg21 : memref<!tpu.dma_semaphore, #tpu.memory_space<semaphore_mem>>) src(%dma_wait3A_979 : memref<80xf32, #tpu.memory_space<hbm>>) dst(%dma_wait3A_976 : memref<80xf32, #tpu.memory_space<vmem>>)
      %dma_wait3A_980 = arith.constant 5 : i32
      %dma_wait3A_981 = arith.constant 0 : i32
      %dma_wait3A_982 = tpu.memref_slice %arg20[%dma_wait3A_980, %dma_wait3A_981] : memref<16x80xf32, #tpu.memory_space<vmem>> -> memref<1x80xf32, #tpu.memory_space<vmem>>
      %dma_wait3A_983 = tpu.memref_squeeze %dma_wait3A_982 : memref<1x80xf32, #tpu.memory_space<vmem>> -> memref<80xf32, #tpu.memory_space<vmem>>
      %dma_wait3A_984 = arith.constant 0 : i32
      %dma_wait3A_985 = tpu.memref_slice %arg9[%squeeze3A_605, %squeeze3A_607, %squeeze3A_609, %squeeze3A_611, %dma_wait3A_984] : memref<16x3x52x52x80xf32, #tpu.memory_space<hbm>> -> memref<1x1x1x1x80xf32, #tpu.memory_space<hbm>>
      %dma_wait3A_986 = tpu.memref_squeeze %dma_wait3A_985 : memref<1x1x1x1x80xf32, #tpu.memory_space<hbm>> -> memref<80xf32, #tpu.memory_space<hbm>>
      %dma_wait3A_987 = arith.constant 0 : i32
      %dma_wait3A_988 = tpu.memref_slice %arg20[%dma_wait3A_980, %dma_wait3A_987] : memref<16x80xf32, #tpu.memory_space<vmem>> -> memref<1x80xf32, #tpu.memory_space<vmem>>
      %dma_wait3A_989 = tpu.memref_squeeze %dma_wait3A_988 : memref<1x80xf32, #tpu.memory_space<vmem>> -> memref<80xf32, #tpu.memory_space<vmem>>
      %dma_wait3A_990 = arith.constant 0 : i32
      %dma_wait3A_991 = tpu.memref_slice %arg9[%squeeze3A_605, %squeeze3A_607, %squeeze3A_609, %squeeze3A_611, %dma_wait3A_990] : memref<16x3x52x52x80xf32, #tpu.memory_space<hbm>> -> memref<1x1x1x1x80xf32, #tpu.memory_space<hbm>>
      %dma_wait3A_992 = tpu.memref_squeeze %dma_wait3A_991 : memref<1x1x1x1x80xf32, #tpu.memory_space<hbm>> -> memref<80xf32, #tpu.memory_space<hbm>>
      tpu.wait_dma2 semaphore(%arg21 : memref<!tpu.dma_semaphore, #tpu.memory_space<semaphore_mem>>) src(%dma_wait3A_992 : memref<80xf32, #tpu.memory_space<hbm>>) dst(%dma_wait3A_989 : memref<80xf32, #tpu.memory_space<vmem>>)
      %dma_wait3A_993 = arith.constant 6 : i32
      %dma_wait3A_994 = arith.constant 0 : i32
      %dma_wait3A_995 = tpu.memref_slice %arg20[%dma_wait3A_993, %dma_wait3A_994] : memref<16x80xf32, #tpu.memory_space<vmem>> -> memref<1x80xf32, #tpu.memory_space<vmem>>
      %dma_wait3A_996 = tpu.memref_squeeze %dma_wait3A_995 : memref<1x80xf32, #tpu.memory_space<vmem>> -> memref<80xf32, #tpu.memory_space<vmem>>
      %dma_wait3A_997 = arith.constant 0 : i32
      %dma_wait3A_998 = tpu.memref_slice %arg9[%squeeze3A_626, %squeeze3A_628, %squeeze3A_630, %squeeze3A_632, %dma_wait3A_997] : memref<16x3x52x52x80xf32, #tpu.memory_space<hbm>> -> memref<1x1x1x1x80xf32, #tpu.memory_space<hbm>>
      %dma_wait3A_999 = tpu.memref_squeeze %dma_wait3A_998 : memref<1x1x1x1x80xf32, #tpu.memory_space<hbm>> -> memref<80xf32, #tpu.memory_space<hbm>>
      %dma_wait3A_1000 = arith.constant 0 : i32
      %dma_wait3A_1001 = tpu.memref_slice %arg20[%dma_wait3A_993, %dma_wait3A_1000] : memref<16x80xf32, #tpu.memory_space<vmem>> -> memref<1x80xf32, #tpu.memory_space<vmem>>
      %dma_wait3A_1002 = tpu.memref_squeeze %dma_wait3A_1001 : memref<1x80xf32, #tpu.memory_space<vmem>> -> memref<80xf32, #tpu.memory_space<vmem>>
      %dma_wait3A_1003 = arith.constant 0 : i32
      %dma_wait3A_1004 = tpu.memref_slice %arg9[%squeeze3A_626, %squeeze3A_628, %squeeze3A_630, %squeeze3A_632, %dma_wait3A_1003] : memref<16x3x52x52x80xf32, #tpu.memory_space<hbm>> -> memref<1x1x1x1x80xf32, #tpu.memory_space<hbm>>
      %dma_wait3A_1005 = tpu.memref_squeeze %dma_wait3A_1004 : memref<1x1x1x1x80xf32, #tpu.memory_space<hbm>> -> memref<80xf32, #tpu.memory_space<hbm>>
      tpu.wait_dma2 semaphore(%arg21 : memref<!tpu.dma_semaphore, #tpu.memory_space<semaphore_mem>>) src(%dma_wait3A_1005 : memref<80xf32, #tpu.memory_space<hbm>>) dst(%dma_wait3A_1002 : memref<80xf32, #tpu.memory_space<vmem>>)
      %dma_wait3A_1006 = arith.constant 7 : i32
      %dma_wait3A_1007 = arith.constant 0 : i32
      %dma_wait3A_1008 = tpu.memref_slice %arg20[%dma_wait3A_1006, %dma_wait3A_1007] : memref<16x80xf32, #tpu.memory_space<vmem>> -> memref<1x80xf32, #tpu.memory_space<vmem>>
      %dma_wait3A_1009 = tpu.memref_squeeze %dma_wait3A_1008 : memref<1x80xf32, #tpu.memory_space<vmem>> -> memref<80xf32, #tpu.memory_space<vmem>>
      %dma_wait3A_1010 = arith.constant 0 : i32
      %dma_wait3A_1011 = tpu.memref_slice %arg9[%squeeze3A_647, %squeeze3A_649, %squeeze3A_651, %squeeze3A_653, %dma_wait3A_1010] : memref<16x3x52x52x80xf32, #tpu.memory_space<hbm>> -> memref<1x1x1x1x80xf32, #tpu.memory_space<hbm>>
      %dma_wait3A_1012 = tpu.memref_squeeze %dma_wait3A_1011 : memref<1x1x1x1x80xf32, #tpu.memory_space<hbm>> -> memref<80xf32, #tpu.memory_space<hbm>>
      %dma_wait3A_1013 = arith.constant 0 : i32
      %dma_wait3A_1014 = tpu.memref_slice %arg20[%dma_wait3A_1006, %dma_wait3A_1013] : memref<16x80xf32, #tpu.memory_space<vmem>> -> memref<1x80xf32, #tpu.memory_space<vmem>>
      %dma_wait3A_1015 = tpu.memref_squeeze %dma_wait3A_1014 : memref<1x80xf32, #tpu.memory_space<vmem>> -> memref<80xf32, #tpu.memory_space<vmem>>
      %dma_wait3A_1016 = arith.constant 0 : i32
      %dma_wait3A_1017 = tpu.memref_slice %arg9[%squeeze3A_647, %squeeze3A_649, %squeeze3A_651, %squeeze3A_653, %dma_wait3A_1016] : memref<16x3x52x52x80xf32, #tpu.memory_space<hbm>> -> memref<1x1x1x1x80xf32, #tpu.memory_space<hbm>>
      %dma_wait3A_1018 = tpu.memref_squeeze %dma_wait3A_1017 : memref<1x1x1x1x80xf32, #tpu.memory_space<hbm>> -> memref<80xf32, #tpu.memory_space<hbm>>
      tpu.wait_dma2 semaphore(%arg21 : memref<!tpu.dma_semaphore, #tpu.memory_space<semaphore_mem>>) src(%dma_wait3A_1018 : memref<80xf32, #tpu.memory_space<hbm>>) dst(%dma_wait3A_1015 : memref<80xf32, #tpu.memory_space<vmem>>)
      %dma_wait3A_1019 = arith.constant 8 : i32
      %dma_wait3A_1020 = arith.constant 0 : i32
      %dma_wait3A_1021 = tpu.memref_slice %arg20[%dma_wait3A_1019, %dma_wait3A_1020] : memref<16x80xf32, #tpu.memory_space<vmem>> -> memref<1x80xf32, #tpu.memory_space<vmem>>
      %dma_wait3A_1022 = tpu.memref_squeeze %dma_wait3A_1021 : memref<1x80xf32, #tpu.memory_space<vmem>> -> memref<80xf32, #tpu.memory_space<vmem>>
      %dma_wait3A_1023 = arith.constant 0 : i32
      %dma_wait3A_1024 = tpu.memref_slice %arg9[%squeeze3A_668, %squeeze3A_670, %squeeze3A_672, %squeeze3A_674, %dma_wait3A_1023] : memref<16x3x52x52x80xf32, #tpu.memory_space<hbm>> -> memref<1x1x1x1x80xf32, #tpu.memory_space<hbm>>
      %dma_wait3A_1025 = tpu.memref_squeeze %dma_wait3A_1024 : memref<1x1x1x1x80xf32, #tpu.memory_space<hbm>> -> memref<80xf32, #tpu.memory_space<hbm>>
      %dma_wait3A_1026 = arith.constant 0 : i32
      %dma_wait3A_1027 = tpu.memref_slice %arg20[%dma_wait3A_1019, %dma_wait3A_1026] : memref<16x80xf32, #tpu.memory_space<vmem>> -> memref<1x80xf32, #tpu.memory_space<vmem>>
      %dma_wait3A_1028 = tpu.memref_squeeze %dma_wait3A_1027 : memref<1x80xf32, #tpu.memory_space<vmem>> -> memref<80xf32, #tpu.memory_space<vmem>>
      %dma_wait3A_1029 = arith.constant 0 : i32
      %dma_wait3A_1030 = tpu.memref_slice %arg9[%squeeze3A_668, %squeeze3A_670, %squeeze3A_672, %squeeze3A_674, %dma_wait3A_1029] : memref<16x3x52x52x80xf32, #tpu.memory_space<hbm>> -> memref<1x1x1x1x80xf32, #tpu.memory_space<hbm>>
      %dma_wait3A_1031 = tpu.memref_squeeze %dma_wait3A_1030 : memref<1x1x1x1x80xf32, #tpu.memory_space<hbm>> -> memref<80xf32, #tpu.memory_space<hbm>>
      tpu.wait_dma2 semaphore(%arg21 : memref<!tpu.dma_semaphore, #tpu.memory_space<semaphore_mem>>) src(%dma_wait3A_1031 : memref<80xf32, #tpu.memory_space<hbm>>) dst(%dma_wait3A_1028 : memref<80xf32, #tpu.memory_space<vmem>>)
      %dma_wait3A_1032 = arith.constant 9 : i32
      %dma_wait3A_1033 = arith.constant 0 : i32
      %dma_wait3A_1034 = tpu.memref_slice %arg20[%dma_wait3A_1032, %dma_wait3A_1033] : memref<16x80xf32, #tpu.memory_space<vmem>> -> memref<1x80xf32, #tpu.memory_space<vmem>>
      %dma_wait3A_1035 = tpu.memref_squeeze %dma_wait3A_1034 : memref<1x80xf32, #tpu.memory_space<vmem>> -> memref<80xf32, #tpu.memory_space<vmem>>
      %dma_wait3A_1036 = arith.constant 0 : i32
      %dma_wait3A_1037 = tpu.memref_slice %arg9[%squeeze3A_689, %squeeze3A_691, %squeeze3A_693, %squeeze3A_695, %dma_wait3A_1036] : memref<16x3x52x52x80xf32, #tpu.memory_space<hbm>> -> memref<1x1x1x1x80xf32, #tpu.memory_space<hbm>>
      %dma_wait3A_1038 = tpu.memref_squeeze %dma_wait3A_1037 : memref<1x1x1x1x80xf32, #tpu.memory_space<hbm>> -> memref<80xf32, #tpu.memory_space<hbm>>
      %dma_wait3A_1039 = arith.constant 0 : i32
      %dma_wait3A_1040 = tpu.memref_slice %arg20[%dma_wait3A_1032, %dma_wait3A_1039] : memref<16x80xf32, #tpu.memory_space<vmem>> -> memref<1x80xf32, #tpu.memory_space<vmem>>
      %dma_wait3A_1041 = tpu.memref_squeeze %dma_wait3A_1040 : memref<1x80xf32, #tpu.memory_space<vmem>> -> memref<80xf32, #tpu.memory_space<vmem>>
      %dma_wait3A_1042 = arith.constant 0 : i32
      %dma_wait3A_1043 = tpu.memref_slice %arg9[%squeeze3A_689, %squeeze3A_691, %squeeze3A_693, %squeeze3A_695, %dma_wait3A_1042] : memref<16x3x52x52x80xf32, #tpu.memory_space<hbm>> -> memref<1x1x1x1x80xf32, #tpu.memory_space<hbm>>
      %dma_wait3A_1044 = tpu.memref_squeeze %dma_wait3A_1043 : memref<1x1x1x1x80xf32, #tpu.memory_space<hbm>> -> memref<80xf32, #tpu.memory_space<hbm>>
      tpu.wait_dma2 semaphore(%arg21 : memref<!tpu.dma_semaphore, #tpu.memory_space<semaphore_mem>>) src(%dma_wait3A_1044 : memref<80xf32, #tpu.memory_space<hbm>>) dst(%dma_wait3A_1041 : memref<80xf32, #tpu.memory_space<vmem>>)
      %dma_wait3A_1045 = arith.constant 10 : i32
      %dma_wait3A_1046 = arith.constant 0 : i32
      %dma_wait3A_1047 = tpu.memref_slice %arg20[%dma_wait3A_1045, %dma_wait3A_1046] : memref<16x80xf32, #tpu.memory_space<vmem>> -> memref<1x80xf32, #tpu.memory_space<vmem>>
      %dma_wait3A_1048 = tpu.memref_squeeze %dma_wait3A_1047 : memref<1x80xf32, #tpu.memory_space<vmem>> -> memref<80xf32, #tpu.memory_space<vmem>>
      %dma_wait3A_1049 = arith.constant 0 : i32
      %dma_wait3A_1050 = tpu.memref_slice %arg9[%squeeze3A_710, %squeeze3A_712, %squeeze3A_714, %squeeze3A_716, %dma_wait3A_1049] : memref<16x3x52x52x80xf32, #tpu.memory_space<hbm>> -> memref<1x1x1x1x80xf32, #tpu.memory_space<hbm>>
      %dma_wait3A_1051 = tpu.memref_squeeze %dma_wait3A_1050 : memref<1x1x1x1x80xf32, #tpu.memory_space<hbm>> -> memref<80xf32, #tpu.memory_space<hbm>>
      %dma_wait3A_1052 = arith.constant 0 : i32
      %dma_wait3A_1053 = tpu.memref_slice %arg20[%dma_wait3A_1045, %dma_wait3A_1052] : memref<16x80xf32, #tpu.memory_space<vmem>> -> memref<1x80xf32, #tpu.memory_space<vmem>>
      %dma_wait3A_1054 = tpu.memref_squeeze %dma_wait3A_1053 : memref<1x80xf32, #tpu.memory_space<vmem>> -> memref<80xf32, #tpu.memory_space<vmem>>
      %dma_wait3A_1055 = arith.constant 0 : i32
      %dma_wait3A_1056 = tpu.memref_slice %arg9[%squeeze3A_710, %squeeze3A_712, %squeeze3A_714, %squeeze3A_716, %dma_wait3A_1055] : memref<16x3x52x52x80xf32, #tpu.memory_space<hbm>> -> memref<1x1x1x1x80xf32, #tpu.memory_space<hbm>>
      %dma_wait3A_1057 = tpu.memref_squeeze %dma_wait3A_1056 : memref<1x1x1x1x80xf32, #tpu.memory_space<hbm>> -> memref<80xf32, #tpu.memory_space<hbm>>
      tpu.wait_dma2 semaphore(%arg21 : memref<!tpu.dma_semaphore, #tpu.memory_space<semaphore_mem>>) src(%dma_wait3A_1057 : memref<80xf32, #tpu.memory_space<hbm>>) dst(%dma_wait3A_1054 : memref<80xf32, #tpu.memory_space<vmem>>)
      %dma_wait3A_1058 = arith.constant 11 : i32
      %dma_wait3A_1059 = arith.constant 0 : i32
      %dma_wait3A_1060 = tpu.memref_slice %arg20[%dma_wait3A_1058, %dma_wait3A_1059] : memref<16x80xf32, #tpu.memory_space<vmem>> -> memref<1x80xf32, #tpu.memory_space<vmem>>
      %dma_wait3A_1061 = tpu.memref_squeeze %dma_wait3A_1060 : memref<1x80xf32, #tpu.memory_space<vmem>> -> memref<80xf32, #tpu.memory_space<vmem>>
      %dma_wait3A_1062 = arith.constant 0 : i32
      %dma_wait3A_1063 = tpu.memref_slice %arg9[%squeeze3A_731, %squeeze3A_733, %squeeze3A_735, %squeeze3A_737, %dma_wait3A_1062] : memref<16x3x52x52x80xf32, #tpu.memory_space<hbm>> -> memref<1x1x1x1x80xf32, #tpu.memory_space<hbm>>
      %dma_wait3A_1064 = tpu.memref_squeeze %dma_wait3A_1063 : memref<1x1x1x1x80xf32, #tpu.memory_space<hbm>> -> memref<80xf32, #tpu.memory_space<hbm>>
      %dma_wait3A_1065 = arith.constant 0 : i32
      %dma_wait3A_1066 = tpu.memref_slice %arg20[%dma_wait3A_1058, %dma_wait3A_1065] : memref<16x80xf32, #tpu.memory_space<vmem>> -> memref<1x80xf32, #tpu.memory_space<vmem>>
      %dma_wait3A_1067 = tpu.memref_squeeze %dma_wait3A_1066 : memref<1x80xf32, #tpu.memory_space<vmem>> -> memref<80xf32, #tpu.memory_space<vmem>>
      %dma_wait3A_1068 = arith.constant 0 : i32
      %dma_wait3A_1069 = tpu.memref_slice %arg9[%squeeze3A_731, %squeeze3A_733, %squeeze3A_735, %squeeze3A_737, %dma_wait3A_1068] : memref<16x3x52x52x80xf32, #tpu.memory_space<hbm>> -> memref<1x1x1x1x80xf32, #tpu.memory_space<hbm>>
      %dma_wait3A_1070 = tpu.memref_squeeze %dma_wait3A_1069 : memref<1x1x1x1x80xf32, #tpu.memory_space<hbm>> -> memref<80xf32, #tpu.memory_space<hbm>>
      tpu.wait_dma2 semaphore(%arg21 : memref<!tpu.dma_semaphore, #tpu.memory_space<semaphore_mem>>) src(%dma_wait3A_1070 : memref<80xf32, #tpu.memory_space<hbm>>) dst(%dma_wait3A_1067 : memref<80xf32, #tpu.memory_space<vmem>>)
      %dma_wait3A_1071 = arith.constant 12 : i32
      %dma_wait3A_1072 = arith.constant 0 : i32
      %dma_wait3A_1073 = tpu.memref_slice %arg20[%dma_wait3A_1071, %dma_wait3A_1072] : memref<16x80xf32, #tpu.memory_space<vmem>> -> memref<1x80xf32, #tpu.memory_space<vmem>>
      %dma_wait3A_1074 = tpu.memref_squeeze %dma_wait3A_1073 : memref<1x80xf32, #tpu.memory_space<vmem>> -> memref<80xf32, #tpu.memory_space<vmem>>
      %dma_wait3A_1075 = arith.constant 0 : i32
      %dma_wait3A_1076 = tpu.memref_slice %arg9[%squeeze3A_752, %squeeze3A_754, %squeeze3A_756, %squeeze3A_758, %dma_wait3A_1075] : memref<16x3x52x52x80xf32, #tpu.memory_space<hbm>> -> memref<1x1x1x1x80xf32, #tpu.memory_space<hbm>>
      %dma_wait3A_1077 = tpu.memref_squeeze %dma_wait3A_1076 : memref<1x1x1x1x80xf32, #tpu.memory_space<hbm>> -> memref<80xf32, #tpu.memory_space<hbm>>
      %dma_wait3A_1078 = arith.constant 0 : i32
      %dma_wait3A_1079 = tpu.memref_slice %arg20[%dma_wait3A_1071, %dma_wait3A_1078] : memref<16x80xf32, #tpu.memory_space<vmem>> -> memref<1x80xf32, #tpu.memory_space<vmem>>
      %dma_wait3A_1080 = tpu.memref_squeeze %dma_wait3A_1079 : memref<1x80xf32, #tpu.memory_space<vmem>> -> memref<80xf32, #tpu.memory_space<vmem>>
      %dma_wait3A_1081 = arith.constant 0 : i32
      %dma_wait3A_1082 = tpu.memref_slice %arg9[%squeeze3A_752, %squeeze3A_754, %squeeze3A_756, %squeeze3A_758, %dma_wait3A_1081] : memref<16x3x52x52x80xf32, #tpu.memory_space<hbm>> -> memref<1x1x1x1x80xf32, #tpu.memory_space<hbm>>
      %dma_wait3A_1083 = tpu.memref_squeeze %dma_wait3A_1082 : memref<1x1x1x1x80xf32, #tpu.memory_space<hbm>> -> memref<80xf32, #tpu.memory_space<hbm>>
      tpu.wait_dma2 semaphore(%arg21 : memref<!tpu.dma_semaphore, #tpu.memory_space<semaphore_mem>>) src(%dma_wait3A_1083 : memref<80xf32, #tpu.memory_space<hbm>>) dst(%dma_wait3A_1080 : memref<80xf32, #tpu.memory_space<vmem>>)
      %dma_wait3A_1084 = arith.constant 13 : i32
      %dma_wait3A_1085 = arith.constant 0 : i32
      %dma_wait3A_1086 = tpu.memref_slice %arg20[%dma_wait3A_1084, %dma_wait3A_1085] : memref<16x80xf32, #tpu.memory_space<vmem>> -> memref<1x80xf32, #tpu.memory_space<vmem>>
      %dma_wait3A_1087 = tpu.memref_squeeze %dma_wait3A_1086 : memref<1x80xf32, #tpu.memory_space<vmem>> -> memref<80xf32, #tpu.memory_space<vmem>>
      %dma_wait3A_1088 = arith.constant 0 : i32
      %dma_wait3A_1089 = tpu.memref_slice %arg9[%squeeze3A_773, %squeeze3A_775, %squeeze3A_777, %squeeze3A_779, %dma_wait3A_1088] : memref<16x3x52x52x80xf32, #tpu.memory_space<hbm>> -> memref<1x1x1x1x80xf32, #tpu.memory_space<hbm>>
      %dma_wait3A_1090 = tpu.memref_squeeze %dma_wait3A_1089 : memref<1x1x1x1x80xf32, #tpu.memory_space<hbm>> -> memref<80xf32, #tpu.memory_space<hbm>>
      %dma_wait3A_1091 = arith.constant 0 : i32
      %dma_wait3A_1092 = tpu.memref_slice %arg20[%dma_wait3A_1084, %dma_wait3A_1091] : memref<16x80xf32, #tpu.memory_space<vmem>> -> memref<1x80xf32, #tpu.memory_space<vmem>>
      %dma_wait3A_1093 = tpu.memref_squeeze %dma_wait3A_1092 : memref<1x80xf32, #tpu.memory_space<vmem>> -> memref<80xf32, #tpu.memory_space<vmem>>
      %dma_wait3A_1094 = arith.constant 0 : i32
      %dma_wait3A_1095 = tpu.memref_slice %arg9[%squeeze3A_773, %squeeze3A_775, %squeeze3A_777, %squeeze3A_779, %dma_wait3A_1094] : memref<16x3x52x52x80xf32, #tpu.memory_space<hbm>> -> memref<1x1x1x1x80xf32, #tpu.memory_space<hbm>>
      %dma_wait3A_1096 = tpu.memref_squeeze %dma_wait3A_1095 : memref<1x1x1x1x80xf32, #tpu.memory_space<hbm>> -> memref<80xf32, #tpu.memory_space<hbm>>
      tpu.wait_dma2 semaphore(%arg21 : memref<!tpu.dma_semaphore, #tpu.memory_space<semaphore_mem>>) src(%dma_wait3A_1096 : memref<80xf32, #tpu.memory_space<hbm>>) dst(%dma_wait3A_1093 : memref<80xf32, #tpu.memory_space<vmem>>)
      %dma_wait3A_1097 = arith.constant 14 : i32
      %dma_wait3A_1098 = arith.constant 0 : i32
      %dma_wait3A_1099 = tpu.memref_slice %arg20[%dma_wait3A_1097, %dma_wait3A_1098] : memref<16x80xf32, #tpu.memory_space<vmem>> -> memref<1x80xf32, #tpu.memory_space<vmem>>
      %dma_wait3A_1100 = tpu.memref_squeeze %dma_wait3A_1099 : memref<1x80xf32, #tpu.memory_space<vmem>> -> memref<80xf32, #tpu.memory_space<vmem>>
      %dma_wait3A_1101 = arith.constant 0 : i32
      %dma_wait3A_1102 = tpu.memref_slice %arg9[%squeeze3A_794, %squeeze3A_796, %squeeze3A_798, %squeeze3A_800, %dma_wait3A_1101] : memref<16x3x52x52x80xf32, #tpu.memory_space<hbm>> -> memref<1x1x1x1x80xf32, #tpu.memory_space<hbm>>
      %dma_wait3A_1103 = tpu.memref_squeeze %dma_wait3A_1102 : memref<1x1x1x1x80xf32, #tpu.memory_space<hbm>> -> memref<80xf32, #tpu.memory_space<hbm>>
      %dma_wait3A_1104 = arith.constant 0 : i32
      %dma_wait3A_1105 = tpu.memref_slice %arg20[%dma_wait3A_1097, %dma_wait3A_1104] : memref<16x80xf32, #tpu.memory_space<vmem>> -> memref<1x80xf32, #tpu.memory_space<vmem>>
      %dma_wait3A_1106 = tpu.memref_squeeze %dma_wait3A_1105 : memref<1x80xf32, #tpu.memory_space<vmem>> -> memref<80xf32, #tpu.memory_space<vmem>>
      %dma_wait3A_1107 = arith.constant 0 : i32
      %dma_wait3A_1108 = tpu.memref_slice %arg9[%squeeze3A_794, %squeeze3A_796, %squeeze3A_798, %squeeze3A_800, %dma_wait3A_1107] : memref<16x3x52x52x80xf32, #tpu.memory_space<hbm>> -> memref<1x1x1x1x80xf32, #tpu.memory_space<hbm>>
      %dma_wait3A_1109 = tpu.memref_squeeze %dma_wait3A_1108 : memref<1x1x1x1x80xf32, #tpu.memory_space<hbm>> -> memref<80xf32, #tpu.memory_space<hbm>>
      tpu.wait_dma2 semaphore(%arg21 : memref<!tpu.dma_semaphore, #tpu.memory_space<semaphore_mem>>) src(%dma_wait3A_1109 : memref<80xf32, #tpu.memory_space<hbm>>) dst(%dma_wait3A_1106 : memref<80xf32, #tpu.memory_space<vmem>>)
      %dma_wait3A_1110 = arith.constant 15 : i32
      %dma_wait3A_1111 = arith.constant 0 : i32
      %dma_wait3A_1112 = tpu.memref_slice %arg20[%dma_wait3A_1110, %dma_wait3A_1111] : memref<16x80xf32, #tpu.memory_space<vmem>> -> memref<1x80xf32, #tpu.memory_space<vmem>>
      %dma_wait3A_1113 = tpu.memref_squeeze %dma_wait3A_1112 : memref<1x80xf32, #tpu.memory_space<vmem>> -> memref<80xf32, #tpu.memory_space<vmem>>
      %dma_wait3A_1114 = arith.constant 0 : i32
      %dma_wait3A_1115 = tpu.memref_slice %arg9[%squeeze3A_815, %squeeze3A_817, %squeeze3A_819, %squeeze3A_821, %dma_wait3A_1114] : memref<16x3x52x52x80xf32, #tpu.memory_space<hbm>> -> memref<1x1x1x1x80xf32, #tpu.memory_space<hbm>>
      %dma_wait3A_1116 = tpu.memref_squeeze %dma_wait3A_1115 : memref<1x1x1x1x80xf32, #tpu.memory_space<hbm>> -> memref<80xf32, #tpu.memory_space<hbm>>
      %dma_wait3A_1117 = arith.constant 0 : i32
      %dma_wait3A_1118 = tpu.memref_slice %arg20[%dma_wait3A_1110, %dma_wait3A_1117] : memref<16x80xf32, #tpu.memory_space<vmem>> -> memref<1x80xf32, #tpu.memory_space<vmem>>
      %dma_wait3A_1119 = tpu.memref_squeeze %dma_wait3A_1118 : memref<1x80xf32, #tpu.memory_space<vmem>> -> memref<80xf32, #tpu.memory_space<vmem>>
      %dma_wait3A_1120 = arith.constant 0 : i32
      %dma_wait3A_1121 = tpu.memref_slice %arg9[%squeeze3A_815, %squeeze3A_817, %squeeze3A_819, %squeeze3A_821, %dma_wait3A_1120] : memref<16x3x52x52x80xf32, #tpu.memory_space<hbm>> -> memref<1x1x1x1x80xf32, #tpu.memory_space<hbm>>
      %dma_wait3A_1122 = tpu.memref_squeeze %dma_wait3A_1121 : memref<1x1x1x1x80xf32, #tpu.memory_space<hbm>> -> memref<80xf32, #tpu.memory_space<hbm>>
      tpu.wait_dma2 semaphore(%arg21 : memref<!tpu.dma_semaphore, #tpu.memory_space<semaphore_mem>>) src(%dma_wait3A_1122 : memref<80xf32, #tpu.memory_space<hbm>>) dst(%dma_wait3A_1119 : memref<80xf32, #tpu.memory_space<vmem>>)
      %add3A_1123 = arith.constant 0 : i32
      %add3A_1124 = arith.addi %add3A_1123, %mul3A_4 : i32
      %dma_start3A_1125 = arith.constant 0 : i32
      %dma_start3A_1126 = arith.constant 0 : i32
      %dma_start3A_1127 = tpu.memref_slice %arg17[%dma_start3A_1125, %dma_start3A_1126] : memref<5x16xi32, #tpu.memory_space<vmem>> -> memref<1x16xi32, #tpu.memory_space<vmem>>
      %dma_start3A_1128 = tpu.memref_squeeze %dma_start3A_1127 : memref<1x16xi32, #tpu.memory_space<vmem>> -> memref<16xi32, #tpu.memory_space<vmem>>
      %dma_start3A_1129 = tpu.memref_slice %arg10[%add3A_1124] : memref<1520xi32, #tpu.memory_space<hbm>> -> memref<16xi32, #tpu.memory_space<hbm>>
      %dma_start3A_1130 = tpu.memref_slice %arg10[%add3A_1124] : memref<1520xi32, #tpu.memory_space<hbm>> -> memref<16xi32, #tpu.memory_space<hbm>>
      %dma_start3A_1131 = arith.constant 0 : i32
      %dma_start3A_1132 = tpu.memref_slice %arg17[%dma_start3A_1125, %dma_start3A_1131] : memref<5x16xi32, #tpu.memory_space<vmem>> -> memref<1x16xi32, #tpu.memory_space<vmem>>
      %dma_start3A_1133 = tpu.memref_squeeze %dma_start3A_1132 : memref<1x16xi32, #tpu.memory_space<vmem>> -> memref<16xi32, #tpu.memory_space<vmem>>
      tpu.enqueue_dma source(%dma_start3A_1133 : memref<16xi32, #tpu.memory_space<vmem>>) target(%dma_start3A_1130 : memref<16xi32, #tpu.memory_space<hbm>>) target_semaphore(%arg21 : memref<!tpu.dma_semaphore, #tpu.memory_space<semaphore_mem>>)
      %add3A_1134 = arith.constant 304 : i32
      %add3A_1135 = arith.addi %add3A_1134, %mul3A_4 : i32
      %dma_start3A_1136 = arith.constant 1 : i32
      %dma_start3A_1137 = arith.constant 0 : i32
      %dma_start3A_1138 = tpu.memref_slice %arg17[%dma_start3A_1136, %dma_start3A_1137] : memref<5x16xi32, #tpu.memory_space<vmem>> -> memref<1x16xi32, #tpu.memory_space<vmem>>
      %dma_start3A_1139 = tpu.memref_squeeze %dma_start3A_1138 : memref<1x16xi32, #tpu.memory_space<vmem>> -> memref<16xi32, #tpu.memory_space<vmem>>
      %dma_start3A_1140 = tpu.memref_slice %arg10[%add3A_1135] : memref<1520xi32, #tpu.memory_space<hbm>> -> memref<16xi32, #tpu.memory_space<hbm>>
      %dma_start3A_1141 = tpu.memref_slice %arg10[%add3A_1135] : memref<1520xi32, #tpu.memory_space<hbm>> -> memref<16xi32, #tpu.memory_space<hbm>>
      %dma_start3A_1142 = arith.constant 0 : i32
      %dma_start3A_1143 = tpu.memref_slice %arg17[%dma_start3A_1136, %dma_start3A_1142] : memref<5x16xi32, #tpu.memory_space<vmem>> -> memref<1x16xi32, #tpu.memory_space<vmem>>
      %dma_start3A_1144 = tpu.memref_squeeze %dma_start3A_1143 : memref<1x16xi32, #tpu.memory_space<vmem>> -> memref<16xi32, #tpu.memory_space<vmem>>
      tpu.enqueue_dma source(%dma_start3A_1144 : memref<16xi32, #tpu.memory_space<vmem>>) target(%dma_start3A_1141 : memref<16xi32, #tpu.memory_space<hbm>>) target_semaphore(%arg21 : memref<!tpu.dma_semaphore, #tpu.memory_space<semaphore_mem>>)
      %add3A_1145 = arith.constant 608 : i32
      %add3A_1146 = arith.addi %add3A_1145, %mul3A_4 : i32
      %dma_start3A_1147 = arith.constant 2 : i32
      %dma_start3A_1148 = arith.constant 0 : i32
      %dma_start3A_1149 = tpu.memref_slice %arg17[%dma_start3A_1147, %dma_start3A_1148] : memref<5x16xi32, #tpu.memory_space<vmem>> -> memref<1x16xi32, #tpu.memory_space<vmem>>
      %dma_start3A_1150 = tpu.memref_squeeze %dma_start3A_1149 : memref<1x16xi32, #tpu.memory_space<vmem>> -> memref<16xi32, #tpu.memory_space<vmem>>
      %dma_start3A_1151 = tpu.memref_slice %arg10[%add3A_1146] : memref<1520xi32, #tpu.memory_space<hbm>> -> memref<16xi32, #tpu.memory_space<hbm>>
      %dma_start3A_1152 = tpu.memref_slice %arg10[%add3A_1146] : memref<1520xi32, #tpu.memory_space<hbm>> -> memref<16xi32, #tpu.memory_space<hbm>>
      %dma_start3A_1153 = arith.constant 0 : i32
      %dma_start3A_1154 = tpu.memref_slice %arg17[%dma_start3A_1147, %dma_start3A_1153] : memref<5x16xi32, #tpu.memory_space<vmem>> -> memref<1x16xi32, #tpu.memory_space<vmem>>
      %dma_start3A_1155 = tpu.memref_squeeze %dma_start3A_1154 : memref<1x16xi32, #tpu.memory_space<vmem>> -> memref<16xi32, #tpu.memory_space<vmem>>
      tpu.enqueue_dma source(%dma_start3A_1155 : memref<16xi32, #tpu.memory_space<vmem>>) target(%dma_start3A_1152 : memref<16xi32, #tpu.memory_space<hbm>>) target_semaphore(%arg21 : memref<!tpu.dma_semaphore, #tpu.memory_space<semaphore_mem>>)
      %add3A_1156 = arith.constant 912 : i32
      %add3A_1157 = arith.addi %add3A_1156, %mul3A_4 : i32
      %dma_start3A_1158 = arith.constant 3 : i32
      %dma_start3A_1159 = arith.constant 0 : i32
      %dma_start3A_1160 = tpu.memref_slice %arg17[%dma_start3A_1158, %dma_start3A_1159] : memref<5x16xi32, #tpu.memory_space<vmem>> -> memref<1x16xi32, #tpu.memory_space<vmem>>
      %dma_start3A_1161 = tpu.memref_squeeze %dma_start3A_1160 : memref<1x16xi32, #tpu.memory_space<vmem>> -> memref<16xi32, #tpu.memory_space<vmem>>
      %dma_start3A_1162 = tpu.memref_slice %arg10[%add3A_1157] : memref<1520xi32, #tpu.memory_space<hbm>> -> memref<16xi32, #tpu.memory_space<hbm>>
      %dma_start3A_1163 = tpu.memref_slice %arg10[%add3A_1157] : memref<1520xi32, #tpu.memory_space<hbm>> -> memref<16xi32, #tpu.memory_space<hbm>>
      %dma_start3A_1164 = arith.constant 0 : i32
      %dma_start3A_1165 = tpu.memref_slice %arg17[%dma_start3A_1158, %dma_start3A_1164] : memref<5x16xi32, #tpu.memory_space<vmem>> -> memref<1x16xi32, #tpu.memory_space<vmem>>
      %dma_start3A_1166 = tpu.memref_squeeze %dma_start3A_1165 : memref<1x16xi32, #tpu.memory_space<vmem>> -> memref<16xi32, #tpu.memory_space<vmem>>
      tpu.enqueue_dma source(%dma_start3A_1166 : memref<16xi32, #tpu.memory_space<vmem>>) target(%dma_start3A_1163 : memref<16xi32, #tpu.memory_space<hbm>>) target_semaphore(%arg21 : memref<!tpu.dma_semaphore, #tpu.memory_space<semaphore_mem>>)
      %add3A_1167 = arith.constant 1216 : i32
      %add3A_1168 = arith.addi %add3A_1167, %mul3A_4 : i32
      %dma_start3A_1169 = arith.constant 4 : i32
      %dma_start3A_1170 = arith.constant 0 : i32
      %dma_start3A_1171 = tpu.memref_slice %arg17[%dma_start3A_1169, %dma_start3A_1170] : memref<5x16xi32, #tpu.memory_space<vmem>> -> memref<1x16xi32, #tpu.memory_space<vmem>>
      %dma_start3A_1172 = tpu.memref_squeeze %dma_start3A_1171 : memref<1x16xi32, #tpu.memory_space<vmem>> -> memref<16xi32, #tpu.memory_space<vmem>>
      %dma_start3A_1173 = tpu.memref_slice %arg10[%add3A_1168] : memref<1520xi32, #tpu.memory_space<hbm>> -> memref<16xi32, #tpu.memory_space<hbm>>
      %dma_start3A_1174 = tpu.memref_slice %arg10[%add3A_1168] : memref<1520xi32, #tpu.memory_space<hbm>> -> memref<16xi32, #tpu.memory_space<hbm>>
      %dma_start3A_1175 = arith.constant 0 : i32
      %dma_start3A_1176 = tpu.memref_slice %arg17[%dma_start3A_1169, %dma_start3A_1175] : memref<5x16xi32, #tpu.memory_space<vmem>> -> memref<1x16xi32, #tpu.memory_space<vmem>>
      %dma_start3A_1177 = tpu.memref_squeeze %dma_start3A_1176 : memref<1x16xi32, #tpu.memory_space<vmem>> -> memref<16xi32, #tpu.memory_space<vmem>>
      tpu.enqueue_dma source(%dma_start3A_1177 : memref<16xi32, #tpu.memory_space<vmem>>) target(%dma_start3A_1174 : memref<16xi32, #tpu.memory_space<hbm>>) target_semaphore(%arg21 : memref<!tpu.dma_semaphore, #tpu.memory_space<semaphore_mem>>)
      %add3A_1178 = arith.constant 0 : i32
      %add3A_1179 = arith.addi %add3A_1178, %mul3A_4 : i32
      %dma_start3A_1180 = arith.constant 0 : i32
      %dma_start3A_1181 = arith.constant 0 : i32
      %dma_start3A_1182 = tpu.memref_slice %arg18[%dma_start3A_1180, %dma_start3A_1181] : memref<8x16xf32, #tpu.memory_space<vmem>> -> memref<1x16xf32, #tpu.memory_space<vmem>>
      %dma_start3A_1183 = tpu.memref_squeeze %dma_start3A_1182 : memref<1x16xf32, #tpu.memory_space<vmem>> -> memref<16xf32, #tpu.memory_space<vmem>>
      %dma_start3A_1184 = tpu.memref_slice %arg11[%add3A_1179] : memref<2432xf32, #tpu.memory_space<hbm>> -> memref<16xf32, #tpu.memory_space<hbm>>
      %dma_start3A_1185 = tpu.memref_slice %arg11[%add3A_1179] : memref<2432xf32, #tpu.memory_space<hbm>> -> memref<16xf32, #tpu.memory_space<hbm>>
      %dma_start3A_1186 = arith.constant 0 : i32
      %dma_start3A_1187 = tpu.memref_slice %arg18[%dma_start3A_1180, %dma_start3A_1186] : memref<8x16xf32, #tpu.memory_space<vmem>> -> memref<1x16xf32, #tpu.memory_space<vmem>>
      %dma_start3A_1188 = tpu.memref_squeeze %dma_start3A_1187 : memref<1x16xf32, #tpu.memory_space<vmem>> -> memref<16xf32, #tpu.memory_space<vmem>>
      tpu.enqueue_dma source(%dma_start3A_1188 : memref<16xf32, #tpu.memory_space<vmem>>) target(%dma_start3A_1185 : memref<16xf32, #tpu.memory_space<hbm>>) target_semaphore(%arg21 : memref<!tpu.dma_semaphore, #tpu.memory_space<semaphore_mem>>)
      %add3A_1189 = arith.constant 304 : i32
      %add3A_1190 = arith.addi %add3A_1189, %mul3A_4 : i32
      %dma_start3A_1191 = arith.constant 1 : i32
      %dma_start3A_1192 = arith.constant 0 : i32
      %dma_start3A_1193 = tpu.memref_slice %arg18[%dma_start3A_1191, %dma_start3A_1192] : memref<8x16xf32, #tpu.memory_space<vmem>> -> memref<1x16xf32, #tpu.memory_space<vmem>>
      %dma_start3A_1194 = tpu.memref_squeeze %dma_start3A_1193 : memref<1x16xf32, #tpu.memory_space<vmem>> -> memref<16xf32, #tpu.memory_space<vmem>>
      %dma_start3A_1195 = tpu.memref_slice %arg11[%add3A_1190] : memref<2432xf32, #tpu.memory_space<hbm>> -> memref<16xf32, #tpu.memory_space<hbm>>
      %dma_start3A_1196 = tpu.memref_slice %arg11[%add3A_1190] : memref<2432xf32, #tpu.memory_space<hbm>> -> memref<16xf32, #tpu.memory_space<hbm>>
      %dma_start3A_1197 = arith.constant 0 : i32
      %dma_start3A_1198 = tpu.memref_slice %arg18[%dma_start3A_1191, %dma_start3A_1197] : memref<8x16xf32, #tpu.memory_space<vmem>> -> memref<1x16xf32, #tpu.memory_space<vmem>>
      %dma_start3A_1199 = tpu.memref_squeeze %dma_start3A_1198 : memref<1x16xf32, #tpu.memory_space<vmem>> -> memref<16xf32, #tpu.memory_space<vmem>>
      tpu.enqueue_dma source(%dma_start3A_1199 : memref<16xf32, #tpu.memory_space<vmem>>) target(%dma_start3A_1196 : memref<16xf32, #tpu.memory_space<hbm>>) target_semaphore(%arg21 : memref<!tpu.dma_semaphore, #tpu.memory_space<semaphore_mem>>)
      %add3A_1200 = arith.constant 608 : i32
      %add3A_1201 = arith.addi %add3A_1200, %mul3A_4 : i32
      %dma_start3A_1202 = arith.constant 2 : i32
      %dma_start3A_1203 = arith.constant 0 : i32
      %dma_start3A_1204 = tpu.memref_slice %arg18[%dma_start3A_1202, %dma_start3A_1203] : memref<8x16xf32, #tpu.memory_space<vmem>> -> memref<1x16xf32, #tpu.memory_space<vmem>>
      %dma_start3A_1205 = tpu.memref_squeeze %dma_start3A_1204 : memref<1x16xf32, #tpu.memory_space<vmem>> -> memref<16xf32, #tpu.memory_space<vmem>>
      %dma_start3A_1206 = tpu.memref_slice %arg11[%add3A_1201] : memref<2432xf32, #tpu.memory_space<hbm>> -> memref<16xf32, #tpu.memory_space<hbm>>
      %dma_start3A_1207 = tpu.memref_slice %arg11[%add3A_1201] : memref<2432xf32, #tpu.memory_space<hbm>> -> memref<16xf32, #tpu.memory_space<hbm>>
      %dma_start3A_1208 = arith.constant 0 : i32
      %dma_start3A_1209 = tpu.memref_slice %arg18[%dma_start3A_1202, %dma_start3A_1208] : memref<8x16xf32, #tpu.memory_space<vmem>> -> memref<1x16xf32, #tpu.memory_space<vmem>>
      %dma_start3A_1210 = tpu.memref_squeeze %dma_start3A_1209 : memref<1x16xf32, #tpu.memory_space<vmem>> -> memref<16xf32, #tpu.memory_space<vmem>>
      tpu.enqueue_dma source(%dma_start3A_1210 : memref<16xf32, #tpu.memory_space<vmem>>) target(%dma_start3A_1207 : memref<16xf32, #tpu.memory_space<hbm>>) target_semaphore(%arg21 : memref<!tpu.dma_semaphore, #tpu.memory_space<semaphore_mem>>)
      %add3A_1211 = arith.constant 912 : i32
      %add3A_1212 = arith.addi %add3A_1211, %mul3A_4 : i32
      %dma_start3A_1213 = arith.constant 3 : i32
      %dma_start3A_1214 = arith.constant 0 : i32
      %dma_start3A_1215 = tpu.memref_slice %arg18[%dma_start3A_1213, %dma_start3A_1214] : memref<8x16xf32, #tpu.memory_space<vmem>> -> memref<1x16xf32, #tpu.memory_space<vmem>>
      %dma_start3A_1216 = tpu.memref_squeeze %dma_start3A_1215 : memref<1x16xf32, #tpu.memory_space<vmem>> -> memref<16xf32, #tpu.memory_space<vmem>>
      %dma_start3A_1217 = tpu.memref_slice %arg11[%add3A_1212] : memref<2432xf32, #tpu.memory_space<hbm>> -> memref<16xf32, #tpu.memory_space<hbm>>
      %dma_start3A_1218 = tpu.memref_slice %arg11[%add3A_1212] : memref<2432xf32, #tpu.memory_space<hbm>> -> memref<16xf32, #tpu.memory_space<hbm>>
      %dma_start3A_1219 = arith.constant 0 : i32
      %dma_start3A_1220 = tpu.memref_slice %arg18[%dma_start3A_1213, %dma_start3A_1219] : memref<8x16xf32, #tpu.memory_space<vmem>> -> memref<1x16xf32, #tpu.memory_space<vmem>>
      %dma_start3A_1221 = tpu.memref_squeeze %dma_start3A_1220 : memref<1x16xf32, #tpu.memory_space<vmem>> -> memref<16xf32, #tpu.memory_space<vmem>>
      tpu.enqueue_dma source(%dma_start3A_1221 : memref<16xf32, #tpu.memory_space<vmem>>) target(%dma_start3A_1218 : memref<16xf32, #tpu.memory_space<hbm>>) target_semaphore(%arg21 : memref<!tpu.dma_semaphore, #tpu.memory_space<semaphore_mem>>)
      %add3A_1222 = arith.constant 1216 : i32
      %add3A_1223 = arith.addi %add3A_1222, %mul3A_4 : i32
      %dma_start3A_1224 = arith.constant 4 : i32
      %dma_start3A_1225 = arith.constant 0 : i32
      %dma_start3A_1226 = tpu.memref_slice %arg18[%dma_start3A_1224, %dma_start3A_1225] : memref<8x16xf32, #tpu.memory_space<vmem>> -> memref<1x16xf32, #tpu.memory_space<vmem>>
      %dma_start3A_1227 = tpu.memref_squeeze %dma_start3A_1226 : memref<1x16xf32, #tpu.memory_space<vmem>> -> memref<16xf32, #tpu.memory_space<vmem>>
      %dma_start3A_1228 = tpu.memref_slice %arg11[%add3A_1223] : memref<2432xf32, #tpu.memory_space<hbm>> -> memref<16xf32, #tpu.memory_space<hbm>>
      %dma_start3A_1229 = tpu.memref_slice %arg11[%add3A_1223] : memref<2432xf32, #tpu.memory_space<hbm>> -> memref<16xf32, #tpu.memory_space<hbm>>
      %dma_start3A_1230 = arith.constant 0 : i32
      %dma_start3A_1231 = tpu.memref_slice %arg18[%dma_start3A_1224, %dma_start3A_1230] : memref<8x16xf32, #tpu.memory_space<vmem>> -> memref<1x16xf32, #tpu.memory_space<vmem>>
      %dma_start3A_1232 = tpu.memref_squeeze %dma_start3A_1231 : memref<1x16xf32, #tpu.memory_space<vmem>> -> memref<16xf32, #tpu.memory_space<vmem>>
      tpu.enqueue_dma source(%dma_start3A_1232 : memref<16xf32, #tpu.memory_space<vmem>>) target(%dma_start3A_1229 : memref<16xf32, #tpu.memory_space<hbm>>) target_semaphore(%arg21 : memref<!tpu.dma_semaphore, #tpu.memory_space<semaphore_mem>>)
      %add3A_1233 = arith.constant 1520 : i32
      %add3A_1234 = arith.addi %add3A_1233, %mul3A_4 : i32
      %dma_start3A_1235 = arith.constant 5 : i32
      %dma_start3A_1236 = arith.constant 0 : i32
      %dma_start3A_1237 = tpu.memref_slice %arg18[%dma_start3A_1235, %dma_start3A_1236] : memref<8x16xf32, #tpu.memory_space<vmem>> -> memref<1x16xf32, #tpu.memory_space<vmem>>
      %dma_start3A_1238 = tpu.memref_squeeze %dma_start3A_1237 : memref<1x16xf32, #tpu.memory_space<vmem>> -> memref<16xf32, #tpu.memory_space<vmem>>
      %dma_start3A_1239 = tpu.memref_slice %arg11[%add3A_1234] : memref<2432xf32, #tpu.memory_space<hbm>> -> memref<16xf32, #tpu.memory_space<hbm>>
      %dma_start3A_1240 = tpu.memref_slice %arg11[%add3A_1234] : memref<2432xf32, #tpu.memory_space<hbm>> -> memref<16xf32, #tpu.memory_space<hbm>>
      %dma_start3A_1241 = arith.constant 0 : i32
      %dma_start3A_1242 = tpu.memref_slice %arg18[%dma_start3A_1235, %dma_start3A_1241] : memref<8x16xf32, #tpu.memory_space<vmem>> -> memref<1x16xf32, #tpu.memory_space<vmem>>
      %dma_start3A_1243 = tpu.memref_squeeze %dma_start3A_1242 : memref<1x16xf32, #tpu.memory_space<vmem>> -> memref<16xf32, #tpu.memory_space<vmem>>
      tpu.enqueue_dma source(%dma_start3A_1243 : memref<16xf32, #tpu.memory_space<vmem>>) target(%dma_start3A_1240 : memref<16xf32, #tpu.memory_space<hbm>>) target_semaphore(%arg21 : memref<!tpu.dma_semaphore, #tpu.memory_space<semaphore_mem>>)
      %add3A_1244 = arith.constant 1824 : i32
      %add3A_1245 = arith.addi %add3A_1244, %mul3A_4 : i32
      %dma_start3A_1246 = arith.constant 6 : i32
      %dma_start3A_1247 = arith.constant 0 : i32
      %dma_start3A_1248 = tpu.memref_slice %arg18[%dma_start3A_1246, %dma_start3A_1247] : memref<8x16xf32, #tpu.memory_space<vmem>> -> memref<1x16xf32, #tpu.memory_space<vmem>>
      %dma_start3A_1249 = tpu.memref_squeeze %dma_start3A_1248 : memref<1x16xf32, #tpu.memory_space<vmem>> -> memref<16xf32, #tpu.memory_space<vmem>>
      %dma_start3A_1250 = tpu.memref_slice %arg11[%add3A_1245] : memref<2432xf32, #tpu.memory_space<hbm>> -> memref<16xf32, #tpu.memory_space<hbm>>
      %dma_start3A_1251 = tpu.memref_slice %arg11[%add3A_1245] : memref<2432xf32, #tpu.memory_space<hbm>> -> memref<16xf32, #tpu.memory_space<hbm>>
      %dma_start3A_1252 = arith.constant 0 : i32
      %dma_start3A_1253 = tpu.memref_slice %arg18[%dma_start3A_1246, %dma_start3A_1252] : memref<8x16xf32, #tpu.memory_space<vmem>> -> memref<1x16xf32, #tpu.memory_space<vmem>>
      %dma_start3A_1254 = tpu.memref_squeeze %dma_start3A_1253 : memref<1x16xf32, #tpu.memory_space<vmem>> -> memref<16xf32, #tpu.memory_space<vmem>>
      tpu.enqueue_dma source(%dma_start3A_1254 : memref<16xf32, #tpu.memory_space<vmem>>) target(%dma_start3A_1251 : memref<16xf32, #tpu.memory_space<hbm>>) target_semaphore(%arg21 : memref<!tpu.dma_semaphore, #tpu.memory_space<semaphore_mem>>)
      %add3A_1255 = arith.constant 2128 : i32
      %add3A_1256 = arith.addi %add3A_1255, %mul3A_4 : i32
      %dma_start3A_1257 = arith.constant 7 : i32
      %dma_start3A_1258 = arith.constant 0 : i32
      %dma_start3A_1259 = tpu.memref_slice %arg18[%dma_start3A_1257, %dma_start3A_1258] : memref<8x16xf32, #tpu.memory_space<vmem>> -> memref<1x16xf32, #tpu.memory_space<vmem>>
      %dma_start3A_1260 = tpu.memref_squeeze %dma_start3A_1259 : memref<1x16xf32, #tpu.memory_space<vmem>> -> memref<16xf32, #tpu.memory_space<vmem>>
      %dma_start3A_1261 = tpu.memref_slice %arg11[%add3A_1256] : memref<2432xf32, #tpu.memory_space<hbm>> -> memref<16xf32, #tpu.memory_space<hbm>>
      %dma_start3A_1262 = tpu.memref_slice %arg11[%add3A_1256] : memref<2432xf32, #tpu.memory_space<hbm>> -> memref<16xf32, #tpu.memory_space<hbm>>
      %dma_start3A_1263 = arith.constant 0 : i32
      %dma_start3A_1264 = tpu.memref_slice %arg18[%dma_start3A_1257, %dma_start3A_1263] : memref<8x16xf32, #tpu.memory_space<vmem>> -> memref<1x16xf32, #tpu.memory_space<vmem>>
      %dma_start3A_1265 = tpu.memref_squeeze %dma_start3A_1264 : memref<1x16xf32, #tpu.memory_space<vmem>> -> memref<16xf32, #tpu.memory_space<vmem>>
      tpu.enqueue_dma source(%dma_start3A_1265 : memref<16xf32, #tpu.memory_space<vmem>>) target(%dma_start3A_1262 : memref<16xf32, #tpu.memory_space<hbm>>) target_semaphore(%arg21 : memref<!tpu.dma_semaphore, #tpu.memory_space<semaphore_mem>>)
      %add3A_1266 = arith.constant 0 : i32
      %add3A_1267 = arith.addi %add3A_1266, %mul3A_4 : i32
      %dma_start3A_1268 = arith.constant 0 : i32
      %dma_start3A_1269 = arith.constant 0 : i32
      %dma_start3A_1270 = tpu.memref_slice %arg19[%dma_start3A_1268, %dma_start3A_1269] : memref<4x16xf32, #tpu.memory_space<vmem>> -> memref<1x16xf32, #tpu.memory_space<vmem>>
      %dma_start3A_1271 = tpu.memref_squeeze %dma_start3A_1270 : memref<1x16xf32, #tpu.memory_space<vmem>> -> memref<16xf32, #tpu.memory_space<vmem>>
      %dma_start3A_1272 = tpu.memref_slice %arg12[%add3A_1267] : memref<1216xf32, #tpu.memory_space<hbm>> -> memref<16xf32, #tpu.memory_space<hbm>>
      %dma_start3A_1273 = tpu.memref_slice %arg12[%add3A_1267] : memref<1216xf32, #tpu.memory_space<hbm>> -> memref<16xf32, #tpu.memory_space<hbm>>
      %dma_start3A_1274 = arith.constant 0 : i32
      %dma_start3A_1275 = tpu.memref_slice %arg19[%dma_start3A_1268, %dma_start3A_1274] : memref<4x16xf32, #tpu.memory_space<vmem>> -> memref<1x16xf32, #tpu.memory_space<vmem>>
      %dma_start3A_1276 = tpu.memref_squeeze %dma_start3A_1275 : memref<1x16xf32, #tpu.memory_space<vmem>> -> memref<16xf32, #tpu.memory_space<vmem>>
      tpu.enqueue_dma source(%dma_start3A_1276 : memref<16xf32, #tpu.memory_space<vmem>>) target(%dma_start3A_1273 : memref<16xf32, #tpu.memory_space<hbm>>) target_semaphore(%arg21 : memref<!tpu.dma_semaphore, #tpu.memory_space<semaphore_mem>>)
      %add3A_1277 = arith.constant 304 : i32
      %add3A_1278 = arith.addi %add3A_1277, %mul3A_4 : i32
      %dma_start3A_1279 = arith.constant 1 : i32
      %dma_start3A_1280 = arith.constant 0 : i32
      %dma_start3A_1281 = tpu.memref_slice %arg19[%dma_start3A_1279, %dma_start3A_1280] : memref<4x16xf32, #tpu.memory_space<vmem>> -> memref<1x16xf32, #tpu.memory_space<vmem>>
      %dma_start3A_1282 = tpu.memref_squeeze %dma_start3A_1281 : memref<1x16xf32, #tpu.memory_space<vmem>> -> memref<16xf32, #tpu.memory_space<vmem>>
      %dma_start3A_1283 = tpu.memref_slice %arg12[%add3A_1278] : memref<1216xf32, #tpu.memory_space<hbm>> -> memref<16xf32, #tpu.memory_space<hbm>>
      %dma_start3A_1284 = tpu.memref_slice %arg12[%add3A_1278] : memref<1216xf32, #tpu.memory_space<hbm>> -> memref<16xf32, #tpu.memory_space<hbm>>
      %dma_start3A_1285 = arith.constant 0 : i32
      %dma_start3A_1286 = tpu.memref_slice %arg19[%dma_start3A_1279, %dma_start3A_1285] : memref<4x16xf32, #tpu.memory_space<vmem>> -> memref<1x16xf32, #tpu.memory_space<vmem>>
      %dma_start3A_1287 = tpu.memref_squeeze %dma_start3A_1286 : memref<1x16xf32, #tpu.memory_space<vmem>> -> memref<16xf32, #tpu.memory_space<vmem>>
      tpu.enqueue_dma source(%dma_start3A_1287 : memref<16xf32, #tpu.memory_space<vmem>>) target(%dma_start3A_1284 : memref<16xf32, #tpu.memory_space<hbm>>) target_semaphore(%arg21 : memref<!tpu.dma_semaphore, #tpu.memory_space<semaphore_mem>>)
      %add3A_1288 = arith.constant 608 : i32
      %add3A_1289 = arith.addi %add3A_1288, %mul3A_4 : i32
      %dma_start3A_1290 = arith.constant 2 : i32
      %dma_start3A_1291 = arith.constant 0 : i32
      %dma_start3A_1292 = tpu.memref_slice %arg19[%dma_start3A_1290, %dma_start3A_1291] : memref<4x16xf32, #tpu.memory_space<vmem>> -> memref<1x16xf32, #tpu.memory_space<vmem>>
      %dma_start3A_1293 = tpu.memref_squeeze %dma_start3A_1292 : memref<1x16xf32, #tpu.memory_space<vmem>> -> memref<16xf32, #tpu.memory_space<vmem>>
      %dma_start3A_1294 = tpu.memref_slice %arg12[%add3A_1289] : memref<1216xf32, #tpu.memory_space<hbm>> -> memref<16xf32, #tpu.memory_space<hbm>>
      %dma_start3A_1295 = tpu.memref_slice %arg12[%add3A_1289] : memref<1216xf32, #tpu.memory_space<hbm>> -> memref<16xf32, #tpu.memory_space<hbm>>
      %dma_start3A_1296 = arith.constant 0 : i32
      %dma_start3A_1297 = tpu.memref_slice %arg19[%dma_start3A_1290, %dma_start3A_1296] : memref<4x16xf32, #tpu.memory_space<vmem>> -> memref<1x16xf32, #tpu.memory_space<vmem>>
      %dma_start3A_1298 = tpu.memref_squeeze %dma_start3A_1297 : memref<1x16xf32, #tpu.memory_space<vmem>> -> memref<16xf32, #tpu.memory_space<vmem>>
      tpu.enqueue_dma source(%dma_start3A_1298 : memref<16xf32, #tpu.memory_space<vmem>>) target(%dma_start3A_1295 : memref<16xf32, #tpu.memory_space<hbm>>) target_semaphore(%arg21 : memref<!tpu.dma_semaphore, #tpu.memory_space<semaphore_mem>>)
      %add3A_1299 = arith.constant 912 : i32
      %add3A_1300 = arith.addi %add3A_1299, %mul3A_4 : i32
      %dma_start3A_1301 = arith.constant 3 : i32
      %dma_start3A_1302 = arith.constant 0 : i32
      %dma_start3A_1303 = tpu.memref_slice %arg19[%dma_start3A_1301, %dma_start3A_1302] : memref<4x16xf32, #tpu.memory_space<vmem>> -> memref<1x16xf32, #tpu.memory_space<vmem>>
      %dma_start3A_1304 = tpu.memref_squeeze %dma_start3A_1303 : memref<1x16xf32, #tpu.memory_space<vmem>> -> memref<16xf32, #tpu.memory_space<vmem>>
      %dma_start3A_1305 = tpu.memref_slice %arg12[%add3A_1300] : memref<1216xf32, #tpu.memory_space<hbm>> -> memref<16xf32, #tpu.memory_space<hbm>>
      %dma_start3A_1306 = tpu.memref_slice %arg12[%add3A_1300] : memref<1216xf32, #tpu.memory_space<hbm>> -> memref<16xf32, #tpu.memory_space<hbm>>
      %dma_start3A_1307 = arith.constant 0 : i32
      %dma_start3A_1308 = tpu.memref_slice %arg19[%dma_start3A_1301, %dma_start3A_1307] : memref<4x16xf32, #tpu.memory_space<vmem>> -> memref<1x16xf32, #tpu.memory_space<vmem>>
      %dma_start3A_1309 = tpu.memref_squeeze %dma_start3A_1308 : memref<1x16xf32, #tpu.memory_space<vmem>> -> memref<16xf32, #tpu.memory_space<vmem>>
      tpu.enqueue_dma source(%dma_start3A_1309 : memref<16xf32, #tpu.memory_space<vmem>>) target(%dma_start3A_1306 : memref<16xf32, #tpu.memory_space<hbm>>) target_semaphore(%arg21 : memref<!tpu.dma_semaphore, #tpu.memory_space<semaphore_mem>>)
      %dma_start3A_1310 = arith.constant 0 : i32
      %dma_start3A_1311 = tpu.memref_slice %arg13[%mul3A_4, %dma_start3A_1310] : memref<304x80xf32, #tpu.memory_space<hbm>> -> memref<16x80xf32, #tpu.memory_space<hbm>>
      %dma_start3A_1312 = arith.constant 0 : i32
      %dma_start3A_1313 = tpu.memref_slice %arg13[%mul3A_4, %dma_start3A_1312] : memref<304x80xf32, #tpu.memory_space<hbm>> -> memref<16x80xf32, #tpu.memory_space<hbm>>
      tpu.enqueue_dma source(%arg20 : memref<16x80xf32, #tpu.memory_space<vmem>>) target(%dma_start3A_1313 : memref<16x80xf32, #tpu.memory_space<hbm>>) target_semaphore(%arg21 : memref<!tpu.dma_semaphore, #tpu.memory_space<semaphore_mem>>)
      %dma_wait3A_1314 = arith.constant 0 : i32
      %dma_wait3A_1315 = arith.constant 0 : i32
      %dma_wait3A_1316 = tpu.memref_slice %arg17[%dma_wait3A_1314, %dma_wait3A_1315] : memref<5x16xi32, #tpu.memory_space<vmem>> -> memref<1x16xi32, #tpu.memory_space<vmem>>
      %dma_wait3A_1317 = tpu.memref_squeeze %dma_wait3A_1316 : memref<1x16xi32, #tpu.memory_space<vmem>> -> memref<16xi32, #tpu.memory_space<vmem>>
      %dma_wait3A_1318 = tpu.memref_slice %arg10[%add3A_1124] : memref<1520xi32, #tpu.memory_space<hbm>> -> memref<16xi32, #tpu.memory_space<hbm>>
      %dma_wait3A_1319 = tpu.memref_slice %arg10[%add3A_1124] : memref<1520xi32, #tpu.memory_space<hbm>> -> memref<16xi32, #tpu.memory_space<hbm>>
      %dma_wait3A_1320 = arith.constant 0 : i32
      %dma_wait3A_1321 = tpu.memref_slice %arg17[%dma_wait3A_1314, %dma_wait3A_1320] : memref<5x16xi32, #tpu.memory_space<vmem>> -> memref<1x16xi32, #tpu.memory_space<vmem>>
      %dma_wait3A_1322 = tpu.memref_squeeze %dma_wait3A_1321 : memref<1x16xi32, #tpu.memory_space<vmem>> -> memref<16xi32, #tpu.memory_space<vmem>>
      tpu.wait_dma2 semaphore(%arg21 : memref<!tpu.dma_semaphore, #tpu.memory_space<semaphore_mem>>) src(%dma_wait3A_1322 : memref<16xi32, #tpu.memory_space<vmem>>) dst(%dma_wait3A_1319 : memref<16xi32, #tpu.memory_space<hbm>>)
      %dma_wait3A_1323 = arith.constant 1 : i32
      %dma_wait3A_1324 = arith.constant 0 : i32
      %dma_wait3A_1325 = tpu.memref_slice %arg17[%dma_wait3A_1323, %dma_wait3A_1324] : memref<5x16xi32, #tpu.memory_space<vmem>> -> memref<1x16xi32, #tpu.memory_space<vmem>>
      %dma_wait3A_1326 = tpu.memref_squeeze %dma_wait3A_1325 : memref<1x16xi32, #tpu.memory_space<vmem>> -> memref<16xi32, #tpu.memory_space<vmem>>
      %dma_wait3A_1327 = tpu.memref_slice %arg10[%add3A_1135] : memref<1520xi32, #tpu.memory_space<hbm>> -> memref<16xi32, #tpu.memory_space<hbm>>
      %dma_wait3A_1328 = tpu.memref_slice %arg10[%add3A_1135] : memref<1520xi32, #tpu.memory_space<hbm>> -> memref<16xi32, #tpu.memory_space<hbm>>
      %dma_wait3A_1329 = arith.constant 0 : i32
      %dma_wait3A_1330 = tpu.memref_slice %arg17[%dma_wait3A_1323, %dma_wait3A_1329] : memref<5x16xi32, #tpu.memory_space<vmem>> -> memref<1x16xi32, #tpu.memory_space<vmem>>
      %dma_wait3A_1331 = tpu.memref_squeeze %dma_wait3A_1330 : memref<1x16xi32, #tpu.memory_space<vmem>> -> memref<16xi32, #tpu.memory_space<vmem>>
      tpu.wait_dma2 semaphore(%arg21 : memref<!tpu.dma_semaphore, #tpu.memory_space<semaphore_mem>>) src(%dma_wait3A_1331 : memref<16xi32, #tpu.memory_space<vmem>>) dst(%dma_wait3A_1328 : memref<16xi32, #tpu.memory_space<hbm>>)
      %dma_wait3A_1332 = arith.constant 2 : i32
      %dma_wait3A_1333 = arith.constant 0 : i32
      %dma_wait3A_1334 = tpu.memref_slice %arg17[%dma_wait3A_1332, %dma_wait3A_1333] : memref<5x16xi32, #tpu.memory_space<vmem>> -> memref<1x16xi32, #tpu.memory_space<vmem>>
      %dma_wait3A_1335 = tpu.memref_squeeze %dma_wait3A_1334 : memref<1x16xi32, #tpu.memory_space<vmem>> -> memref<16xi32, #tpu.memory_space<vmem>>
      %dma_wait3A_1336 = tpu.memref_slice %arg10[%add3A_1146] : memref<1520xi32, #tpu.memory_space<hbm>> -> memref<16xi32, #tpu.memory_space<hbm>>
      %dma_wait3A_1337 = tpu.memref_slice %arg10[%add3A_1146] : memref<1520xi32, #tpu.memory_space<hbm>> -> memref<16xi32, #tpu.memory_space<hbm>>
      %dma_wait3A_1338 = arith.constant 0 : i32
      %dma_wait3A_1339 = tpu.memref_slice %arg17[%dma_wait3A_1332, %dma_wait3A_1338] : memref<5x16xi32, #tpu.memory_space<vmem>> -> memref<1x16xi32, #tpu.memory_space<vmem>>
      %dma_wait3A_1340 = tpu.memref_squeeze %dma_wait3A_1339 : memref<1x16xi32, #tpu.memory_space<vmem>> -> memref<16xi32, #tpu.memory_space<vmem>>
      tpu.wait_dma2 semaphore(%arg21 : memref<!tpu.dma_semaphore, #tpu.memory_space<semaphore_mem>>) src(%dma_wait3A_1340 : memref<16xi32, #tpu.memory_space<vmem>>) dst(%dma_wait3A_1337 : memref<16xi32, #tpu.memory_space<hbm>>)
      %dma_wait3A_1341 = arith.constant 3 : i32
      %dma_wait3A_1342 = arith.constant 0 : i32
      %dma_wait3A_1343 = tpu.memref_slice %arg17[%dma_wait3A_1341, %dma_wait3A_1342] : memref<5x16xi32, #tpu.memory_space<vmem>> -> memref<1x16xi32, #tpu.memory_space<vmem>>
      %dma_wait3A_1344 = tpu.memref_squeeze %dma_wait3A_1343 : memref<1x16xi32, #tpu.memory_space<vmem>> -> memref<16xi32, #tpu.memory_space<vmem>>
      %dma_wait3A_1345 = tpu.memref_slice %arg10[%add3A_1157] : memref<1520xi32, #tpu.memory_space<hbm>> -> memref<16xi32, #tpu.memory_space<hbm>>
      %dma_wait3A_1346 = tpu.memref_slice %arg10[%add3A_1157] : memref<1520xi32, #tpu.memory_space<hbm>> -> memref<16xi32, #tpu.memory_space<hbm>>
      %dma_wait3A_1347 = arith.constant 0 : i32
      %dma_wait3A_1348 = tpu.memref_slice %arg17[%dma_wait3A_1341, %dma_wait3A_1347] : memref<5x16xi32, #tpu.memory_space<vmem>> -> memref<1x16xi32, #tpu.memory_space<vmem>>
      %dma_wait3A_1349 = tpu.memref_squeeze %dma_wait3A_1348 : memref<1x16xi32, #tpu.memory_space<vmem>> -> memref<16xi32, #tpu.memory_space<vmem>>
      tpu.wait_dma2 semaphore(%arg21 : memref<!tpu.dma_semaphore, #tpu.memory_space<semaphore_mem>>) src(%dma_wait3A_1349 : memref<16xi32, #tpu.memory_space<vmem>>) dst(%dma_wait3A_1346 : memref<16xi32, #tpu.memory_space<hbm>>)
      %dma_wait3A_1350 = arith.constant 4 : i32
      %dma_wait3A_1351 = arith.constant 0 : i32
      %dma_wait3A_1352 = tpu.memref_slice %arg17[%dma_wait3A_1350, %dma_wait3A_1351] : memref<5x16xi32, #tpu.memory_space<vmem>> -> memref<1x16xi32, #tpu.memory_space<vmem>>
      %dma_wait3A_1353 = tpu.memref_squeeze %dma_wait3A_1352 : memref<1x16xi32, #tpu.memory_space<vmem>> -> memref<16xi32, #tpu.memory_space<vmem>>
      %dma_wait3A_1354 = tpu.memref_slice %arg10[%add3A_1168] : memref<1520xi32, #tpu.memory_space<hbm>> -> memref<16xi32, #tpu.memory_space<hbm>>
      %dma_wait3A_1355 = tpu.memref_slice %arg10[%add3A_1168] : memref<1520xi32, #tpu.memory_space<hbm>> -> memref<16xi32, #tpu.memory_space<hbm>>
      %dma_wait3A_1356 = arith.constant 0 : i32
      %dma_wait3A_1357 = tpu.memref_slice %arg17[%dma_wait3A_1350, %dma_wait3A_1356] : memref<5x16xi32, #tpu.memory_space<vmem>> -> memref<1x16xi32, #tpu.memory_space<vmem>>
      %dma_wait3A_1358 = tpu.memref_squeeze %dma_wait3A_1357 : memref<1x16xi32, #tpu.memory_space<vmem>> -> memref<16xi32, #tpu.memory_space<vmem>>
      tpu.wait_dma2 semaphore(%arg21 : memref<!tpu.dma_semaphore, #tpu.memory_space<semaphore_mem>>) src(%dma_wait3A_1358 : memref<16xi32, #tpu.memory_space<vmem>>) dst(%dma_wait3A_1355 : memref<16xi32, #tpu.memory_space<hbm>>)
      %dma_wait3A_1359 = arith.constant 0 : i32
      %dma_wait3A_1360 = arith.constant 0 : i32
      %dma_wait3A_1361 = tpu.memref_slice %arg18[%dma_wait3A_1359, %dma_wait3A_1360] : memref<8x16xf32, #tpu.memory_space<vmem>> -> memref<1x16xf32, #tpu.memory_space<vmem>>
      %dma_wait3A_1362 = tpu.memref_squeeze %dma_wait3A_1361 : memref<1x16xf32, #tpu.memory_space<vmem>> -> memref<16xf32, #tpu.memory_space<vmem>>
      %dma_wait3A_1363 = tpu.memref_slice %arg11[%add3A_1179] : memref<2432xf32, #tpu.memory_space<hbm>> -> memref<16xf32, #tpu.memory_space<hbm>>
      %dma_wait3A_1364 = tpu.memref_slice %arg11[%add3A_1179] : memref<2432xf32, #tpu.memory_space<hbm>> -> memref<16xf32, #tpu.memory_space<hbm>>
      %dma_wait3A_1365 = arith.constant 0 : i32
      %dma_wait3A_1366 = tpu.memref_slice %arg18[%dma_wait3A_1359, %dma_wait3A_1365] : memref<8x16xf32, #tpu.memory_space<vmem>> -> memref<1x16xf32, #tpu.memory_space<vmem>>
      %dma_wait3A_1367 = tpu.memref_squeeze %dma_wait3A_1366 : memref<1x16xf32, #tpu.memory_space<vmem>> -> memref<16xf32, #tpu.memory_space<vmem>>
      tpu.wait_dma2 semaphore(%arg21 : memref<!tpu.dma_semaphore, #tpu.memory_space<semaphore_mem>>) src(%dma_wait3A_1367 : memref<16xf32, #tpu.memory_space<vmem>>) dst(%dma_wait3A_1364 : memref<16xf32, #tpu.memory_space<hbm>>)
      %dma_wait3A_1368 = arith.constant 1 : i32
      %dma_wait3A_1369 = arith.constant 0 : i32
      %dma_wait3A_1370 = tpu.memref_slice %arg18[%dma_wait3A_1368, %dma_wait3A_1369] : memref<8x16xf32, #tpu.memory_space<vmem>> -> memref<1x16xf32, #tpu.memory_space<vmem>>
      %dma_wait3A_1371 = tpu.memref_squeeze %dma_wait3A_1370 : memref<1x16xf32, #tpu.memory_space<vmem>> -> memref<16xf32, #tpu.memory_space<vmem>>
      %dma_wait3A_1372 = tpu.memref_slice %arg11[%add3A_1190] : memref<2432xf32, #tpu.memory_space<hbm>> -> memref<16xf32, #tpu.memory_space<hbm>>
      %dma_wait3A_1373 = tpu.memref_slice %arg11[%add3A_1190] : memref<2432xf32, #tpu.memory_space<hbm>> -> memref<16xf32, #tpu.memory_space<hbm>>
      %dma_wait3A_1374 = arith.constant 0 : i32
      %dma_wait3A_1375 = tpu.memref_slice %arg18[%dma_wait3A_1368, %dma_wait3A_1374] : memref<8x16xf32, #tpu.memory_space<vmem>> -> memref<1x16xf32, #tpu.memory_space<vmem>>
      %dma_wait3A_1376 = tpu.memref_squeeze %dma_wait3A_1375 : memref<1x16xf32, #tpu.memory_space<vmem>> -> memref<16xf32, #tpu.memory_space<vmem>>
      tpu.wait_dma2 semaphore(%arg21 : memref<!tpu.dma_semaphore, #tpu.memory_space<semaphore_mem>>) src(%dma_wait3A_1376 : memref<16xf32, #tpu.memory_space<vmem>>) dst(%dma_wait3A_1373 : memref<16xf32, #tpu.memory_space<hbm>>)
      %dma_wait3A_1377 = arith.constant 2 : i32
      %dma_wait3A_1378 = arith.constant 0 : i32
      %dma_wait3A_1379 = tpu.memref_slice %arg18[%dma_wait3A_1377, %dma_wait3A_1378] : memref<8x16xf32, #tpu.memory_space<vmem>> -> memref<1x16xf32, #tpu.memory_space<vmem>>
      %dma_wait3A_1380 = tpu.memref_squeeze %dma_wait3A_1379 : memref<1x16xf32, #tpu.memory_space<vmem>> -> memref<16xf32, #tpu.memory_space<vmem>>
      %dma_wait3A_1381 = tpu.memref_slice %arg11[%add3A_1201] : memref<2432xf32, #tpu.memory_space<hbm>> -> memref<16xf32, #tpu.memory_space<hbm>>
      %dma_wait3A_1382 = tpu.memref_slice %arg11[%add3A_1201] : memref<2432xf32, #tpu.memory_space<hbm>> -> memref<16xf32, #tpu.memory_space<hbm>>
      %dma_wait3A_1383 = arith.constant 0 : i32
      %dma_wait3A_1384 = tpu.memref_slice %arg18[%dma_wait3A_1377, %dma_wait3A_1383] : memref<8x16xf32, #tpu.memory_space<vmem>> -> memref<1x16xf32, #tpu.memory_space<vmem>>
      %dma_wait3A_1385 = tpu.memref_squeeze %dma_wait3A_1384 : memref<1x16xf32, #tpu.memory_space<vmem>> -> memref<16xf32, #tpu.memory_space<vmem>>
      tpu.wait_dma2 semaphore(%arg21 : memref<!tpu.dma_semaphore, #tpu.memory_space<semaphore_mem>>) src(%dma_wait3A_1385 : memref<16xf32, #tpu.memory_space<vmem>>) dst(%dma_wait3A_1382 : memref<16xf32, #tpu.memory_space<hbm>>)
      %dma_wait3A_1386 = arith.constant 3 : i32
      %dma_wait3A_1387 = arith.constant 0 : i32
      %dma_wait3A_1388 = tpu.memref_slice %arg18[%dma_wait3A_1386, %dma_wait3A_1387] : memref<8x16xf32, #tpu.memory_space<vmem>> -> memref<1x16xf32, #tpu.memory_space<vmem>>
      %dma_wait3A_1389 = tpu.memref_squeeze %dma_wait3A_1388 : memref<1x16xf32, #tpu.memory_space<vmem>> -> memref<16xf32, #tpu.memory_space<vmem>>
      %dma_wait3A_1390 = tpu.memref_slice %arg11[%add3A_1212] : memref<2432xf32, #tpu.memory_space<hbm>> -> memref<16xf32, #tpu.memory_space<hbm>>
      %dma_wait3A_1391 = tpu.memref_slice %arg11[%add3A_1212] : memref<2432xf32, #tpu.memory_space<hbm>> -> memref<16xf32, #tpu.memory_space<hbm>>
      %dma_wait3A_1392 = arith.constant 0 : i32
      %dma_wait3A_1393 = tpu.memref_slice %arg18[%dma_wait3A_1386, %dma_wait3A_1392] : memref<8x16xf32, #tpu.memory_space<vmem>> -> memref<1x16xf32, #tpu.memory_space<vmem>>
      %dma_wait3A_1394 = tpu.memref_squeeze %dma_wait3A_1393 : memref<1x16xf32, #tpu.memory_space<vmem>> -> memref<16xf32, #tpu.memory_space<vmem>>
      tpu.wait_dma2 semaphore(%arg21 : memref<!tpu.dma_semaphore, #tpu.memory_space<semaphore_mem>>) src(%dma_wait3A_1394 : memref<16xf32, #tpu.memory_space<vmem>>) dst(%dma_wait3A_1391 : memref<16xf32, #tpu.memory_space<hbm>>)
      %dma_wait3A_1395 = arith.constant 4 : i32
      %dma_wait3A_1396 = arith.constant 0 : i32
      %dma_wait3A_1397 = tpu.memref_slice %arg18[%dma_wait3A_1395, %dma_wait3A_1396] : memref<8x16xf32, #tpu.memory_space<vmem>> -> memref<1x16xf32, #tpu.memory_space<vmem>>
      %dma_wait3A_1398 = tpu.memref_squeeze %dma_wait3A_1397 : memref<1x16xf32, #tpu.memory_space<vmem>> -> memref<16xf32, #tpu.memory_space<vmem>>
      %dma_wait3A_1399 = tpu.memref_slice %arg11[%add3A_1223] : memref<2432xf32, #tpu.memory_space<hbm>> -> memref<16xf32, #tpu.memory_space<hbm>>
      %dma_wait3A_1400 = tpu.memref_slice %arg11[%add3A_1223] : memref<2432xf32, #tpu.memory_space<hbm>> -> memref<16xf32, #tpu.memory_space<hbm>>
      %dma_wait3A_1401 = arith.constant 0 : i32
      %dma_wait3A_1402 = tpu.memref_slice %arg18[%dma_wait3A_1395, %dma_wait3A_1401] : memref<8x16xf32, #tpu.memory_space<vmem>> -> memref<1x16xf32, #tpu.memory_space<vmem>>
      %dma_wait3A_1403 = tpu.memref_squeeze %dma_wait3A_1402 : memref<1x16xf32, #tpu.memory_space<vmem>> -> memref<16xf32, #tpu.memory_space<vmem>>
      tpu.wait_dma2 semaphore(%arg21 : memref<!tpu.dma_semaphore, #tpu.memory_space<semaphore_mem>>) src(%dma_wait3A_1403 : memref<16xf32, #tpu.memory_space<vmem>>) dst(%dma_wait3A_1400 : memref<16xf32, #tpu.memory_space<hbm>>)
      %dma_wait3A_1404 = arith.constant 5 : i32
      %dma_wait3A_1405 = arith.constant 0 : i32
      %dma_wait3A_1406 = tpu.memref_slice %arg18[%dma_wait3A_1404, %dma_wait3A_1405] : memref<8x16xf32, #tpu.memory_space<vmem>> -> memref<1x16xf32, #tpu.memory_space<vmem>>
      %dma_wait3A_1407 = tpu.memref_squeeze %dma_wait3A_1406 : memref<1x16xf32, #tpu.memory_space<vmem>> -> memref<16xf32, #tpu.memory_space<vmem>>
      %dma_wait3A_1408 = tpu.memref_slice %arg11[%add3A_1234] : memref<2432xf32, #tpu.memory_space<hbm>> -> memref<16xf32, #tpu.memory_space<hbm>>
      %dma_wait3A_1409 = tpu.memref_slice %arg11[%add3A_1234] : memref<2432xf32, #tpu.memory_space<hbm>> -> memref<16xf32, #tpu.memory_space<hbm>>
      %dma_wait3A_1410 = arith.constant 0 : i32
      %dma_wait3A_1411 = tpu.memref_slice %arg18[%dma_wait3A_1404, %dma_wait3A_1410] : memref<8x16xf32, #tpu.memory_space<vmem>> -> memref<1x16xf32, #tpu.memory_space<vmem>>
      %dma_wait3A_1412 = tpu.memref_squeeze %dma_wait3A_1411 : memref<1x16xf32, #tpu.memory_space<vmem>> -> memref<16xf32, #tpu.memory_space<vmem>>
      tpu.wait_dma2 semaphore(%arg21 : memref<!tpu.dma_semaphore, #tpu.memory_space<semaphore_mem>>) src(%dma_wait3A_1412 : memref<16xf32, #tpu.memory_space<vmem>>) dst(%dma_wait3A_1409 : memref<16xf32, #tpu.memory_space<hbm>>)
      %dma_wait3A_1413 = arith.constant 6 : i32
      %dma_wait3A_1414 = arith.constant 0 : i32
      %dma_wait3A_1415 = tpu.memref_slice %arg18[%dma_wait3A_1413, %dma_wait3A_1414] : memref<8x16xf32, #tpu.memory_space<vmem>> -> memref<1x16xf32, #tpu.memory_space<vmem>>
      %dma_wait3A_1416 = tpu.memref_squeeze %dma_wait3A_1415 : memref<1x16xf32, #tpu.memory_space<vmem>> -> memref<16xf32, #tpu.memory_space<vmem>>
      %dma_wait3A_1417 = tpu.memref_slice %arg11[%add3A_1245] : memref<2432xf32, #tpu.memory_space<hbm>> -> memref<16xf32, #tpu.memory_space<hbm>>
      %dma_wait3A_1418 = tpu.memref_slice %arg11[%add3A_1245] : memref<2432xf32, #tpu.memory_space<hbm>> -> memref<16xf32, #tpu.memory_space<hbm>>
      %dma_wait3A_1419 = arith.constant 0 : i32
      %dma_wait3A_1420 = tpu.memref_slice %arg18[%dma_wait3A_1413, %dma_wait3A_1419] : memref<8x16xf32, #tpu.memory_space<vmem>> -> memref<1x16xf32, #tpu.memory_space<vmem>>
      %dma_wait3A_1421 = tpu.memref_squeeze %dma_wait3A_1420 : memref<1x16xf32, #tpu.memory_space<vmem>> -> memref<16xf32, #tpu.memory_space<vmem>>
      tpu.wait_dma2 semaphore(%arg21 : memref<!tpu.dma_semaphore, #tpu.memory_space<semaphore_mem>>) src(%dma_wait3A_1421 : memref<16xf32, #tpu.memory_space<vmem>>) dst(%dma_wait3A_1418 : memref<16xf32, #tpu.memory_space<hbm>>)
      %dma_wait3A_1422 = arith.constant 7 : i32
      %dma_wait3A_1423 = arith.constant 0 : i32
      %dma_wait3A_1424 = tpu.memref_slice %arg18[%dma_wait3A_1422, %dma_wait3A_1423] : memref<8x16xf32, #tpu.memory_space<vmem>> -> memref<1x16xf32, #tpu.memory_space<vmem>>
      %dma_wait3A_1425 = tpu.memref_squeeze %dma_wait3A_1424 : memref<1x16xf32, #tpu.memory_space<vmem>> -> memref<16xf32, #tpu.memory_space<vmem>>
      %dma_wait3A_1426 = tpu.memref_slice %arg11[%add3A_1256] : memref<2432xf32, #tpu.memory_space<hbm>> -> memref<16xf32, #tpu.memory_space<hbm>>
      %dma_wait3A_1427 = tpu.memref_slice %arg11[%add3A_1256] : memref<2432xf32, #tpu.memory_space<hbm>> -> memref<16xf32, #tpu.memory_space<hbm>>
      %dma_wait3A_1428 = arith.constant 0 : i32
      %dma_wait3A_1429 = tpu.memref_slice %arg18[%dma_wait3A_1422, %dma_wait3A_1428] : memref<8x16xf32, #tpu.memory_space<vmem>> -> memref<1x16xf32, #tpu.memory_space<vmem>>
      %dma_wait3A_1430 = tpu.memref_squeeze %dma_wait3A_1429 : memref<1x16xf32, #tpu.memory_space<vmem>> -> memref<16xf32, #tpu.memory_space<vmem>>
      tpu.wait_dma2 semaphore(%arg21 : memref<!tpu.dma_semaphore, #tpu.memory_space<semaphore_mem>>) src(%dma_wait3A_1430 : memref<16xf32, #tpu.memory_space<vmem>>) dst(%dma_wait3A_1427 : memref<16xf32, #tpu.memory_space<hbm>>)
      %dma_wait3A_1431 = arith.constant 0 : i32
      %dma_wait3A_1432 = arith.constant 0 : i32
      %dma_wait3A_1433 = tpu.memref_slice %arg19[%dma_wait3A_1431, %dma_wait3A_1432] : memref<4x16xf32, #tpu.memory_space<vmem>> -> memref<1x16xf32, #tpu.memory_space<vmem>>
      %dma_wait3A_1434 = tpu.memref_squeeze %dma_wait3A_1433 : memref<1x16xf32, #tpu.memory_space<vmem>> -> memref<16xf32, #tpu.memory_space<vmem>>
      %dma_wait3A_1435 = tpu.memref_slice %arg12[%add3A_1267] : memref<1216xf32, #tpu.memory_space<hbm>> -> memref<16xf32, #tpu.memory_space<hbm>>
      %dma_wait3A_1436 = tpu.memref_slice %arg12[%add3A_1267] : memref<1216xf32, #tpu.memory_space<hbm>> -> memref<16xf32, #tpu.memory_space<hbm>>
      %dma_wait3A_1437 = arith.constant 0 : i32
      %dma_wait3A_1438 = tpu.memref_slice %arg19[%dma_wait3A_1431, %dma_wait3A_1437] : memref<4x16xf32, #tpu.memory_space<vmem>> -> memref<1x16xf32, #tpu.memory_space<vmem>>
      %dma_wait3A_1439 = tpu.memref_squeeze %dma_wait3A_1438 : memref<1x16xf32, #tpu.memory_space<vmem>> -> memref<16xf32, #tpu.memory_space<vmem>>
      tpu.wait_dma2 semaphore(%arg21 : memref<!tpu.dma_semaphore, #tpu.memory_space<semaphore_mem>>) src(%dma_wait3A_1439 : memref<16xf32, #tpu.memory_space<vmem>>) dst(%dma_wait3A_1436 : memref<16xf32, #tpu.memory_space<hbm>>)
      %dma_wait3A_1440 = arith.constant 1 : i32
      %dma_wait3A_1441 = arith.constant 0 : i32
      %dma_wait3A_1442 = tpu.memref_slice %arg19[%dma_wait3A_1440, %dma_wait3A_1441] : memref<4x16xf32, #tpu.memory_space<vmem>> -> memref<1x16xf32, #tpu.memory_space<vmem>>
      %dma_wait3A_1443 = tpu.memref_squeeze %dma_wait3A_1442 : memref<1x16xf32, #tpu.memory_space<vmem>> -> memref<16xf32, #tpu.memory_space<vmem>>
      %dma_wait3A_1444 = tpu.memref_slice %arg12[%add3A_1278] : memref<1216xf32, #tpu.memory_space<hbm>> -> memref<16xf32, #tpu.memory_space<hbm>>
      %dma_wait3A_1445 = tpu.memref_slice %arg12[%add3A_1278] : memref<1216xf32, #tpu.memory_space<hbm>> -> memref<16xf32, #tpu.memory_space<hbm>>
      %dma_wait3A_1446 = arith.constant 0 : i32
      %dma_wait3A_1447 = tpu.memref_slice %arg19[%dma_wait3A_1440, %dma_wait3A_1446] : memref<4x16xf32, #tpu.memory_space<vmem>> -> memref<1x16xf32, #tpu.memory_space<vmem>>
      %dma_wait3A_1448 = tpu.memref_squeeze %dma_wait3A_1447 : memref<1x16xf32, #tpu.memory_space<vmem>> -> memref<16xf32, #tpu.memory_space<vmem>>
      tpu.wait_dma2 semaphore(%arg21 : memref<!tpu.dma_semaphore, #tpu.memory_space<semaphore_mem>>) src(%dma_wait3A_1448 : memref<16xf32, #tpu.memory_space<vmem>>) dst(%dma_wait3A_1445 : memref<16xf32, #tpu.memory_space<hbm>>)
      %dma_wait3A_1449 = arith.constant 2 : i32
      %dma_wait3A_1450 = arith.constant 0 : i32
      %dma_wait3A_1451 = tpu.memref_slice %arg19[%dma_wait3A_1449, %dma_wait3A_1450] : memref<4x16xf32, #tpu.memory_space<vmem>> -> memref<1x16xf32, #tpu.memory_space<vmem>>
      %dma_wait3A_1452 = tpu.memref_squeeze %dma_wait3A_1451 : memref<1x16xf32, #tpu.memory_space<vmem>> -> memref<16xf32, #tpu.memory_space<vmem>>
      %dma_wait3A_1453 = tpu.memref_slice %arg12[%add3A_1289] : memref<1216xf32, #tpu.memory_space<hbm>> -> memref<16xf32, #tpu.memory_space<hbm>>
      %dma_wait3A_1454 = tpu.memref_slice %arg12[%add3A_1289] : memref<1216xf32, #tpu.memory_space<hbm>> -> memref<16xf32, #tpu.memory_space<hbm>>
      %dma_wait3A_1455 = arith.constant 0 : i32
      %dma_wait3A_1456 = tpu.memref_slice %arg19[%dma_wait3A_1449, %dma_wait3A_1455] : memref<4x16xf32, #tpu.memory_space<vmem>> -> memref<1x16xf32, #tpu.memory_space<vmem>>
      %dma_wait3A_1457 = tpu.memref_squeeze %dma_wait3A_1456 : memref<1x16xf32, #tpu.memory_space<vmem>> -> memref<16xf32, #tpu.memory_space<vmem>>
      tpu.wait_dma2 semaphore(%arg21 : memref<!tpu.dma_semaphore, #tpu.memory_space<semaphore_mem>>) src(%dma_wait3A_1457 : memref<16xf32, #tpu.memory_space<vmem>>) dst(%dma_wait3A_1454 : memref<16xf32, #tpu.memory_space<hbm>>)
      %dma_wait3A_1458 = arith.constant 3 : i32
      %dma_wait3A_1459 = arith.constant 0 : i32
      %dma_wait3A_1460 = tpu.memref_slice %arg19[%dma_wait3A_1458, %dma_wait3A_1459] : memref<4x16xf32, #tpu.memory_space<vmem>> -> memref<1x16xf32, #tpu.memory_space<vmem>>
      %dma_wait3A_1461 = tpu.memref_squeeze %dma_wait3A_1460 : memref<1x16xf32, #tpu.memory_space<vmem>> -> memref<16xf32, #tpu.memory_space<vmem>>
      %dma_wait3A_1462 = tpu.memref_slice %arg12[%add3A_1300] : memref<1216xf32, #tpu.memory_space<hbm>> -> memref<16xf32, #tpu.memory_space<hbm>>
      %dma_wait3A_1463 = tpu.memref_slice %arg12[%add3A_1300] : memref<1216xf32, #tpu.memory_space<hbm>> -> memref<16xf32, #tpu.memory_space<hbm>>
      %dma_wait3A_1464 = arith.constant 0 : i32
      %dma_wait3A_1465 = tpu.memref_slice %arg19[%dma_wait3A_1458, %dma_wait3A_1464] : memref<4x16xf32, #tpu.memory_space<vmem>> -> memref<1x16xf32, #tpu.memory_space<vmem>>
      %dma_wait3A_1466 = tpu.memref_squeeze %dma_wait3A_1465 : memref<1x16xf32, #tpu.memory_space<vmem>> -> memref<16xf32, #tpu.memory_space<vmem>>
      tpu.wait_dma2 semaphore(%arg21 : memref<!tpu.dma_semaphore, #tpu.memory_space<semaphore_mem>>) src(%dma_wait3A_1466 : memref<16xf32, #tpu.memory_space<vmem>>) dst(%dma_wait3A_1463 : memref<16xf32, #tpu.memory_space<hbm>>)
      %dma_wait3A_1467 = arith.constant 0 : i32
      %dma_wait3A_1468 = tpu.memref_slice %arg13[%mul3A_4, %dma_wait3A_1467] : memref<304x80xf32, #tpu.memory_space<hbm>> -> memref<16x80xf32, #tpu.memory_space<hbm>>
      %dma_wait3A_1469 = arith.constant 0 : i32
      %dma_wait3A_1470 = tpu.memref_slice %arg13[%mul3A_4, %dma_wait3A_1469] : memref<304x80xf32, #tpu.memory_space<hbm>> -> memref<16x80xf32, #tpu.memory_space<hbm>>
      tpu.wait_dma2 semaphore(%arg21 : memref<!tpu.dma_semaphore, #tpu.memory_space<semaphore_mem>>) src(%arg20 : memref<16x80xf32, #tpu.memory_space<vmem>>) dst(%dma_wait3A_1470 : memref<16x80xf32, #tpu.memory_space<hbm>>)
    } else {
    }
    return
  }
}

module attributes {stable_mosaic.version = 14 : i64} {
  func.func @tc_fn(%arg0: memref<1014x128xf32, #tpu.memory_space<vmem>>, %arg1: memref<5x304xi32, #tpu.memory_space<vmem>>, %arg2: memref<8x304xf32, #tpu.memory_space<vmem>>, %arg3: memref<4x304xf32, #tpu.memory_space<vmem>>, %arg4: memref<304x80xf32, #tpu.memory_space<vmem>>, %arg5: memref<1x1xf32, #tpu.memory_space<vmem>>) attributes {dimension_semantics = [], scalar_prefetch = 0 : i64, scratch_operands = 0 : i64, tpu.core_type = #tpu.core_type<tc>} {
    %get3A = arith.constant 0 : index
    %get3A_0 = arith.constant 0 : index
    %get3A_1 = vector.load %arg0[%get3A, %get3A_0] : memref<1014x128xf32, #tpu.memory_space<vmem>>, vector<1014x128xf32>
    %jit3A = arith.constant 1.000000e-07 : f32
    %jit3A_2 = arith.constant 0.99999988 : f32
    %max3A = vector.broadcast %jit3A : f32 to vector<1014x128xf32>
    %max3A_3 = arith.maximumf %max3A, %get3A_1 : vector<1014x128xf32>
    %min3A = vector.broadcast %jit3A_2 : f32 to vector<1014x128xf32>
    %min3A_4 = arith.minimumf %min3A, %max3A_3 : vector<1014x128xf32>
    %sub3A = arith.constant 1.000000e+00 : f32
    %sub3A_5 = vector.broadcast %sub3A : f32 to vector<1014x128xf32>
    %sub3A_6 = arith.subf %sub3A_5, %min3A_4 : vector<1014x128xf32>
    %log3A = math.log %sub3A_6 : vector<1014x128xf32>
    %reduce_sum3A = vector.shape_cast %log3A : vector<1014x128xf32> to vector<1x1014x128xf32>
    %reduce_sum3A_7 = arith.constant dense<0.000000e+00> : vector<1xf32>
    %reduce_sum3A_8 = vector.multi_reduction <add>, %reduce_sum3A, %reduce_sum3A_7 [1, 2] : vector<1x1014x128xf32> to vector<1xf32>
    %reduce_sum3A_9 = vector.shape_cast %reduce_sum3A_8 : vector<1xf32> to vector<1x1x1xf32>
    %reduce_sum3A_10 = vector.extract %reduce_sum3A_9[0, 0, 0] : f32 from vector<1x1x1xf32>
    %neg3A = arith.constant 0.000000e+00 : f32
    %neg3A_11 = arith.subf %neg3A, %reduce_sum3A_10 : f32
    %get3A_12 = arith.constant 0 : index
    %get3A_13 = arith.constant 0 : index
    %get3A_14 = vector.load %arg1[%get3A_12, %get3A_13] : memref<5x304xi32, #tpu.memory_space<vmem>>, vector<1x304xi32>
    %get3A_15 = vector.shape_cast %get3A_14 : vector<1x304xi32> to vector<304xi32>
    %get3A_16 = arith.constant 1 : index
    %get3A_17 = arith.constant 0 : index
    %get3A_18 = vector.load %arg1[%get3A_16, %get3A_17] : memref<5x304xi32, #tpu.memory_space<vmem>>, vector<1x304xi32>
    %get3A_19 = vector.shape_cast %get3A_18 : vector<1x304xi32> to vector<304xi32>
    %ge3A = arith.constant 0 : i32
    %ge3A_20 = vector.broadcast %ge3A : i32 to vector<304xi32>
    %ge3A_21 = arith.cmpi sge, %get3A_15, %ge3A_20 : vector<304xi32>
    %iota3A = tpu.iota {dimensions = array<i32: 0>} : vector<304x304xi32>
    %iota3A_22 = tpu.iota {dimensions = array<i32: 1>} : vector<304x304xi32>
    %gt3A = arith.cmpi sgt, %iota3A_22, %iota3A : vector<304x304xi32>
    %broadcast_in_dim3A = vector.shape_cast %get3A_15 : vector<304xi32> to vector<1x304xi32>
    %broadcast_in_dim3A_23 = vector.shape_cast %get3A_15 : vector<304xi32> to vector<304x1xi32>
    %eq3A = vector.broadcast %broadcast_in_dim3A : vector<1x304xi32> to vector<304x304xi32>
    %eq3A_24 = vector.broadcast %broadcast_in_dim3A_23 : vector<304x1xi32> to vector<304x304xi32>
    %eq3A_25 = arith.cmpi eq, %eq3A, %eq3A_24 : vector<304x304xi32>
    %and3A = arith.andi %eq3A_25, %gt3A : vector<304x304xi1>
    %reduce_or3A = arith.constant 1.000000e+00 : f32
    %reduce_or3A_26 = arith.constant 0.000000e+00 : f32
    %reduce_or3A_27 = vector.broadcast %reduce_or3A : f32 to vector<304x304xf32>
    %reduce_or3A_28 = vector.broadcast %reduce_or3A_26 : f32 to vector<304x304xf32>
    %reduce_or3A_29 = arith.select %and3A, %reduce_or3A_27, %reduce_or3A_28 : vector<304x304xi1>, vector<304x304xf32>
    %reduce_or3A_30 = arith.constant dense<0xFF800000> : vector<304xf32>
    %reduce_or3A_31 = vector.multi_reduction <maximumf>, %reduce_or3A_29, %reduce_or3A_30 [1] : vector<304x304xf32> to vector<304xf32>
    %reduce_or3A_32 = arith.constant 0.000000e+00 : f32
    %reduce_or3A_33 = vector.broadcast %reduce_or3A_32 : f32 to vector<304xf32>
    %reduce_or3A_34 = arith.cmpf ogt, %reduce_or3A_31, %reduce_or3A_33 : vector<304xf32>
    %not3A = arith.constant dense<true> : vector<304xi1>
    %not3A_35 = arith.xori %reduce_or3A_34, %not3A : vector<304xi1>
    %and3A_36 = arith.andi %ge3A_21, %not3A_35 : vector<304xi1>
    %mul3A = arith.constant 80 : i32
    %mul3A_37 = vector.broadcast %mul3A : i32 to vector<304xi32>
    %mul3A_38 = arith.muli %get3A_15, %mul3A_37 : vector<304xi32>
    %add3A = arith.addi %mul3A_38, %get3A_19 : vector<304xi32>
    %jit3A_39 = arith.constant -1 : i32
    %broadcast_in_dim3A_40 = vector.broadcast %jit3A_39 : i32 to vector<304xi32>
    %select_n3A = arith.select %ge3A_21, %add3A, %broadcast_in_dim3A_40 : vector<304xi1>, vector<304xi32>
    %broadcast_in_dim3A_41 = vector.shape_cast %select_n3A : vector<304xi32> to vector<1x304xi32>
    %broadcast_in_dim3A_42 = vector.shape_cast %select_n3A : vector<304xi32> to vector<304x1xi32>
    %eq3A_43 = vector.broadcast %broadcast_in_dim3A_41 : vector<1x304xi32> to vector<304x304xi32>
    %eq3A_44 = vector.broadcast %broadcast_in_dim3A_42 : vector<304x1xi32> to vector<304x304xi32>
    %eq3A_45 = arith.cmpi eq, %eq3A_43, %eq3A_44 : vector<304x304xi32>
    %and3A_46 = arith.andi %eq3A_45, %gt3A : vector<304x304xi1>
    %reduce_or3A_47 = arith.constant 1.000000e+00 : f32
    %reduce_or3A_48 = arith.constant 0.000000e+00 : f32
    %reduce_or3A_49 = vector.broadcast %reduce_or3A_47 : f32 to vector<304x304xf32>
    %reduce_or3A_50 = vector.broadcast %reduce_or3A_48 : f32 to vector<304x304xf32>
    %reduce_or3A_51 = arith.select %and3A_46, %reduce_or3A_49, %reduce_or3A_50 : vector<304x304xi1>, vector<304x304xf32>
    %reduce_or3A_52 = arith.constant dense<0xFF800000> : vector<304xf32>
    %reduce_or3A_53 = vector.multi_reduction <maximumf>, %reduce_or3A_51, %reduce_or3A_52 [1] : vector<304x304xf32> to vector<304xf32>
    %reduce_or3A_54 = arith.constant 0.000000e+00 : f32
    %reduce_or3A_55 = vector.broadcast %reduce_or3A_54 : f32 to vector<304xf32>
    %reduce_or3A_56 = arith.cmpf ogt, %reduce_or3A_53, %reduce_or3A_55 : vector<304xf32>
    %not3A_57 = arith.constant dense<true> : vector<304xi1>
    %not3A_58 = arith.xori %reduce_or3A_56, %not3A_57 : vector<304xi1>
    %and3A_59 = arith.andi %ge3A_21, %not3A_58 : vector<304xi1>
    %get3A_60 = arith.constant 2 : index
    %get3A_61 = arith.constant 0 : index
    %get3A_62 = vector.load %arg1[%get3A_60, %get3A_61] : memref<5x304xi32, #tpu.memory_space<vmem>>, vector<1x304xi32>
    %get3A_63 = vector.shape_cast %get3A_62 : vector<1x304xi32> to vector<304xi32>
    %get3A_64 = arith.constant 3 : index
    %get3A_65 = arith.constant 0 : index
    %get3A_66 = vector.load %arg1[%get3A_64, %get3A_65] : memref<5x304xi32, #tpu.memory_space<vmem>>, vector<1x304xi32>
    %get3A_67 = vector.shape_cast %get3A_66 : vector<1x304xi32> to vector<304xi32>
    %get3A_68 = arith.constant 4 : index
    %get3A_69 = arith.constant 0 : index
    %get3A_70 = vector.load %arg1[%get3A_68, %get3A_69] : memref<5x304xi32, #tpu.memory_space<vmem>>, vector<1x304xi32>
    %get3A_71 = vector.shape_cast %get3A_70 : vector<1x304xi32> to vector<304xi32>
    %concatenate3A = tpu.concatenate %get3A_15, %get3A_63, %get3A_67, %get3A_71 in 0 : vector<304xi32>, vector<304xi32>, vector<304xi32>, vector<304xi32> -> vector<1216xi32>
    %iota3A_72 = tpu.iota {dimensions = array<i32: 0>} : vector<128x1216xi32>
    %add3A_73 = arith.constant 0 : i32
    %add3A_74 = vector.broadcast %add3A_73 : i32 to vector<128x1216xi32>
    %add3A_75 = arith.addi %iota3A_72, %add3A_74 : vector<128x1216xi32>
    %iota3A_76 = tpu.iota {dimensions = array<i32: 1>} : vector<128x1216xi32>
    %broadcast_in_dim3A_77 = vector.shape_cast %concatenate3A : vector<1216xi32> to vector<1x1216xi32>
    %slice3A = vector.extract_strided_slice %concatenate3A {offsets = [0], sizes = [128], strides = [1]} : vector<1216xi32> to vector<128xi32>
    %broadcast_in_dim3A_78 = vector.shape_cast %slice3A : vector<128xi32> to vector<128x1xi32>
    %eq3A_79 = vector.broadcast %broadcast_in_dim3A_77 : vector<1x1216xi32> to vector<128x1216xi32>
    %eq3A_80 = vector.broadcast %broadcast_in_dim3A_78 : vector<128x1xi32> to vector<128x1216xi32>
    %eq3A_81 = arith.cmpi eq, %eq3A_79, %eq3A_80 : vector<128x1216xi32>
    %lt3A = arith.cmpi slt, %iota3A_76, %add3A_75 : vector<128x1216xi32>
    %and3A_82 = arith.andi %eq3A_81, %lt3A : vector<128x1216xi1>
    %reduce_or3A_83 = arith.constant 1.000000e+00 : f32
    %reduce_or3A_84 = arith.constant 0.000000e+00 : f32
    %reduce_or3A_85 = vector.broadcast %reduce_or3A_83 : f32 to vector<128x1216xf32>
    %reduce_or3A_86 = vector.broadcast %reduce_or3A_84 : f32 to vector<128x1216xf32>
    %reduce_or3A_87 = arith.select %and3A_82, %reduce_or3A_85, %reduce_or3A_86 : vector<128x1216xi1>, vector<128x1216xf32>
    %reduce_or3A_88 = arith.constant dense<0xFF800000> : vector<128xf32>
    %reduce_or3A_89 = vector.multi_reduction <maximumf>, %reduce_or3A_87, %reduce_or3A_88 [1] : vector<128x1216xf32> to vector<128xf32>
    %reduce_or3A_90 = arith.constant 0.000000e+00 : f32
    %reduce_or3A_91 = vector.broadcast %reduce_or3A_90 : f32 to vector<128xf32>
    %reduce_or3A_92 = arith.cmpf ogt, %reduce_or3A_89, %reduce_or3A_91 : vector<128xf32>
    %convert_element_type3A = arith.extui %reduce_or3A_92 : vector<128xi1> to vector<128xi32>
    %convert_element_type3A_93 = arith.sitofp %convert_element_type3A : vector<128xi32> to vector<128xf32>
    %iota3A_94 = tpu.iota {dimensions = array<i32: 0>} : vector<128x1216xi32>
    %add3A_95 = arith.constant 128 : i32
    %add3A_96 = vector.broadcast %add3A_95 : i32 to vector<128x1216xi32>
    %add3A_97 = arith.addi %iota3A_94, %add3A_96 : vector<128x1216xi32>
    %iota3A_98 = tpu.iota {dimensions = array<i32: 1>} : vector<128x1216xi32>
    %broadcast_in_dim3A_99 = vector.shape_cast %concatenate3A : vector<1216xi32> to vector<1x1216xi32>
    %slice3A_100 = vector.extract_strided_slice %concatenate3A {offsets = [128], sizes = [128], strides = [1]} : vector<1216xi32> to vector<128xi32>
    %broadcast_in_dim3A_101 = vector.shape_cast %slice3A_100 : vector<128xi32> to vector<128x1xi32>
    %eq3A_102 = vector.broadcast %broadcast_in_dim3A_99 : vector<1x1216xi32> to vector<128x1216xi32>
    %eq3A_103 = vector.broadcast %broadcast_in_dim3A_101 : vector<128x1xi32> to vector<128x1216xi32>
    %eq3A_104 = arith.cmpi eq, %eq3A_102, %eq3A_103 : vector<128x1216xi32>
    %lt3A_105 = arith.cmpi slt, %iota3A_98, %add3A_97 : vector<128x1216xi32>
    %and3A_106 = arith.andi %eq3A_104, %lt3A_105 : vector<128x1216xi1>
    %reduce_or3A_107 = arith.constant 1.000000e+00 : f32
    %reduce_or3A_108 = arith.constant 0.000000e+00 : f32
    %reduce_or3A_109 = vector.broadcast %reduce_or3A_107 : f32 to vector<128x1216xf32>
    %reduce_or3A_110 = vector.broadcast %reduce_or3A_108 : f32 to vector<128x1216xf32>
    %reduce_or3A_111 = arith.select %and3A_106, %reduce_or3A_109, %reduce_or3A_110 : vector<128x1216xi1>, vector<128x1216xf32>
    %reduce_or3A_112 = arith.constant dense<0xFF800000> : vector<128xf32>
    %reduce_or3A_113 = vector.multi_reduction <maximumf>, %reduce_or3A_111, %reduce_or3A_112 [1] : vector<128x1216xf32> to vector<128xf32>
    %reduce_or3A_114 = arith.constant 0.000000e+00 : f32
    %reduce_or3A_115 = vector.broadcast %reduce_or3A_114 : f32 to vector<128xf32>
    %reduce_or3A_116 = arith.cmpf ogt, %reduce_or3A_113, %reduce_or3A_115 : vector<128xf32>
    %convert_element_type3A_117 = arith.extui %reduce_or3A_116 : vector<128xi1> to vector<128xi32>
    %convert_element_type3A_118 = arith.sitofp %convert_element_type3A_117 : vector<128xi32> to vector<128xf32>
    %iota3A_119 = tpu.iota {dimensions = array<i32: 0>} : vector<128x1216xi32>
    %add3A_120 = arith.constant 256 : i32
    %add3A_121 = vector.broadcast %add3A_120 : i32 to vector<128x1216xi32>
    %add3A_122 = arith.addi %iota3A_119, %add3A_121 : vector<128x1216xi32>
    %iota3A_123 = tpu.iota {dimensions = array<i32: 1>} : vector<128x1216xi32>
    %broadcast_in_dim3A_124 = vector.shape_cast %concatenate3A : vector<1216xi32> to vector<1x1216xi32>
    %slice3A_125 = vector.extract_strided_slice %concatenate3A {offsets = [256], sizes = [128], strides = [1]} : vector<1216xi32> to vector<128xi32>
    %broadcast_in_dim3A_126 = vector.shape_cast %slice3A_125 : vector<128xi32> to vector<128x1xi32>
    %eq3A_127 = vector.broadcast %broadcast_in_dim3A_124 : vector<1x1216xi32> to vector<128x1216xi32>
    %eq3A_128 = vector.broadcast %broadcast_in_dim3A_126 : vector<128x1xi32> to vector<128x1216xi32>
    %eq3A_129 = arith.cmpi eq, %eq3A_127, %eq3A_128 : vector<128x1216xi32>
    %lt3A_130 = arith.cmpi slt, %iota3A_123, %add3A_122 : vector<128x1216xi32>
    %and3A_131 = arith.andi %eq3A_129, %lt3A_130 : vector<128x1216xi1>
    %reduce_or3A_132 = arith.constant 1.000000e+00 : f32
    %reduce_or3A_133 = arith.constant 0.000000e+00 : f32
    %reduce_or3A_134 = vector.broadcast %reduce_or3A_132 : f32 to vector<128x1216xf32>
    %reduce_or3A_135 = vector.broadcast %reduce_or3A_133 : f32 to vector<128x1216xf32>
    %reduce_or3A_136 = arith.select %and3A_131, %reduce_or3A_134, %reduce_or3A_135 : vector<128x1216xi1>, vector<128x1216xf32>
    %reduce_or3A_137 = arith.constant dense<0xFF800000> : vector<128xf32>
    %reduce_or3A_138 = vector.multi_reduction <maximumf>, %reduce_or3A_136, %reduce_or3A_137 [1] : vector<128x1216xf32> to vector<128xf32>
    %reduce_or3A_139 = arith.constant 0.000000e+00 : f32
    %reduce_or3A_140 = vector.broadcast %reduce_or3A_139 : f32 to vector<128xf32>
    %reduce_or3A_141 = arith.cmpf ogt, %reduce_or3A_138, %reduce_or3A_140 : vector<128xf32>
    %convert_element_type3A_142 = arith.extui %reduce_or3A_141 : vector<128xi1> to vector<128xi32>
    %convert_element_type3A_143 = arith.sitofp %convert_element_type3A_142 : vector<128xi32> to vector<128xf32>
    %iota3A_144 = tpu.iota {dimensions = array<i32: 0>} : vector<128x1216xi32>
    %add3A_145 = arith.constant 384 : i32
    %add3A_146 = vector.broadcast %add3A_145 : i32 to vector<128x1216xi32>
    %add3A_147 = arith.addi %iota3A_144, %add3A_146 : vector<128x1216xi32>
    %iota3A_148 = tpu.iota {dimensions = array<i32: 1>} : vector<128x1216xi32>
    %broadcast_in_dim3A_149 = vector.shape_cast %concatenate3A : vector<1216xi32> to vector<1x1216xi32>
    %slice3A_150 = vector.extract_strided_slice %concatenate3A {offsets = [384], sizes = [128], strides = [1]} : vector<1216xi32> to vector<128xi32>
    %broadcast_in_dim3A_151 = vector.shape_cast %slice3A_150 : vector<128xi32> to vector<128x1xi32>
    %eq3A_152 = vector.broadcast %broadcast_in_dim3A_149 : vector<1x1216xi32> to vector<128x1216xi32>
    %eq3A_153 = vector.broadcast %broadcast_in_dim3A_151 : vector<128x1xi32> to vector<128x1216xi32>
    %eq3A_154 = arith.cmpi eq, %eq3A_152, %eq3A_153 : vector<128x1216xi32>
    %lt3A_155 = arith.cmpi slt, %iota3A_148, %add3A_147 : vector<128x1216xi32>
    %and3A_156 = arith.andi %eq3A_154, %lt3A_155 : vector<128x1216xi1>
    %reduce_or3A_157 = arith.constant 1.000000e+00 : f32
    %reduce_or3A_158 = arith.constant 0.000000e+00 : f32
    %reduce_or3A_159 = vector.broadcast %reduce_or3A_157 : f32 to vector<128x1216xf32>
    %reduce_or3A_160 = vector.broadcast %reduce_or3A_158 : f32 to vector<128x1216xf32>
    %reduce_or3A_161 = arith.select %and3A_156, %reduce_or3A_159, %reduce_or3A_160 : vector<128x1216xi1>, vector<128x1216xf32>
    %reduce_or3A_162 = arith.constant dense<0xFF800000> : vector<128xf32>
    %reduce_or3A_163 = vector.multi_reduction <maximumf>, %reduce_or3A_161, %reduce_or3A_162 [1] : vector<128x1216xf32> to vector<128xf32>
    %reduce_or3A_164 = arith.constant 0.000000e+00 : f32
    %reduce_or3A_165 = vector.broadcast %reduce_or3A_164 : f32 to vector<128xf32>
    %reduce_or3A_166 = arith.cmpf ogt, %reduce_or3A_163, %reduce_or3A_165 : vector<128xf32>
    %convert_element_type3A_167 = arith.extui %reduce_or3A_166 : vector<128xi1> to vector<128xi32>
    %convert_element_type3A_168 = arith.sitofp %convert_element_type3A_167 : vector<128xi32> to vector<128xf32>
    %iota3A_169 = tpu.iota {dimensions = array<i32: 0>} : vector<128x1216xi32>
    %add3A_170 = arith.constant 512 : i32
    %add3A_171 = vector.broadcast %add3A_170 : i32 to vector<128x1216xi32>
    %add3A_172 = arith.addi %iota3A_169, %add3A_171 : vector<128x1216xi32>
    %iota3A_173 = tpu.iota {dimensions = array<i32: 1>} : vector<128x1216xi32>
    %broadcast_in_dim3A_174 = vector.shape_cast %concatenate3A : vector<1216xi32> to vector<1x1216xi32>
    %slice3A_175 = vector.extract_strided_slice %concatenate3A {offsets = [512], sizes = [128], strides = [1]} : vector<1216xi32> to vector<128xi32>
    %broadcast_in_dim3A_176 = vector.shape_cast %slice3A_175 : vector<128xi32> to vector<128x1xi32>
    %eq3A_177 = vector.broadcast %broadcast_in_dim3A_174 : vector<1x1216xi32> to vector<128x1216xi32>
    %eq3A_178 = vector.broadcast %broadcast_in_dim3A_176 : vector<128x1xi32> to vector<128x1216xi32>
    %eq3A_179 = arith.cmpi eq, %eq3A_177, %eq3A_178 : vector<128x1216xi32>
    %lt3A_180 = arith.cmpi slt, %iota3A_173, %add3A_172 : vector<128x1216xi32>
    %and3A_181 = arith.andi %eq3A_179, %lt3A_180 : vector<128x1216xi1>
    %reduce_or3A_182 = arith.constant 1.000000e+00 : f32
    %reduce_or3A_183 = arith.constant 0.000000e+00 : f32
    %reduce_or3A_184 = vector.broadcast %reduce_or3A_182 : f32 to vector<128x1216xf32>
    %reduce_or3A_185 = vector.broadcast %reduce_or3A_183 : f32 to vector<128x1216xf32>
    %reduce_or3A_186 = arith.select %and3A_181, %reduce_or3A_184, %reduce_or3A_185 : vector<128x1216xi1>, vector<128x1216xf32>
    %reduce_or3A_187 = arith.constant dense<0xFF800000> : vector<128xf32>
    %reduce_or3A_188 = vector.multi_reduction <maximumf>, %reduce_or3A_186, %reduce_or3A_187 [1] : vector<128x1216xf32> to vector<128xf32>
    %reduce_or3A_189 = arith.constant 0.000000e+00 : f32
    %reduce_or3A_190 = vector.broadcast %reduce_or3A_189 : f32 to vector<128xf32>
    %reduce_or3A_191 = arith.cmpf ogt, %reduce_or3A_188, %reduce_or3A_190 : vector<128xf32>
    %convert_element_type3A_192 = arith.extui %reduce_or3A_191 : vector<128xi1> to vector<128xi32>
    %convert_element_type3A_193 = arith.sitofp %convert_element_type3A_192 : vector<128xi32> to vector<128xf32>
    %iota3A_194 = tpu.iota {dimensions = array<i32: 0>} : vector<128x1216xi32>
    %add3A_195 = arith.constant 640 : i32
    %add3A_196 = vector.broadcast %add3A_195 : i32 to vector<128x1216xi32>
    %add3A_197 = arith.addi %iota3A_194, %add3A_196 : vector<128x1216xi32>
    %iota3A_198 = tpu.iota {dimensions = array<i32: 1>} : vector<128x1216xi32>
    %broadcast_in_dim3A_199 = vector.shape_cast %concatenate3A : vector<1216xi32> to vector<1x1216xi32>
    %slice3A_200 = vector.extract_strided_slice %concatenate3A {offsets = [640], sizes = [128], strides = [1]} : vector<1216xi32> to vector<128xi32>
    %broadcast_in_dim3A_201 = vector.shape_cast %slice3A_200 : vector<128xi32> to vector<128x1xi32>
    %eq3A_202 = vector.broadcast %broadcast_in_dim3A_199 : vector<1x1216xi32> to vector<128x1216xi32>
    %eq3A_203 = vector.broadcast %broadcast_in_dim3A_201 : vector<128x1xi32> to vector<128x1216xi32>
    %eq3A_204 = arith.cmpi eq, %eq3A_202, %eq3A_203 : vector<128x1216xi32>
    %lt3A_205 = arith.cmpi slt, %iota3A_198, %add3A_197 : vector<128x1216xi32>
    %and3A_206 = arith.andi %eq3A_204, %lt3A_205 : vector<128x1216xi1>
    %reduce_or3A_207 = arith.constant 1.000000e+00 : f32
    %reduce_or3A_208 = arith.constant 0.000000e+00 : f32
    %reduce_or3A_209 = vector.broadcast %reduce_or3A_207 : f32 to vector<128x1216xf32>
    %reduce_or3A_210 = vector.broadcast %reduce_or3A_208 : f32 to vector<128x1216xf32>
    %reduce_or3A_211 = arith.select %and3A_206, %reduce_or3A_209, %reduce_or3A_210 : vector<128x1216xi1>, vector<128x1216xf32>
    %reduce_or3A_212 = arith.constant dense<0xFF800000> : vector<128xf32>
    %reduce_or3A_213 = vector.multi_reduction <maximumf>, %reduce_or3A_211, %reduce_or3A_212 [1] : vector<128x1216xf32> to vector<128xf32>
    %reduce_or3A_214 = arith.constant 0.000000e+00 : f32
    %reduce_or3A_215 = vector.broadcast %reduce_or3A_214 : f32 to vector<128xf32>
    %reduce_or3A_216 = arith.cmpf ogt, %reduce_or3A_213, %reduce_or3A_215 : vector<128xf32>
    %convert_element_type3A_217 = arith.extui %reduce_or3A_216 : vector<128xi1> to vector<128xi32>
    %convert_element_type3A_218 = arith.sitofp %convert_element_type3A_217 : vector<128xi32> to vector<128xf32>
    %iota3A_219 = tpu.iota {dimensions = array<i32: 0>} : vector<128x1216xi32>
    %add3A_220 = arith.constant 768 : i32
    %add3A_221 = vector.broadcast %add3A_220 : i32 to vector<128x1216xi32>
    %add3A_222 = arith.addi %iota3A_219, %add3A_221 : vector<128x1216xi32>
    %iota3A_223 = tpu.iota {dimensions = array<i32: 1>} : vector<128x1216xi32>
    %broadcast_in_dim3A_224 = vector.shape_cast %concatenate3A : vector<1216xi32> to vector<1x1216xi32>
    %slice3A_225 = vector.extract_strided_slice %concatenate3A {offsets = [768], sizes = [128], strides = [1]} : vector<1216xi32> to vector<128xi32>
    %broadcast_in_dim3A_226 = vector.shape_cast %slice3A_225 : vector<128xi32> to vector<128x1xi32>
    %eq3A_227 = vector.broadcast %broadcast_in_dim3A_224 : vector<1x1216xi32> to vector<128x1216xi32>
    %eq3A_228 = vector.broadcast %broadcast_in_dim3A_226 : vector<128x1xi32> to vector<128x1216xi32>
    %eq3A_229 = arith.cmpi eq, %eq3A_227, %eq3A_228 : vector<128x1216xi32>
    %lt3A_230 = arith.cmpi slt, %iota3A_223, %add3A_222 : vector<128x1216xi32>
    %and3A_231 = arith.andi %eq3A_229, %lt3A_230 : vector<128x1216xi1>
    %reduce_or3A_232 = arith.constant 1.000000e+00 : f32
    %reduce_or3A_233 = arith.constant 0.000000e+00 : f32
    %reduce_or3A_234 = vector.broadcast %reduce_or3A_232 : f32 to vector<128x1216xf32>
    %reduce_or3A_235 = vector.broadcast %reduce_or3A_233 : f32 to vector<128x1216xf32>
    %reduce_or3A_236 = arith.select %and3A_231, %reduce_or3A_234, %reduce_or3A_235 : vector<128x1216xi1>, vector<128x1216xf32>
    %reduce_or3A_237 = arith.constant dense<0xFF800000> : vector<128xf32>
    %reduce_or3A_238 = vector.multi_reduction <maximumf>, %reduce_or3A_236, %reduce_or3A_237 [1] : vector<128x1216xf32> to vector<128xf32>
    %reduce_or3A_239 = arith.constant 0.000000e+00 : f32
    %reduce_or3A_240 = vector.broadcast %reduce_or3A_239 : f32 to vector<128xf32>
    %reduce_or3A_241 = arith.cmpf ogt, %reduce_or3A_238, %reduce_or3A_240 : vector<128xf32>
    %convert_element_type3A_242 = arith.extui %reduce_or3A_241 : vector<128xi1> to vector<128xi32>
    %convert_element_type3A_243 = arith.sitofp %convert_element_type3A_242 : vector<128xi32> to vector<128xf32>
    %iota3A_244 = tpu.iota {dimensions = array<i32: 0>} : vector<128x1216xi32>
    %add3A_245 = arith.constant 896 : i32
    %add3A_246 = vector.broadcast %add3A_245 : i32 to vector<128x1216xi32>
    %add3A_247 = arith.addi %iota3A_244, %add3A_246 : vector<128x1216xi32>
    %iota3A_248 = tpu.iota {dimensions = array<i32: 1>} : vector<128x1216xi32>
    %broadcast_in_dim3A_249 = vector.shape_cast %concatenate3A : vector<1216xi32> to vector<1x1216xi32>
    %slice3A_250 = vector.extract_strided_slice %concatenate3A {offsets = [896], sizes = [128], strides = [1]} : vector<1216xi32> to vector<128xi32>
    %broadcast_in_dim3A_251 = vector.shape_cast %slice3A_250 : vector<128xi32> to vector<128x1xi32>
    %eq3A_252 = vector.broadcast %broadcast_in_dim3A_249 : vector<1x1216xi32> to vector<128x1216xi32>
    %eq3A_253 = vector.broadcast %broadcast_in_dim3A_251 : vector<128x1xi32> to vector<128x1216xi32>
    %eq3A_254 = arith.cmpi eq, %eq3A_252, %eq3A_253 : vector<128x1216xi32>
    %lt3A_255 = arith.cmpi slt, %iota3A_248, %add3A_247 : vector<128x1216xi32>
    %and3A_256 = arith.andi %eq3A_254, %lt3A_255 : vector<128x1216xi1>
    %reduce_or3A_257 = arith.constant 1.000000e+00 : f32
    %reduce_or3A_258 = arith.constant 0.000000e+00 : f32
    %reduce_or3A_259 = vector.broadcast %reduce_or3A_257 : f32 to vector<128x1216xf32>
    %reduce_or3A_260 = vector.broadcast %reduce_or3A_258 : f32 to vector<128x1216xf32>
    %reduce_or3A_261 = arith.select %and3A_256, %reduce_or3A_259, %reduce_or3A_260 : vector<128x1216xi1>, vector<128x1216xf32>
    %reduce_or3A_262 = arith.constant dense<0xFF800000> : vector<128xf32>
    %reduce_or3A_263 = vector.multi_reduction <maximumf>, %reduce_or3A_261, %reduce_or3A_262 [1] : vector<128x1216xf32> to vector<128xf32>
    %reduce_or3A_264 = arith.constant 0.000000e+00 : f32
    %reduce_or3A_265 = vector.broadcast %reduce_or3A_264 : f32 to vector<128xf32>
    %reduce_or3A_266 = arith.cmpf ogt, %reduce_or3A_263, %reduce_or3A_265 : vector<128xf32>
    %convert_element_type3A_267 = arith.extui %reduce_or3A_266 : vector<128xi1> to vector<128xi32>
    %convert_element_type3A_268 = arith.sitofp %convert_element_type3A_267 : vector<128xi32> to vector<128xf32>
    %iota3A_269 = tpu.iota {dimensions = array<i32: 0>} : vector<128x1216xi32>
    %add3A_270 = arith.constant 1024 : i32
    %add3A_271 = vector.broadcast %add3A_270 : i32 to vector<128x1216xi32>
    %add3A_272 = arith.addi %iota3A_269, %add3A_271 : vector<128x1216xi32>
    %iota3A_273 = tpu.iota {dimensions = array<i32: 1>} : vector<128x1216xi32>
    %broadcast_in_dim3A_274 = vector.shape_cast %concatenate3A : vector<1216xi32> to vector<1x1216xi32>
    %slice3A_275 = vector.extract_strided_slice %concatenate3A {offsets = [1024], sizes = [128], strides = [1]} : vector<1216xi32> to vector<128xi32>
    %broadcast_in_dim3A_276 = vector.shape_cast %slice3A_275 : vector<128xi32> to vector<128x1xi32>
    %eq3A_277 = vector.broadcast %broadcast_in_dim3A_274 : vector<1x1216xi32> to vector<128x1216xi32>
    %eq3A_278 = vector.broadcast %broadcast_in_dim3A_276 : vector<128x1xi32> to vector<128x1216xi32>
    %eq3A_279 = arith.cmpi eq, %eq3A_277, %eq3A_278 : vector<128x1216xi32>
    %lt3A_280 = arith.cmpi slt, %iota3A_273, %add3A_272 : vector<128x1216xi32>
    %and3A_281 = arith.andi %eq3A_279, %lt3A_280 : vector<128x1216xi1>
    %reduce_or3A_282 = arith.constant 1.000000e+00 : f32
    %reduce_or3A_283 = arith.constant 0.000000e+00 : f32
    %reduce_or3A_284 = vector.broadcast %reduce_or3A_282 : f32 to vector<128x1216xf32>
    %reduce_or3A_285 = vector.broadcast %reduce_or3A_283 : f32 to vector<128x1216xf32>
    %reduce_or3A_286 = arith.select %and3A_281, %reduce_or3A_284, %reduce_or3A_285 : vector<128x1216xi1>, vector<128x1216xf32>
    %reduce_or3A_287 = arith.constant dense<0xFF800000> : vector<128xf32>
    %reduce_or3A_288 = vector.multi_reduction <maximumf>, %reduce_or3A_286, %reduce_or3A_287 [1] : vector<128x1216xf32> to vector<128xf32>
    %reduce_or3A_289 = arith.constant 0.000000e+00 : f32
    %reduce_or3A_290 = vector.broadcast %reduce_or3A_289 : f32 to vector<128xf32>
    %reduce_or3A_291 = arith.cmpf ogt, %reduce_or3A_288, %reduce_or3A_290 : vector<128xf32>
    %convert_element_type3A_292 = arith.extui %reduce_or3A_291 : vector<128xi1> to vector<128xi32>
    %convert_element_type3A_293 = arith.sitofp %convert_element_type3A_292 : vector<128xi32> to vector<128xf32>
    %iota3A_294 = tpu.iota {dimensions = array<i32: 0>} : vector<64x1216xi32>
    %add3A_295 = arith.constant 1152 : i32
    %add3A_296 = vector.broadcast %add3A_295 : i32 to vector<64x1216xi32>
    %add3A_297 = arith.addi %iota3A_294, %add3A_296 : vector<64x1216xi32>
    %iota3A_298 = tpu.iota {dimensions = array<i32: 1>} : vector<64x1216xi32>
    %broadcast_in_dim3A_299 = vector.shape_cast %concatenate3A : vector<1216xi32> to vector<1x1216xi32>
    %slice3A_300 = vector.extract_strided_slice %concatenate3A {offsets = [1152], sizes = [64], strides = [1]} : vector<1216xi32> to vector<64xi32>
    %broadcast_in_dim3A_301 = vector.shape_cast %slice3A_300 : vector<64xi32> to vector<64x1xi32>
    %eq3A_302 = vector.broadcast %broadcast_in_dim3A_299 : vector<1x1216xi32> to vector<64x1216xi32>
    %eq3A_303 = vector.broadcast %broadcast_in_dim3A_301 : vector<64x1xi32> to vector<64x1216xi32>
    %eq3A_304 = arith.cmpi eq, %eq3A_302, %eq3A_303 : vector<64x1216xi32>
    %lt3A_305 = arith.cmpi slt, %iota3A_298, %add3A_297 : vector<64x1216xi32>
    %and3A_306 = arith.andi %eq3A_304, %lt3A_305 : vector<64x1216xi1>
    %reduce_or3A_307 = arith.constant 1.000000e+00 : f32
    %reduce_or3A_308 = arith.constant 0.000000e+00 : f32
    %reduce_or3A_309 = vector.broadcast %reduce_or3A_307 : f32 to vector<64x1216xf32>
    %reduce_or3A_310 = vector.broadcast %reduce_or3A_308 : f32 to vector<64x1216xf32>
    %reduce_or3A_311 = arith.select %and3A_306, %reduce_or3A_309, %reduce_or3A_310 : vector<64x1216xi1>, vector<64x1216xf32>
    %reduce_or3A_312 = arith.constant dense<0xFF800000> : vector<64xf32>
    %reduce_or3A_313 = vector.multi_reduction <maximumf>, %reduce_or3A_311, %reduce_or3A_312 [1] : vector<64x1216xf32> to vector<64xf32>
    %reduce_or3A_314 = arith.constant 0.000000e+00 : f32
    %reduce_or3A_315 = vector.broadcast %reduce_or3A_314 : f32 to vector<64xf32>
    %reduce_or3A_316 = arith.cmpf ogt, %reduce_or3A_313, %reduce_or3A_315 : vector<64xf32>
    %convert_element_type3A_317 = arith.extui %reduce_or3A_316 : vector<64xi1> to vector<64xi32>
    %convert_element_type3A_318 = arith.sitofp %convert_element_type3A_317 : vector<64xi32> to vector<64xf32>
    %concatenate3A_319 = tpu.concatenate %convert_element_type3A_93, %convert_element_type3A_118, %convert_element_type3A_143, %convert_element_type3A_168, %convert_element_type3A_193, %convert_element_type3A_218, %convert_element_type3A_243, %convert_element_type3A_268, %convert_element_type3A_293, %convert_element_type3A_318 in 0 : vector<128xf32>, vector<128xf32>, vector<128xf32>, vector<128xf32>, vector<128xf32>, vector<128xf32>, vector<128xf32>, vector<128xf32>, vector<128xf32>, vector<64xf32> -> vector<1216xf32>
    %ge3A_320 = arith.constant 0 : i32
    %ge3A_321 = vector.broadcast %ge3A_320 : i32 to vector<1216xi32>
    %ge3A_322 = arith.cmpi sge, %concatenate3A, %ge3A_321 : vector<1216xi32>
    %sub3A_323 = arith.constant 1.000000e+00 : f32
    %sub3A_324 = vector.broadcast %sub3A_323 : f32 to vector<1216xf32>
    %sub3A_325 = arith.subf %sub3A_324, %concatenate3A_319 : vector<1216xf32>
    %jit3A_326 = arith.constant 0.000000e+00 : f32
    %broadcast_in_dim3A_327 = vector.broadcast %jit3A_326 : f32 to vector<1216xf32>
    %select_n3A_328 = arith.select %ge3A_322, %sub3A_325, %broadcast_in_dim3A_327 : vector<1216xi1>, vector<1216xf32>
    %convert_element_type3A_329 = arith.extui %and3A_36 : vector<304xi1> to vector<304xi32>
    %convert_element_type3A_330 = arith.sitofp %convert_element_type3A_329 : vector<304xi32> to vector<304xf32>
    %convert_element_type3A_331 = arith.extui %and3A_59 : vector<304xi1> to vector<304xi32>
    %convert_element_type3A_332 = arith.sitofp %convert_element_type3A_331 : vector<304xi32> to vector<304xf32>
    %reduce_sum3A_333 = vector.shape_cast %convert_element_type3A_330 : vector<304xf32> to vector<1x304xf32>
    %reduce_sum3A_334 = arith.constant dense<0.000000e+00> : vector<1xf32>
    %reduce_sum3A_335 = vector.multi_reduction <add>, %reduce_sum3A_333, %reduce_sum3A_334 [1] : vector<1x304xf32> to vector<1xf32>
    %reduce_sum3A_336 = vector.shape_cast %reduce_sum3A_335 : vector<1xf32> to vector<1x1xf32>
    %reduce_sum3A_337 = vector.extract %reduce_sum3A_336[0, 0] : f32 from vector<1x1xf32>
    %reduce_sum3A_338 = vector.shape_cast %select_n3A_328 : vector<1216xf32> to vector<1x1216xf32>
    %reduce_sum3A_339 = arith.constant dense<0.000000e+00> : vector<1xf32>
    %reduce_sum3A_340 = vector.multi_reduction <add>, %reduce_sum3A_338, %reduce_sum3A_339 [1] : vector<1x1216xf32> to vector<1xf32>
    %reduce_sum3A_341 = vector.shape_cast %reduce_sum3A_340 : vector<1xf32> to vector<1x1xf32>
    %reduce_sum3A_342 = vector.extract %reduce_sum3A_341[0, 0] : f32 from vector<1x1xf32>
    %get3A_343 = arith.constant 0 : index
    %get3A_344 = arith.constant 0 : index
    %get3A_345 = vector.load %arg3[%get3A_343, %get3A_344] : memref<4x304xf32, #tpu.memory_space<vmem>>, vector<1x304xf32>
    %get3A_346 = vector.shape_cast %get3A_345 : vector<1x304xf32> to vector<304xf32>
    %get3A_347 = arith.constant 1 : index
    %get3A_348 = arith.constant 0 : index
    %get3A_349 = vector.load %arg3[%get3A_347, %get3A_348] : memref<4x304xf32, #tpu.memory_space<vmem>>, vector<1x304xf32>
    %get3A_350 = vector.shape_cast %get3A_349 : vector<1x304xf32> to vector<304xf32>
    %get3A_351 = arith.constant 2 : index
    %get3A_352 = arith.constant 0 : index
    %get3A_353 = vector.load %arg3[%get3A_351, %get3A_352] : memref<4x304xf32, #tpu.memory_space<vmem>>, vector<1x304xf32>
    %get3A_354 = vector.shape_cast %get3A_353 : vector<1x304xf32> to vector<304xf32>
    %get3A_355 = arith.constant 3 : index
    %get3A_356 = arith.constant 0 : index
    %get3A_357 = vector.load %arg3[%get3A_355, %get3A_356] : memref<4x304xf32, #tpu.memory_space<vmem>>, vector<1x304xf32>
    %get3A_358 = vector.shape_cast %get3A_357 : vector<1x304xf32> to vector<304xf32>
    %concatenate3A_359 = tpu.concatenate %get3A_346, %get3A_350, %get3A_354, %get3A_358 in 0 : vector<304xf32>, vector<304xf32>, vector<304xf32>, vector<304xf32> -> vector<1216xf32>
    %jit3A_360 = arith.constant 1.000000e-07 : f32
    %jit3A_361 = arith.constant 0.99999988 : f32
    %max3A_362 = vector.broadcast %jit3A_360 : f32 to vector<1216xf32>
    %max3A_363 = arith.maximumf %max3A_362, %concatenate3A_359 : vector<1216xf32>
    %min3A_364 = vector.broadcast %jit3A_361 : f32 to vector<1216xf32>
    %min3A_365 = arith.minimumf %min3A_364, %max3A_363 : vector<1216xf32>
    %sub3A_366 = arith.constant 1.000000e+00 : f32
    %sub3A_367 = vector.broadcast %sub3A_366 : f32 to vector<1216xf32>
    %sub3A_368 = arith.subf %sub3A_367, %min3A_365 : vector<1216xf32>
    %log3A_369 = math.log %sub3A_368 : vector<1216xf32>
    %neg3A_370 = arith.constant 0.000000e+00 : f32
    %neg3A_371 = vector.broadcast %neg3A_370 : f32 to vector<1216xf32>
    %neg3A_372 = arith.subf %neg3A_371, %log3A_369 : vector<1216xf32>
    %mul3A_373 = arith.mulf %select_n3A_328, %neg3A_372 : vector<1216xf32>
    %reduce_sum3A_374 = vector.shape_cast %mul3A_373 : vector<1216xf32> to vector<1x1216xf32>
    %reduce_sum3A_375 = arith.constant dense<0.000000e+00> : vector<1xf32>
    %reduce_sum3A_376 = vector.multi_reduction <add>, %reduce_sum3A_374, %reduce_sum3A_375 [1] : vector<1x1216xf32> to vector<1xf32>
    %reduce_sum3A_377 = vector.shape_cast %reduce_sum3A_376 : vector<1xf32> to vector<1x1xf32>
    %reduce_sum3A_378 = vector.extract %reduce_sum3A_377[0, 0] : f32 from vector<1x1xf32>
    %get3A_379 = arith.constant 0 : index
    %get3A_380 = arith.constant 0 : index
    %get3A_381 = vector.load %arg2[%get3A_379, %get3A_380] : memref<8x304xf32, #tpu.memory_space<vmem>>, vector<1x304xf32>
    %get3A_382 = vector.shape_cast %get3A_381 : vector<1x304xf32> to vector<304xf32>
    %get3A_383 = arith.constant 1 : index
    %get3A_384 = arith.constant 0 : index
    %get3A_385 = vector.load %arg2[%get3A_383, %get3A_384] : memref<8x304xf32, #tpu.memory_space<vmem>>, vector<1x304xf32>
    %get3A_386 = vector.shape_cast %get3A_385 : vector<1x304xf32> to vector<304xf32>
    %get3A_387 = arith.constant 2 : index
    %get3A_388 = arith.constant 0 : index
    %get3A_389 = vector.load %arg2[%get3A_387, %get3A_388] : memref<8x304xf32, #tpu.memory_space<vmem>>, vector<1x304xf32>
    %get3A_390 = vector.shape_cast %get3A_389 : vector<1x304xf32> to vector<304xf32>
    %add3A_391 = arith.constant 1.000000e-16 : f32
    %add3A_392 = vector.broadcast %add3A_391 : f32 to vector<304xf32>
    %add3A_393 = arith.addf %get3A_390, %add3A_392 : vector<304xf32>
    %log3A_394 = math.log %add3A_393 : vector<304xf32>
    %get3A_395 = arith.constant 3 : index
    %get3A_396 = arith.constant 0 : index
    %get3A_397 = vector.load %arg2[%get3A_395, %get3A_396] : memref<8x304xf32, #tpu.memory_space<vmem>>, vector<1x304xf32>
    %get3A_398 = vector.shape_cast %get3A_397 : vector<1x304xf32> to vector<304xf32>
    %add3A_399 = arith.constant 1.000000e-16 : f32
    %add3A_400 = vector.broadcast %add3A_399 : f32 to vector<304xf32>
    %add3A_401 = arith.addf %get3A_398, %add3A_400 : vector<304xf32>
    %log3A_402 = math.log %add3A_401 : vector<304xf32>
    %get3A_403 = arith.constant 4 : index
    %get3A_404 = arith.constant 0 : index
    %get3A_405 = vector.load %arg2[%get3A_403, %get3A_404] : memref<8x304xf32, #tpu.memory_space<vmem>>, vector<1x304xf32>
    %get3A_406 = vector.shape_cast %get3A_405 : vector<1x304xf32> to vector<304xf32>
    %get3A_407 = arith.constant 5 : index
    %get3A_408 = arith.constant 0 : index
    %get3A_409 = vector.load %arg2[%get3A_407, %get3A_408] : memref<8x304xf32, #tpu.memory_space<vmem>>, vector<1x304xf32>
    %get3A_410 = vector.shape_cast %get3A_409 : vector<1x304xf32> to vector<304xf32>
    %get3A_411 = arith.constant 6 : index
    %get3A_412 = arith.constant 0 : index
    %get3A_413 = vector.load %arg2[%get3A_411, %get3A_412] : memref<8x304xf32, #tpu.memory_space<vmem>>, vector<1x304xf32>
    %get3A_414 = vector.shape_cast %get3A_413 : vector<1x304xf32> to vector<304xf32>
    %get3A_415 = arith.constant 7 : index
    %get3A_416 = arith.constant 0 : index
    %get3A_417 = vector.load %arg2[%get3A_415, %get3A_416] : memref<8x304xf32, #tpu.memory_space<vmem>>, vector<1x304xf32>
    %get3A_418 = vector.shape_cast %get3A_417 : vector<1x304xf32> to vector<304xf32>
    %sub3A_419 = arith.subf %get3A_406, %get3A_382 : vector<304xf32>
    %integer_pow3A = arith.mulf %sub3A_419, %sub3A_419 : vector<304xf32>
    %sub3A_420 = arith.subf %get3A_410, %get3A_386 : vector<304xf32>
    %integer_pow3A_421 = arith.mulf %sub3A_420, %sub3A_420 : vector<304xf32>
    %add3A_422 = arith.addf %integer_pow3A, %integer_pow3A_421 : vector<304xf32>
    %sub3A_423 = arith.subf %get3A_414, %log3A_394 : vector<304xf32>
    %integer_pow3A_424 = arith.mulf %sub3A_423, %sub3A_423 : vector<304xf32>
    %add3A_425 = arith.addf %add3A_422, %integer_pow3A_424 : vector<304xf32>
    %sub3A_426 = arith.subf %get3A_418, %log3A_402 : vector<304xf32>
    %integer_pow3A_427 = arith.mulf %sub3A_426, %sub3A_426 : vector<304xf32>
    %add3A_428 = arith.addf %add3A_425, %integer_pow3A_427 : vector<304xf32>
    %get3A_429 = arith.constant 0 : index
    %get3A_430 = arith.constant 0 : index
    %get3A_431 = vector.load %arg3[%get3A_429, %get3A_430] : memref<4x304xf32, #tpu.memory_space<vmem>>, vector<1x304xf32>
    %get3A_432 = vector.shape_cast %get3A_431 : vector<1x304xf32> to vector<304xf32>
    %jit3A_433 = arith.constant 1.000000e-07 : f32
    %jit3A_434 = arith.constant 0.99999988 : f32
    %max3A_435 = vector.broadcast %jit3A_433 : f32 to vector<304xf32>
    %max3A_436 = arith.maximumf %max3A_435, %get3A_432 : vector<304xf32>
    %min3A_437 = vector.broadcast %jit3A_434 : f32 to vector<304xf32>
    %min3A_438 = arith.minimumf %min3A_437, %max3A_436 : vector<304xf32>
    %log3A_439 = math.log %min3A_438 : vector<304xf32>
    %mul3A_440 = arith.constant 1.000000e+00 : f32
    %mul3A_441 = vector.broadcast %mul3A_440 : f32 to vector<304xf32>
    %mul3A_442 = arith.mulf %mul3A_441, %log3A_439 : vector<304xf32>
    %sub3A_443 = arith.subf %add3A_428, %mul3A_442 : vector<304xf32>
    %mul3A_444 = arith.mulf %convert_element_type3A_330, %sub3A_443 : vector<304xf32>
    %reduce_sum3A_445 = vector.shape_cast %mul3A_444 : vector<304xf32> to vector<1x304xf32>
    %reduce_sum3A_446 = arith.constant dense<0.000000e+00> : vector<1xf32>
    %reduce_sum3A_447 = vector.multi_reduction <add>, %reduce_sum3A_445, %reduce_sum3A_446 [1] : vector<1x304xf32> to vector<1xf32>
    %reduce_sum3A_448 = vector.shape_cast %reduce_sum3A_447 : vector<1xf32> to vector<1x1xf32>
    %reduce_sum3A_449 = vector.extract %reduce_sum3A_448[0, 0] : f32 from vector<1x1xf32>
    %get3A_450 = arith.constant 0 : index
    %get3A_451 = arith.constant 0 : index
    %get3A_452 = vector.load %arg4[%get3A_450, %get3A_451] : memref<304x80xf32, #tpu.memory_space<vmem>>, vector<304x80xf32>
    %jit3A_453 = arith.constant 1.000000e-07 : f32
    %jit3A_454 = arith.constant 0.99999988 : f32
    %max3A_455 = vector.broadcast %jit3A_453 : f32 to vector<304x80xf32>
    %max3A_456 = arith.maximumf %max3A_455, %get3A_452 : vector<304x80xf32>
    %min3A_457 = vector.broadcast %jit3A_454 : f32 to vector<304x80xf32>
    %min3A_458 = arith.minimumf %min3A_457, %max3A_456 : vector<304x80xf32>
    %sub3A_459 = arith.constant 1.000000e+00 : f32
    %sub3A_460 = vector.broadcast %sub3A_459 : f32 to vector<304x80xf32>
    %sub3A_461 = arith.subf %sub3A_460, %min3A_458 : vector<304x80xf32>
    %log3A_462 = math.log %sub3A_461 : vector<304x80xf32>
    %neg3A_463 = arith.constant 0.000000e+00 : f32
    %neg3A_464 = vector.broadcast %neg3A_463 : f32 to vector<304x80xf32>
    %neg3A_465 = arith.subf %neg3A_464, %log3A_462 : vector<304x80xf32>
    %reduce_sum3A_466 = arith.constant dense<0.000000e+00> : vector<304xf32>
    %reduce_sum3A_467 = vector.multi_reduction <add>, %neg3A_465, %reduce_sum3A_466 [1] : vector<304x80xf32> to vector<304xf32>
    %mul3A_468 = arith.mulf %convert_element_type3A_330, %reduce_sum3A_467 : vector<304xf32>
    %reduce_sum3A_469 = vector.shape_cast %mul3A_468 : vector<304xf32> to vector<1x304xf32>
    %reduce_sum3A_470 = arith.constant dense<0.000000e+00> : vector<1xf32>
    %reduce_sum3A_471 = vector.multi_reduction <add>, %reduce_sum3A_469, %reduce_sum3A_470 [1] : vector<1x304xf32> to vector<1xf32>
    %reduce_sum3A_472 = vector.shape_cast %reduce_sum3A_471 : vector<1xf32> to vector<1x1xf32>
    %reduce_sum3A_473 = vector.extract %reduce_sum3A_472[0, 0] : f32 from vector<1x1xf32>
    %iota3A_474 = tpu.iota {dimensions = array<i32: 1>} : vector<304x80xi32>
    %broadcast_in_dim3A_475 = vector.shape_cast %get3A_19 : vector<304xi32> to vector<304x1xi32>
    %eq3A_476 = vector.broadcast %broadcast_in_dim3A_475 : vector<304x1xi32> to vector<304x80xi32>
    %eq3A_477 = arith.cmpi eq, %iota3A_474, %eq3A_476 : vector<304x80xi32>
    %jit3A_478 = arith.constant 0.000000e+00 : f32
    %broadcast_in_dim3A_479 = vector.broadcast %jit3A_478 : f32 to vector<304x80xf32>
    %select_n3A_480 = arith.select %eq3A_477, %get3A_452, %broadcast_in_dim3A_479 : vector<304x80xi1>, vector<304x80xf32>
    %reduce_sum3A_481 = arith.constant dense<0.000000e+00> : vector<304xf32>
    %reduce_sum3A_482 = vector.multi_reduction <add>, %select_n3A_480, %reduce_sum3A_481 [1] : vector<304x80xf32> to vector<304xf32>
    %jit3A_483 = arith.constant 1.000000e-07 : f32
    %jit3A_484 = arith.constant 0.99999988 : f32
    %max3A_485 = vector.broadcast %jit3A_483 : f32 to vector<304xf32>
    %max3A_486 = arith.maximumf %max3A_485, %reduce_sum3A_482 : vector<304xf32>
    %min3A_487 = vector.broadcast %jit3A_484 : f32 to vector<304xf32>
    %min3A_488 = arith.minimumf %min3A_487, %max3A_486 : vector<304xf32>
    %log3A_489 = math.log %min3A_488 : vector<304xf32>
    %neg3A_490 = arith.constant 0.000000e+00 : f32
    %neg3A_491 = vector.broadcast %neg3A_490 : f32 to vector<304xf32>
    %neg3A_492 = arith.subf %neg3A_491, %log3A_489 : vector<304xf32>
    %sub3A_493 = arith.constant 1.000000e+00 : f32
    %sub3A_494 = vector.broadcast %sub3A_493 : f32 to vector<304xf32>
    %sub3A_495 = arith.subf %sub3A_494, %min3A_488 : vector<304xf32>
    %log3A_496 = math.log %sub3A_495 : vector<304xf32>
    %add3A_497 = arith.addf %neg3A_492, %log3A_496 : vector<304xf32>
    %mul3A_498 = arith.mulf %convert_element_type3A_332, %add3A_497 : vector<304xf32>
    %reduce_sum3A_499 = vector.shape_cast %mul3A_498 : vector<304xf32> to vector<1x304xf32>
    %reduce_sum3A_500 = arith.constant dense<0.000000e+00> : vector<1xf32>
    %reduce_sum3A_501 = vector.multi_reduction <add>, %reduce_sum3A_499, %reduce_sum3A_500 [1] : vector<1x304xf32> to vector<1xf32>
    %reduce_sum3A_502 = vector.shape_cast %reduce_sum3A_501 : vector<1xf32> to vector<1x1xf32>
    %reduce_sum3A_503 = vector.extract %reduce_sum3A_502[0, 0] : f32 from vector<1x1xf32>
    %max3A_504 = arith.constant 1.000000e+00 : f32
    %max3A_505 = arith.maximumf %reduce_sum3A_337, %max3A_504 : f32
    %div3A = arith.divf %reduce_sum3A_449, %max3A_505 : f32
    %sub3A_506 = arith.subf %neg3A_11, %reduce_sum3A_378 : f32
    %mul3A_507 = arith.constant 1.000000e+02 : f32
    %mul3A_508 = arith.mulf %mul3A_507, %sub3A_506 : f32
    %sub3A_509 = arith.constant 1.297920e+05 : f32
    %sub3A_510 = arith.subf %sub3A_509, %reduce_sum3A_342 : f32
    %max3A_511 = arith.constant 1.000000e+00 : f32
    %max3A_512 = arith.maximumf %sub3A_510, %max3A_511 : f32
    %div3A_513 = arith.divf %mul3A_508, %max3A_512 : f32
    %add3A_514 = arith.addf %div3A, %div3A_513 : f32
    %add3A_515 = arith.addf %reduce_sum3A_473, %reduce_sum3A_503 : f32
    %mul3A_516 = arith.constant 8.000000e+01 : f32
    %mul3A_517 = arith.mulf %reduce_sum3A_337, %mul3A_516 : f32
    %max3A_518 = arith.constant 1.000000e+00 : f32
    %max3A_519 = arith.maximumf %mul3A_517, %max3A_518 : f32
    %div3A_520 = arith.divf %add3A_515, %max3A_519 : f32
    %add3A_521 = arith.addf %add3A_514, %div3A_520 : f32
    %reshape3A = vector.broadcast %add3A_521 : f32 to vector<1x1xf32>
    %swap3A = arith.constant 0 : index
    %swap3A_522 = arith.constant 0 : index
    %swap3A_523 = vector.load %arg5[%swap3A, %swap3A_522] : memref<1x1xf32, #tpu.memory_space<vmem>>, vector<1x1xf32>
    tpu.vector_store %arg5[%swap3A, %swap3A_522], %reshape3A {strides = array<i32>} : memref<1x1xf32, #tpu.memory_space<vmem>>, vector<1x1xf32>,
    return
  }
}

</mosaic_0001>

<sc_bundles>
// kernel: kernel.4.cloned.1.call-start
scs
__scs_entry_jumppad:
0x0: {  	(pc) =	sbr.rel $0x88, $3  }
0x1: {  	(tag) =	ssettag $0x0;
	lr =	simm.s32 $0x1  }
0x2: {  	[smem:$0x3F99] =	sst lr;
	_ =	strace $0xD0000000  }
0x3: {  	_ = 	snop  }
0x4: {  	_ = 	snop  }
0x5: {  	_ = 	snop  }
0x6: {  	_ = 	snop  }
0x7: {  	_ = 	snop  }
__scs_overlays_trampoline_lowered:
0x8: {  	[smem:$0x3FA8] =	sst s0  }
0x9: {  	[smem:$0x3FA9] =	sst s1  }
0xa: {  	[smem:$0x3FAA] =	sst s2  }
0xb: {  	[smem:$0x3FAB] =	sst s3  }
0xc: {  	[smem:$0x3FAC] =	sst s4  }
0xd: {  	[smem:$0x3FAD] =	sst s5  }
0xe: {  	[smem:$0x3FAE] =	sst s6  }
0xf: {  	[smem:$0x3FAF] =	sst s7  }
0x10: {  	[smem:$0x3FB0] =	sst s8  }
0x11: {  	[smem:$0x3FB1] =	sst s9;
	s0 =	simm.s32 @!p0 $0x0  }
0x12: {  	s1 =	sld [smem:$0x3F97];
	s0 =	simm.s32 @p0 $0x1  }
0x13: {  	[smem:$0x3FB2] =	sst s0;
	s0 =	simm.s32 @!p1 $0x0  }
0x14: {  	s2 =	sld [smem:$0x3F96];
	s0 =	simm.s32 @p1 $0x1  }
0x15: {  	[smem:$0x3FB3] =	sst s0;
	s0 =	simm.s32 @!p2 $0x0  }
0x16: {  	s3 =	sld [smem:$0x3FDB];
	s0 =	simm.s32 @p2 $0x1  }
0x17: {  	s4 =	simm.s32 $0x1BF5;
	[smem:$0x3FB5] =	sst s0  }
0x18: {  	s0 =	sld [smem:$0x3F98];
	_ =	swait.ge [sflag:s4], $0x0  }
0x19: {  	s7 =	sld [smem:$0x3F99]  }
0x1a: {  	s8 =	sadd.s32 $0xFFFFE003, lr  }
0x1b: {  	s9 =	sadd.s32 $0xFFFFFEF7, lr;
	s5 =	simm.s32 $0xFFFFFFFF;
	p2 =	slt.u32 s8, $0xFFFFF086  }
0x1c: {  	p1 =	slt.u32 s9, $0xF7A;
	s5 =	simm.s32 @!p2 $0x0  }
0x1d: {  	s5 =	simm.s32 @p1 $0x1;
	p0 =	seq.s32 s7, s2  }
0x1e: {  	s7 =	smul.u32 @!p0 $0xF7A, s2;
	p2 =	seq.s32 @!p0 s5, $0x0  }
0x1f: {  	s9 =	smul.u32 $0xF7A, s1;
	s8 =	simm.s32 @!p0 $0x1BF5;
	p2 =	por !p2, p0  }
0x20: {  	[sflag:s8] =	ssyncset.s32 @!p0 $0xFFFFF086;
	s6 =	sadd.s32 @!p0 s3, s7;
	s7 =	simm.s32 @!p0 $0x108  }
0x21: {  	s3 =	sadd.s32 s3, s9;
	s6 =	sadd.s32 @!p0 $0x88, s6;
	s7 =	simm.s32 @p2 $0x1082  }
0x22: {  	[simem:s7], [sflag:s8] =	dma.local @!p0 [hbm:s6], $0xF7A  }
0x23: {  	s9 =	sor.u32 $0xD0000000, s2;
	s6 =	simm.s32 $0x108;
	_ =	swait.ge @!p0 [sflag:s8], $0x0  }
0x24: {  	s3 =	sadd.s32 $0x88, s3;
	s6 =	simm.s32 @!p1 $0x1082;
	[sflag:s4] =	ssyncset.s32 $0xFFFFF086  }
0x25: {  	[simem:s6], [sflag:s4] =	dma.local [hbm:s3], $0xF7A  }
0x26: {  	[smem:$0x3F99] =	sst s1;
	(tag) =	ssettag s2;
	_ =	strace s9  }
0x27: {  	s1 =	sld [smem:$0x3FA9]  }
0x28: {  	s2 =	sld [smem:$0x3FAA]  }
0x29: {  	s4 =	sld [smem:$0x3FAC]  }
0x2a: {  	p0 =	seq.s32 s5, $0x0;
	s5 =	sld [smem:$0x3FAD]  }
0x2b: {  	s6 =	sld [smem:$0x3FAE]  }
0x2c: {  	s7 =	sld [smem:$0x3FAF]  }
0x2d: {  	s3 =	simm.s32 $0x108;
	s8 =	sld [smem:$0x3FB0]  }
0x2e: {  	s3 =	simm.s32 @!p0 $0x1082;
	s9 =	sld [smem:$0x3FB1]  }
0x2f: {  	lr =	sadd.s32 s0, s3;
	s0 =	sld [smem:$0x3FA8]  }
0x30: {  	s3 =	sld [smem:$0x3FAB]  }
0x31: {  	[smem:$0x3FB4] =	sst s10  }
0x32: {  	s10 =	sld [smem:$0x3FB2];
	_ =	sdelay $0x3  }
0x33: {  	p0 =	seq.s32 s10, $0x1;
	s10 =	sld [smem:$0x3FB4];
	_ =	sdelay $0x3  }
0x34: {  	[smem:$0x3FB4] =	sst s10  }
0x35: {  	s10 =	sld [smem:$0x3FB3];
	_ =	sdelay $0x3  }
0x36: {  	p1 =	seq.s32 s10, $0x1;
	s10 =	sld [smem:$0x3FB4];
	_ =	sdelay $0x3  }
0x37: {  	[smem:$0x3FB4] =	sst s10  }
0x38: {  	s10 =	sld [smem:$0x3FB5]  }
0x39: {  	_ = 	snop;
	(pc) =	sbr.ind lr, $3  }
0x3a: {  	_ = 	snop  }
0x3b: {  	_ = 	snop  }
0x3c: {  	p2 =	seq.s32 s10, $0x1;
	s10 =	sld [smem:$0x3FB4]  }
0x3d: {  	_ =	shalt  }
0x3e: {  	_ =	shalt  }
0x3f: {  	_ =	shalt  }
0x40: {  	_ =	shalt  }
0x41: {  	_ =	shalt  }
0x42: {  	_ =	shalt  }
0x43: {  	_ =	shalt  }
0x44: {  	_ =	shalt  }
0x45: {  	_ =	shalt  }
0x46: {  	_ =	shalt  }
0x47: {  	_ =	shalt  }
0x48: {  	_ =	shalt  }
0x49: {  	_ =	shalt  }
0x4a: {  	_ =	shalt  }
0x4b: {  	_ =	shalt  }
0x4c: {  	_ =	shalt  }
0x4d: {  	_ =	shalt  }
0x4e: {  	_ =	shalt  }
0x4f: {  	_ =	shalt  }
0x50: {  	_ =	shalt  }
0x51: {  	_ =	shalt  }
0x52: {  	_ =	shalt  }
0x53: {  	_ =	shalt  }
0x54: {  	_ =	shalt  }
0x55: {  	_ =	shalt  }
0x56: {  	_ =	shalt  }
0x57: {  	_ =	shalt  }
0x58: {  	_ =	shalt  }
0x59: {  	_ =	shalt  }
0x5a: {  	_ =	shalt  }
0x5b: {  	_ =	shalt  }
0x5c: {  	_ =	shalt  }
0x5d: {  	_ =	shalt  }
0x5e: {  	_ =	shalt  }
0x5f: {  	_ =	shalt  }
0x60: {  	_ =	shalt  }
0x61: {  	_ =	shalt  }
0x62: {  	_ =	shalt  }
0x63: {  	_ =	shalt  }
0x64: {  	_ =	shalt  }
0x65: {  	_ =	shalt  }
0x66: {  	_ =	shalt  }
0x67: {  	_ =	shalt  }
0x68: {  	_ =	shalt  }
0x69: {  	_ =	shalt  }
0x6a: {  	_ =	shalt  }
0x6b: {  	_ =	shalt  }
0x6c: {  	_ =	shalt  }
0x6d: {  	_ =	shalt  }
0x6e: {  	_ =	shalt  }
0x6f: {  	_ =	shalt  }
0x70: {  	_ =	shalt  }
0x71: {  	_ =	shalt  }
0x72: {  	_ =	shalt  }
0x73: {  	_ =	shalt  }
0x74: {  	_ =	shalt  }
0x75: {  	_ =	shalt  }
0x76: {  	_ =	shalt  }
0x77: {  	_ =	shalt  }
0x78: {  	_ =	shalt  }
0x79: {  	_ =	shalt  }
0x7a: {  	_ =	shalt  }
0x7b: {  	_ =	shalt  }
0x7c: {  	_ =	shalt  }
0x7d: {  	_ =	shalt  }
0x7e: {  	_ =	shalt  }
0x7f: {  	_ =	shalt  }
0x80: {  	_ =	shalt  }
0x81: {  	_ =	shalt  }
0x82: {  	_ =	shalt  }
0x83: {  	_ =	shalt  }
0x84: {  	_ =	shalt  }
0x85: {  	_ =	shalt  }
0x86: {  	_ =	shalt  }
0x87: {  	_ =	shalt  }
.Lfunc_end0:
.L_simem_size_0:
called_computation_lowered:
.L_overlay_start_0:
0x88: {  	s2 =	sld [smem:$0x3FD9]  }
0x89: {  	s3 =	sld [smem:$0x3FFE];
	_ =	sdelay $0x1  }
0x8a: {  	s1 =	srdreg.scid  }
0x8b: {  	s0 =	sand.u32 $0x1, s1  }
0x8c: {  	s17 =	sshll.u32 s0, $0xA;
	s2 =	sadd.s32 s3, s2  }
0x8d: {  	s2 =	sadd.s32 s2, s17  }
0x8e: {  	[smem:$0x3FC0] =	sst s2  }
0x8f: {  	_ = 	snop  }
0x90: {  	s2 =	sld [smem:$0x3FD0];
	(tm) =	ssettm $0x1  }
0x91: {  	s18 =	sld [smem:$0x3FFB];
	_ =	sdelay $0x3  }
0x92: {  	_ =	strace s18  }
0x93: {  	s3 =	sld [smem:$0x3FFC];
	_ =	sdelay $0x3  }
0x94: {  	_ =	strace s3  }
0x95: {  	s3 =	sld [smem:$0x3FFD];
	_ =	sdelay $0x3  }
0x96: {  	_ =	strace s3  }
0x97: {  	_ =	strace $0x8FFFFFFF  }
0x98: {  	s19 =	sld [smem:$0x3FDB];
	_ =	sdelay $0x1  }
0x99: {  	s4 =	simm.s32 $_scs_section_size  }
0x9a: {  	s5 =	simm.s32 $_size__tile_overlayer_lowered;
	s6 =	simm.s32 $_tile_overlayer_lowered  }
0x9b: {  	s22 =	simm.s32 $0x1BFF;
	s21 =	sshll.u32 s6, $0x1;
	s3 =	sadd.s32 s4, s19  }
0x9c: {  	s7 =	simm.s32 $0x0;
	s20 =	sshll.u32 s5, $0x1;
	s5 =	sadd.s32 s21, s3  }
0x9d: {  	[timem:s7], [sflag:s22] =	dma.local [hbm:s5], s20  }
0x9e: {  	_ =	swait.ge [sflag:s22], s20  }
0x9f: {  	s4 =	ssub.s32 $0x0, s20;
	[sflag:s22] =	ssyncset.done $0x0  }
0xa0: {  	[sflag:s22] =	ssyncadd.s32 s4;
	_ =	sdelay $0x1  }
0xa1: {  	s23 =	simm.s32 $0x1B8B  }
0xa2: {  	_ =	swait.ge [sflag:s23], $0x1  }
0xa3: {  	[sflag:s23] =	ssyncset.done $0x0  }
0xa4: {  	s25 =	simm.s32 $0x1B8E;
	s24 =	sld [smem:$0x3FFE];
	[sflag:s23] =	ssyncadd.s32 $0xFFFFFFFF  }
0xa5: {  	s26 =	simm.s32 $execute0_lowered;
	[smem:$0x3FD2] =	sst s25  }
0xa6: {  	s5 =	sshll.u32 s26, $0x1;
	_ =	strace $0x80000046;
	[dreg:$0x1] =	wrdreg $0xFFFFFFFF  }
0xa7: {  	s28 =	simm.s32 $_size_execute0_lowered;
	s3 =	sadd.s32 s3, s5;
	[dreg:$0x0] =	wrdreg $0x0  }
0xa8: {  	s5 =	sshll.u32 s28, $0x1;
	[dreg:$0x2] =	wrdreg s3  }
0xa9: {  	[dreg:$0x3] =	wrdreg s5  }
0xaa: {  	[dreg:$0x4] =	wrdreg $0xC0  }
0xab: {  	_ =	task [dreg:s7], $0x5FFFF  }
0xac: {  	[dreg:$0x1] =	wrdreg $0xFFFFFFFF  }
0xad: {  	[dreg:$0x0] =	wrdreg $0x60  }
0xae: {  	[dreg:$0x2] =	wrdreg s24  }
0xaf: {  	[dreg:$0x3] =	wrdreg s2  }
0xb0: {  	[dreg:$0x4] =	wrdreg $0x9  }
0xb1: {  	_ =	task.clear_ibuf [dreg:s7], $0x5FFFF;
	_ =	strace $0x90000046  }
0xb2: {  	s29 =	simm.s32 $0x9;
	_ =	strace $0x80000048  }
0xb3: {  	_ =	swait.ge [sflag:s29], $0x1  }
0xb4: {  	[sflag:s29] =	ssyncadd.s32 $0xFFFFFFFF  }
0xb5: {  	_ =	strace $0x90000048  }
0xb6: {  	_ =	sfence  }
0xb7: {  	s30 =	sld [smem:$0x0];
	_ =	sdelay $0x2  }
0xb8: {  	s31 =	sshll.u32 s1, $0xD;
	s1 =	sshrl.u32 s1, $0x2  }
0xb9: {  	s3 =	sand.u32 $0x4000, s31;
	s1 =	sadd.s32 s1, s30  }
0xba: {  	s0 =	sor.u32 s3, s0;
	s1 =	sshll.u32 s1, $0x11  }
0xbb: {  	s0 =	sor.u32 s1, s0  }
0xbc: {  	s0 =	sadd.s32 $0x8F2B, s0  }
0xbd: {  	[sflag:s0] =	ssyncadd.remote.s32 $0x1  }
0xbe: {  	_ =	sfence.sel $0xFFFF  }
0xbf: {  	[dreg:$0x0] =	wrdreg $0xFFFFFFFF;
	(pc) =	sbr.abs _section_cstart, $3  }
0xc0: {  	[dreg:$0x1] =	wrdreg $0xFFFFFFFF  }
0xc1: {  	_ =	task.clear_ibuf [dreg:s7], $0x2FFFF;
	_ =	strace $0x9FFFFFFF  }
0xc2: {  	(tm) =	ssettm $0x7FFFFFFF  }
0xc3: {  	_ =	shalt  }
tec
execute0_lowered:
.L_overlay_start_1:
0x0: {  	(tag) =	ssettag $0x1  }
0x1: {  	s2 =	srdreg.scid;
	s0 =	stileid.u32  }
0x2: {  	s5 =	sand.u32 $0x1, s2;
	s3 =	sshll.u32 s0, $0x1  }
0x3: {  	s3 =	sor.u32 s5, s3  }
0x4: {  	p0 =	sgt.u32 s3, $0x12  }
.Ltmp0:
0x5: {  	s4 =	rddreg [dreg:$0x0];
	(pc) =	sbr.rel @p0 .LBB2_3-.Ltmp0, $4  }
0x6: {  	s1 =	rddreg [dreg:$0x1]  }
0x7: {  	[dreg:$0x3] =	wrdreg s1;
	s2 =	simm.s32 $0x0  }
0x8: {  	[smem:$0x7FF] =	sst s2  }
0x9: {  	s1 =	rddreg [dreg:$0x2];
	_ =	strace $0x80000047  }
0xa: {  	s6 =	sadd.s32 $0x5400, s4  }
0xb: {  	s13 =	sadd.s32 $0x9400, s4;
	[dreg:$0x4] =	wrdreg s6  }
0xc: {  	s14 =	sadd.s32 $0xD400, s4;
	s15 =	sadd.s32 $0x11400, s4;
	[dreg:$0x5] =	wrdreg s13  }
0xd: {  	s7 =	sadd.s32 $0x237400, s4;
	s8 =	sshll.u32 s3, $0x1;
	[dreg:$0x6] =	wrdreg s14  }
0xe: {  	s28 =	sadd.s32 $0x237600, s4;
	[dreg:$0x7] =	wrdreg s15;
	s10 =	sadd.s32 s7, s8  }
0xf: {  	s15 =	sadd.s32 $0x237800, s4;
	s30 =	sadd.s32 s28, s8;
	[dreg:$0x8] =	wrdreg s10  }
0x10: {  	s19 =	sadd.s32 s15, s8;
	[dreg:$0x15] =	wrdreg s30  }
0x11: {  	s14 =	sshll.u32 s3, $0x4;
	s30 =	simm.s32 $0x280;
	[dreg:$0xd] =	wrdreg s19  }
0x12: {  	s9 =	sshrl.u32 s14, $0x3;
	s10 =	simm.s32 $0x1200;
	[smem:$0x7E2] =	sst s30  }
0x13: {  	s6 =	sadd.s32 $0x26, s9;
	[smem:$0x7E8] =	sst s10;
	s30 =	simm.s32 $0x880  }
0x14: {  	s11 =	sadd.s32 $0x4C, s9;
	s16 =	sadd.s32 s7, s6;
	[smem:$0x7F9] =	sst s30  }
0x15: {  	s12 =	sadd.s32 $0x72, s9;
	s17 =	sadd.s32 s7, s11;
	[dreg:$0x9] =	wrdreg s16  }
0x16: {  	s13 =	sadd.s32 $0x98, s9;
	s18 =	sadd.s32 s7, s12;
	[dreg:$0xa] =	wrdreg s17  }
0x17: {  	s7 =	sadd.s32 s7, s13;
	[dreg:$0xb] =	wrdreg s18  }
0x18: {  	s20 =	sadd.s32 s15, s6;
	[dreg:$0xc] =	wrdreg s7  }
0x19: {  	s21 =	sadd.s32 s15, s11;
	[dreg:$0xe] =	wrdreg s20  }
0x1a: {  	s22 =	sadd.s32 s15, s12;
	[dreg:$0xf] =	wrdreg s21  }
0x1b: {  	s23 =	sadd.s32 $0xBE, s9;
	s24 =	sadd.s32 s15, s13;
	[dreg:$0x10] =	wrdreg s22  }
0x1c: {  	s9 =	sadd.s32 s15, s9;
	s25 =	sadd.s32 s15, s23;
	[dreg:$0x11] =	wrdreg s24  }
0x1d: {  	s26 =	sadd.s32 $0xE4, s9;
	[dreg:$0x12] =	wrdreg s25  }
0x1e: {  	s29 =	sadd.s32 $0x10A, s9;
	[dreg:$0x13] =	wrdreg s26  }
0x1f: {  	s31 =	sadd.s32 s28, s6;
	[dreg:$0x14] =	wrdreg s29  }
0x20: {  	s15 =	simm.s32 $0x1400;
	[dreg:$0x16] =	wrdreg s31  }
0x21: {  	s16 =	sadd.s32 s28, s11;
	[smem:$0x7EC] =	sst s15  }
0x22: {  	s17 =	sadd.s32 s28, s12;
	[dreg:$0x17] =	wrdreg s16  }
0x23: {  	s25 =	simm.s32 $0x80;
	[dreg:$0x18] =	wrdreg s17  }
0x24: {  	s26 =	simm.s32 $0x100;
	[smem:$0x7DE] =	sst s25  }
0x25: {  	s28 =	simm.s32 $0x180;
	[smem:$0x7DF] =	sst s26  }
0x26: {  	s29 =	simm.s32 $0x200;
	[smem:$0x7E0] =	sst s28  }
0x27: {  	s31 =	simm.s32 $0x500;
	[smem:$0x7E1] =	sst s29  }
0x28: {  	s9 =	sshll.u32 s3, $0x8;
	s7 =	simm.s32 $0x600;
	[smem:$0x7E3] =	sst s31  }
0x29: {  	s3 =	sadd.s32 s9, s4;
	s9 =	simm.s32 $0x1180;
	[smem:$0x7E5] =	sst s7  }
0x2a: {  	s18 =	sadd.s32 $0x1200, s4;
	s3 =	sadd.s32 $0x237A00, s3;
	[smem:$0x7E7] =	sst s9  }
0x2b: {  	s19 =	sadd.s32 s18, s23;
	[dreg:$0x19] =	wrdreg s3  }
0x2c: {  	s20 =	sadd.s32 s18, s13;
	[dreg:$0x1f] =	wrdreg s19  }
0x2d: {  	s21 =	sadd.s32 s18, s12;
	[dreg:$0x1e] =	wrdreg s20  }
0x2e: {  	s22 =	sadd.s32 s18, s11;
	[dreg:$0x1d] =	wrdreg s21  }
0x2f: {  	s23 =	sadd.s32 s18, s6;
	[dreg:$0x1c] =	wrdreg s22  }
0x30: {  	s24 =	sadd.s32 s18, s8;
	[dreg:$0x1b] =	wrdreg s23  }
0x31: {  	s6 =	simm.s32 $0x580;
	[dreg:$0x1a] =	wrdreg s24  }
0x32: {  	s8 =	simm.s32 $0x1100;
	[smem:$0x7E4] =	sst s6  }
0x33: {  	s11 =	simm.s32 $0x1280;
	[smem:$0x7E6] =	sst s8  }
0x34: {  	s12 =	simm.s32 $0x1300;
	[smem:$0x7E9] =	sst s11  }
0x35: {  	s5 =	ssub.s32 $0x2, s5;
	s13 =	simm.s32 $0x1380;
	[smem:$0x7EA] =	sst s12  }
0x36: {  	v1 =	vmov s14;
	s14 =	simm.s32 $0xE80;
	s16 =	simm.s32 $0x1480;
	[smem:$0x7EB] =	sst s13  }
0x37: {  	s10 =	simm.s32 $0xC80;
	s17 =	simm.s32 $0x1500;
	[smem:$0x7ED] =	sst s16  }
0x38: {  	s15 =	simm.s32 $0xF00;
	s18 =	simm.s32 $0x1580;
	[smem:$0x7EE] =	sst s17  }
0x39: {  	s7 =	simm.s32 $0x1;
	s25 =	simm.s32 $0x680;
	[smem:$0x7EF] =	sst s18  }
0x3a: {  	s9 =	simm.s32 $0x480;
	s26 =	simm.s32 $0x700;
	[smem:$0x7F5] =	sst s25  }
0x3b: {  	s28 =	simm.s32 $0x780;
	s29 =	simm.s32 $0x800;
	[smem:$0x7F6] =	sst s26  }
0x3c: {  	s31 =	simm.s32 $0xA80;
	s3 =	sadd.s32 $0x1400, s4;
	[smem:$0x7F7] =	sst s28  }
0x3d: {  	s4 =	sadd.s32 $0x15400, s4;
	s19 =	sshrl.u32 s5, $0x1;
	[smem:$0x7F8] =	sst s29  }
0x3e: {  	s20 =	simm.s32 $0x1600;
	s21 =	simm.s32 $0x1680;
	[smem:$0x7FA] =	sst s31  }
0x3f: {  	s22 =	simm.s32 $0x1700;
	s6 =	simm.s32 $0x400;
	[smem:$0x7F0] =	sst s20  }
0x40: {  	s23 =	simm.s32 $0x1780;
	s24 =	simm.s32 $0x1800;
	[smem:$0x7F1] =	sst s21  }
0x41: {  	s8 =	simm.s32 $0x10;
	s11 =	simm.s32 $0xD00;
	[smem:$0x7F2] =	sst s22  }
0x42: {  	v0 =	vlaneseq.u32;
	s12 =	simm.s32 $0xD80;
	s13 =	simm.s32 $0xE00;
	[smem:$0x7F3] =	sst s23  }
0x43: {  	v0 =	vmul.u32 $0xFFFFFFFF, v0;
	s16 =	simm.s32 $0xB00;
	s17 =	simm.s32 $0xB80;
	[smem:$0x7F4] =	sst s24  }
0x44: {  	v2 =	vimm.s32 $0x1;
	v3 =	vimm.s32 $0x3;
	s18 =	simm.s32 $0x1080;
	s5 =	ssub.s32 s5, s19;
	[smem:$0x7FB] =	sst s16  }
0x45: {  	v4 =	vimm.s32 $0x5;
	v5 =	vimm.s32 $0x0;
	v0 =	vadd.s32 $0x12C, v0;
	s16 =	simm.s32 $0xF80;
	[smem:$0x7FC] =	sst s17;
	s19 =	simm.s32 $0xC00  }
0x46: {  	vm0 =	vlt.u32 v1, v0;
	v0 =	vimm.s32 $0x2;
	v1 =	vimm.s32 $0x4;
	s17 =	simm.s32 $0x1000;
	s5 =	smax.u32 s5, $0x1;
	[smem:$0x7FD] =	sst s19  }
.LBB2_2:
0x47: {  	s19 =	rddreg [dreg:$0x1a]  }
0x48: {  	s20 =	rddreg [dreg:$0x1b]  }
0x49: {  	s21 =	sld [smem:$0x7DE]  }
0x4a: {  	s29 =	rddreg [dreg:$0x1c]  }
0x4b: {  	s30 =	sld [smem:$0x7DF]  }
0x4c: {  	s31 =	rddreg [dreg:$0x1d]  }
0x4d: {  	[tilespmem:s2], [sflag:$0x1] =	stream.linear.gather [hbm4b:s19+s2], $0x10, $0x38;
	[tilespmem:$0x1880] =	vst v63  }
0x4e: {  	s22 =	sld [smem:$0x7E0]  }
0x4f: {  	[tilespmem:s21], [sflag:$0x1] =	stream.linear.gather [hbm4b:s20+s2], $0x10, $0x38;
	[tilespmem:$0x1880] =	vst v63  }
0x50: {  	s23 =	rddreg [dreg:$0x1e]  }
0x51: {  	[tilespmem:s30], [sflag:$0x1] =	stream.linear.gather [hbm4b:s29+s2], $0x10, $0x38;
	[tilespmem:$0x1880] =	vst v63  }
0x52: {  	s24 =	sld [smem:$0x7E1]  }
0x53: {  	[tilespmem:s22], [sflag:$0x1] =	stream.linear.gather [hbm4b:s31+s2], $0x10, $0x38;
	[tilespmem:$0x1880] =	vst v63  }
0x54: {  	s26 =	sld [smem:$0x7E2]  }
0x55: {  	[tilespmem:s24], [sflag:$0x1] =	stream.linear.gather [hbm4b:s23+s2], $0x10, $0x38;
	[tilespmem:$0x1880] =	vst v63  }
0x56: {  	s25 =	rddreg [dreg:$0x1f]  }
0x57: {  	[tilespmem:s26], [sflag:$0x1] =	stream.linear.gather [hbm4b:s25+s2], $0x10, $0x38;
	[tilespmem:$0x1880] =	vst v63  }
0x58: {  	s28 =	rddreg [dreg:$0x3]  }
0x59: {  	[tilespmem:s6], [sflag:$0x1] =	stream.linear.gather [hbm4b:s28+s2], $0x80, $0x38;
	[tilespmem:$0x1880] =	vst v63  }
0x5a: {  	_ =	swait.ge [sflag:s7], $0x10  }
0x5b: {  	[sflag:s7] =	ssyncset.done $0x0  }
0x5c: {  	[sflag:s7] =	ssyncadd.s32 $0xFFFFFFF0  }
0x5d: {  	_ =	swait.ge [sflag:s7], $0x10  }
0x5e: {  	[sflag:s7] =	ssyncset.done $0x0  }
0x5f: {  	[sflag:s7] =	ssyncadd.s32 $0xFFFFFFF0  }
0x60: {  	_ =	swait.ge [sflag:s7], $0x10  }
0x61: {  	[sflag:s7] =	ssyncset.done $0x0  }
0x62: {  	[sflag:s7] =	ssyncadd.s32 $0xFFFFFFF0  }
0x63: {  	_ =	swait.ge [sflag:s7], $0x10  }
0x64: {  	[sflag:s7] =	ssyncset.done $0x0  }
0x65: {  	[sflag:s7] =	ssyncadd.s32 $0xFFFFFFF0  }
0x66: {  	_ =	swait.ge [sflag:s7], $0x10  }
0x67: {  	[sflag:s7] =	ssyncset.done $0x0  }
0x68: {  	[sflag:s7] =	ssyncadd.s32 $0xFFFFFFF0  }
0x69: {  	_ =	swait.ge [sflag:s7], $0x10  }
0x6a: {  	[sflag:s7] =	ssyncset.done $0x0  }
0x6b: {  	[sflag:s7] =	ssyncadd.s32 $0xFFFFFFF0  }
0x6c: {  	_ =	swait.ge [sflag:s7], $0x80  }
0x6d: {  	[sflag:s7] =	ssyncset.done $0x0  }
0x6e: {  	[sflag:s7] =	ssyncadd.s32 $0xFFFFFF80  }
0x6f: {  	v6 =	vld [tilespmem:$0x200]  }
0x70: {  	v7 =	vld [tilespmem:$0x280]  }
0x71: {  	v8 =	vld.msk [tilespmem:s6+$0x0], $0xffff  }
0x72: {  	v9 =	vld.idx.msk [tilespmem:v0+s6+$0x0], $0xffff  }
0x73: {  	v10 =	vld.idx.msk [tilespmem:v2+s6+$0x0], $0xffff  }
0x74: {  	v11 =	vld.idx.msk [tilespmem:v3+s6+$0x0], $0xffff  }
0x75: {  	v12 =	vld.idx.msk [tilespmem:v1+s6+$0x0], $0xffff  }
0x76: {  	v13 =	vld.idx.msk [tilespmem:v4+s6+$0x0], $0xffff;
	_ =	sdelay $0x2  }
0x77: {  	v6 =	vmul.f32 $5.200000000e+01, v6  }
0x78: {  	v7 =	vmul.f32 $5.200000000e+01, v7;
	v14 =	vmul.f32 v10, v8  }
0x79: {  	v16 =	vmul.f32 v11, v9;
	v27 =	vmul.f32 v13, v12  }
0x7a: {  	v15 =	vmin.f32 v8, v6;
	v14 =	vadd.f32 $1.000000020e-16, v14;
	v18 =	vmul.f32 v7, v6  }
0x7b: {  	v17 =	vmin.f32 v10, v7;
	v16 =	vadd.f32 $1.000000020e-16, v16;
	v19 =	vmin.f32 v9, v6  }
0x7c: {  	v20 =	vmin.f32 v11, v7;
	v15 =	vmul.f32 v17, v15;
	v14 =	vadd.f32 v14, v18  }
0x7d: {  	v19 =	vmul.f32 v20, v19;
	v17 =	vadd.f32 $1.000000020e-16, v27;
	v16 =	vadd.f32 v16, v18  }
0x7e: {  	v28 =	vmin.f32 v12, v6;
	v21 =	vmin.f32 v13, v7;
	v14 =	vsub.f32 v14, v15  }
0x7f: {  	v20 =	vmul.f32 v21, v28;
	v17 =	vadd.f32 v17, v18;
	v16 =	vsub.f32 v16, v19  }
0x80: {  	(erf) = vrcp.f32 v14  }
0x81: {  	v29 =	vsub.f32 v17, v20;
	(erf) = vrcp.f32 v16;
	_ =	sdelay $0x1  }
0x82: {  	(erf) = vrcp.f32 v29;
	_ =	sdelay $0x3  }
0x83: {  	v31 =	vld [tilespmem:$0x180];
	_ =	sdelay $0x1  }
0x84: {  	v33 =	vpop (erf)  }
0x85: {  	v34 =	vpop (erf)  }
0x86: {  	v15 =	vmul.f32 v33, v15;
	v35 =	vmul.f32 v34, v19  }
0x87: {  	v16 =	vmul.f32 $5.200000000e+01, v31;
	v36 =	vpop (erf)  }
0x88: {  	v19 =	vmul.f32 v36, v20;
	vm1 =	vgt.f32 v35, v15  }
0x89: {  	v37 =	vtrunc.f32 v16;
	v21 =	vsel vm1, v35, v15  }
0x8a: {  	v20 =	vcvt.f32.s32 v37;
	vm2 =	vgt.f32 v19, v21  }
0x8b: {  	v30 =	vld [tilespmem:$0x100];
	v23 =	vsel vm1, $0x1, v5;
	vm2 =	vmneg vm2  }
0x8c: {  	v32 =	vld [tilespmem:$0x0];
	v23 =	vnsel vm2, $0x2, v23;
	vm1 =	vmand vm1, vm2;
	vm2 =	vgt.s32 v20, $0x0  }
0x8d: {  	v9 =	vsel vm1, v9, v12;
	v40 =	vnsel vm2, $0x0, v20;
	vm2 =	veq.s32 v23, $0x0  }
0x8e: {  	v11 =	vsel vm1, v11, v13;
	v8 =	vsel vm2, v8, v9  }
0x8f: {  	v38 =	vld [tilespmem:$0x80];
	v10 =	vsel vm2, v10, v11;
	(erf) = vrcp.f32 v8  }
0x90: {  	v14 =	vmul.f32 $5.200000000e+01, v30;
	(erf) = vrcp.f32 v10  }
0x91: {  	v17 =	vtrunc.f32 v32  }
0x92: {  	v17 =	vcvt.f32.s32 v17;
	v22 =	vtrunc.f32 v14  }
0x93: {  	v22 =	vcvt.f32.s32 v22  }
0x94: {  	v24 =	vmul.u32 $0x3, v17;
	v21 =	vtrunc.f32 v38  }
0x95: {  	v43 =	vmul.u32 $0x9C, v17;
	vm3 =	vgt.s32 v22, $0x0;
	v21 =	vcvt.f32.s32 v21  }
0x96: {  	v48 =	vcvt.s32.f32 v22;
	v42 =	vnsel vm3, $0x0, v22;
	v52 =	vcvt.s32.f32 v20  }
0x97: {  	v39 =	vadd.s32 v24, v23;
	v24 =	vmin.u32 v42, $0x33;
	v47 =	vnsel vm0, $0x0, v21  }
0x98: {  	v13 =	vsub.f32 v16, v52;
	v63 =	vnsel vm0, $0x0, v23;
	v12 =	vmul.u32 $0x34, v39;
	v56 =	vpop (erf)  }
0x99: {  	v41 =	vmin.u32 v40, $0x33;
	vm2 =	vgt.f32 v15, $5.000000000e-01;
	v6 =	vmul.f32 v56, v6;
	v58 =	vpop (erf)  }
0x9a: {  	v11 =	vsub.f32 v14, v48;
	v12 =	vadd.s32 v41, v12;
	v7 =	vmul.f32 v58, v7  }
0x9b: {  	[tilespmem:$0x700] =	vst v47;
	v61 =	vnsel vm0, $0x0, v24;
	v12 =	vmul.u32 $0x34, v12;
	v6 =	vnsel vm0, $0x0, v6  }
0x9c: {  	v45 =	vadd.s32 v43, v41;
	v60 =	vnsel vm0, $0x0, v13;
	[tilespmem:$0xB80] =	vst v6;
	v6 =	vnsel vm0, $0x0, v7  }
0x9d: {  	v46 =	vmul.u32 $0x34, v45;
	v44 =	vadd.s32 v24, v12;
	[tilespmem:$0xC00] =	vst v6;
	v6 =	vshll.u32 v61, $0x7  }
0x9e: {  	v59 =	vnsel vm0, $0x0, v11;
	[tilespmem:$0xB00] =	vst v60;
	v8 =	vnsel vm0, $0xFFFFFFFF, v44;
	(v2sf) =	vpush v6, $0x0  }
0x9f: {  	v9 =	vnsel vm0, $0x0, v41;
	[tilespmem:$0xA80] =	vst v59;
	v10 =	vadd.s32 v24, v46;
	vm1 =	vgt.s32 v8, $0x0  }
0xa0: {  	v51 =	vadd.s32 $0xA90, v10;
	[tilespmem:$0x680] =	vst v8;
	v8 =	vnsel vm1, $0x0, v8;
	vm1 =	vmand vm0, vm2  }
0xa1: {  	vm2 =	vgt.f32 v35, $5.000000000e-01;
	[tilespmem:$0x480] =	vst v8;
	v49 =	vnsel vm1, $0xFFFFFFFF, v10;
	v50 =	vnsel vm1, $0x0, v10  }
0xa2: {  	vm1 =	vmand vm0, vm2;
	vm2 =	vgt.f32 v19, $5.000000000e-01;
	[tilespmem:$0x780] =	vst v49;
	v7 =	vnsel vm0, $0x0, v17  }
0xa3: {  	v10 =	vadd.s32 $0x1520, v10;
	[tilespmem:$0x500] =	vst v50;
	v53 =	vnsel vm1, $0xFFFFFFFF, v51;
	v62 =	vmul.u32 $0x111000, v7  }
0xa4: {  	v54 =	vnsel vm1, $0x0, v51;
	vm1 =	vmand vm0, vm2;
	[tilespmem:$0x800] =	vst v53;
	v7 =	vmul.u32 $0x1C00, v9  }
0xa5: {  	[tilespmem:$0x580] =	vst v54;
	v55 =	vnsel vm1, $0xFFFFFFFF, v10;
	v9 =	vmul.u32 $0x5B000, v63;
	(v2sf) =	vpush v62, $0x0  }
0xa6: {  	v57 =	vnsel vm1, $0x0, v10;
	[tilespmem:$0x880] =	vst v55;
	(v2sf) =	vpush v7, $0x0  }
0xa7: {  	s29 =	rddreg [dreg:$0x4];
	[tilespmem:$0x600] =	vst v57;
	(v2sf) =	vpush v9, $0x0  }
0xa8: {  	[tilespmem:s10], [sflag:$0x1] =	stream.indirect.gather [hbm4b:s29+s8], $0x1, s9, s8, $0xb8;
	[tilespmem:$0x1880] =	vst v63  }
0xa9: {  	s30 =	rddreg [dreg:$0x5]  }
0xaa: {  	[tilespmem:s11], [sflag:$0x1] =	stream.indirect.gather [hbm4b:s30+s8], $0x1, s9, s8, $0xb8;
	(v2sf) =	vpush v6, $0x1;
	[tilespmem:$0x1880] =	vst v63  }
0xab: {  	s31 =	rddreg [dreg:$0x6];
	(v2sf) =	vpush v62, $0x1  }
0xac: {  	[tilespmem:s12], [sflag:$0x1] =	stream.indirect.gather [hbm4b:s31+s8], $0x1, s9, s8, $0xb8;
	(v2sf) =	vpush v7, $0x1;
	[tilespmem:$0x1880] =	vst v63  }
0xad: {  	s25 =	spop (v2sf);
	(v2sf) =	vpush v9, $0x1  }
0xae: {  	s21 =	rddreg [dreg:$0x7]  }
0xaf: {  	[tilespmem:s13], [sflag:$0x1] =	stream.indirect.gather [hbm4b:s21+s8], $0x1, s9, s8, $0xb8;
	[tilespmem:$0x1880] =	vst v63  }
0xb0: {  	s22 =	sld [smem:$0x7E3]  }
0xb1: {  	[tilespmem:s14], [sflag:$0x1] =	stream.indirect.gather [hbm4b:s3+s8], $0x1, s9, s8, $0xb8;
	[tilespmem:$0x1880] =	vst v63  }
0xb2: {  	_ = 	snop  }
0xb3: {  	[tilespmem:s15], [sflag:$0x1] =	stream.indirect.gather [hbm4b:s3+s8], $0x1, s22, s8, $0xb8;
	(v2sf) =	vpush v6, $0x2;
	[tilespmem:$0x1880] =	vst v63  }
0xb4: {  	s26 =	spop (v2sf)  }
0xb5: {  	s23 =	sld [smem:$0x7E4];
	s28 =	spop (v2sf);
	(v2sf) =	vpush v62, $0x2  }
0xb6: {  	s30 =	spop (v2sf);
	(v2sf) =	vpush v7, $0x2  }
0xb7: {  	(v2sf) =	vpush v9, $0x2  }
0xb8: {  	[tilespmem:s16], [sflag:$0x1] =	stream.indirect.gather [hbm4b:s3+s8], $0x1, s23, s8, $0xb8;
	[tilespmem:$0x1880] =	vst v63  }
0xb9: {  	s31 =	spop (v2sf)  }
0xba: {  	s22 =	spop (v2sf)  }
0xbb: {  	s23 =	spop (v2sf)  }
0xbc: {  	s29 =	sand.u32 $0x1C00, s25;
	s19 =	sand.u32 $0x380, s25;
	s25 =	spop (v2sf);
	(v2sf) =	vpush v6, $0x3  }
0xbd: {  	_ = 	snop  }
0xbe: {  	s24 =	sld [smem:$0x7E5];
	_ =	sdelay $0x1  }
0xbf: {  	(v2sf) =	vpush v62, $0x3  }
0xc0: {  	[tilespmem:s17], [sflag:$0x1] =	stream.indirect.gather [hbm4b:s3+s8], $0x1, s24, s8, $0xb8;
	(v2sf) =	vpush v7, $0x3;
	[tilespmem:$0x1880] =	vst v63  }
0xc1: {  	s20 =	sadd.s32 s26, s28;
	s28 =	spop (v2sf);
	(v2sf) =	vpush v9, $0x3  }
0xc2: {  	s20 =	sadd.s32 s29, s20  }
0xc3: {  	s19 =	sor.u32 s19, s20;
	s29 =	spop (v2sf)  }
0xc4: {  	s19 =	sadd.s32 s30, s19;
	s30 =	spop (v2sf)  }
0xc5: {  	s19 =	sshrl.u32 s19, $0x3;
	s20 =	sadd.s32 s22, s23;
	s22 =	spop (v2sf);
	(v2sf) =	vpush v6, $0x4  }
0xc6: {  	s24 =	sand.u32 $0x1C00, s31;
	s19 =	sadd.s32 s4, s19  }
0xc7: {  	[tilespmem:s18], [sflag:$0x1] =	stream.linear.gather [hbm4b:s19+s2], $0x80, $0x38;
	[tilespmem:$0x1880] =	vst v63  }
0xc8: {  	s20 =	sadd.s32 s24, s20;
	s19 =	sand.u32 $0x380, s31;
	(v2sf) =	vpush v62, $0x4  }
0xc9: {  	s19 =	sor.u32 s19, s20;
	(v2sf) =	vpush v7, $0x4  }
0xca: {  	s26 =	sld [smem:$0x7E6];
	s19 =	sadd.s32 s25, s19;
	s24 =	spop (v2sf);
	(v2sf) =	vpush v9, $0x4  }
0xcb: {  	s19 =	sshrl.u32 s19, $0x3  }
0xcc: {  	s19 =	sadd.s32 s4, s19  }
0xcd: {  	[tilespmem:s26], [sflag:$0x1] =	stream.linear.gather [hbm4b:s19+s2], $0x80, $0x38;
	[tilespmem:$0x1880] =	vst v63  }
0xce: {  	s25 =	spop (v2sf)  }
0xcf: {  	s26 =	spop (v2sf)  }
0xd0: {  	s31 =	sand.u32 $0x1C00, s28;
	s20 =	sadd.s32 s29, s30;
	s29 =	spop (v2sf);
	(v2sf) =	vpush v6, $0x5  }
0xd1: {  	s19 =	sand.u32 $0x380, s28;
	s20 =	sadd.s32 s31, s20  }
0xd2: {  	s19 =	sor.u32 s19, s20;
	(v2sf) =	vpush v62, $0x5  }
0xd3: {  	s23 =	sld [smem:$0x7E7];
	s19 =	sadd.s32 s22, s19;
	(v2sf) =	vpush v7, $0x5  }
0xd4: {  	s19 =	sshrl.u32 s19, $0x3;
	s31 =	spop (v2sf);
	(v2sf) =	vpush v9, $0x5  }
0xd5: {  	s19 =	sadd.s32 s4, s19  }
0xd6: {  	[tilespmem:s23], [sflag:$0x1] =	stream.linear.gather [hbm4b:s19+s2], $0x80, $0x38;
	[tilespmem:$0x1880] =	vst v63  }
0xd7: {  	s22 =	spop (v2sf)  }
0xd8: {  	s23 =	spop (v2sf)  }
0xd9: {  	s20 =	sadd.s32 s25, s26;
	s25 =	spop (v2sf);
	(v2sf) =	vpush v6, $0x6  }
0xda: {  	s28 =	sand.u32 $0x1C00, s24  }
0xdb: {  	s19 =	sand.u32 $0x380, s24;
	s20 =	sadd.s32 s28, s20  }
0xdc: {  	s19 =	sor.u32 s19, s20  }
0xdd: {  	s30 =	sld [smem:$0x7E8];
	s19 =	sadd.s32 s29, s19;
	(v2sf) =	vpush v62, $0x6  }
0xde: {  	s19 =	sshrl.u32 s19, $0x3;
	(v2sf) =	vpush v7, $0x6  }
0xdf: {  	s19 =	sadd.s32 s4, s19;
	s28 =	spop (v2sf);
	(v2sf) =	vpush v9, $0x6  }
0xe0: {  	[tilespmem:s30], [sflag:$0x1] =	stream.linear.gather [hbm4b:s19+s2], $0x80, $0x38;
	[tilespmem:$0x1880] =	vst v63  }
0xe1: {  	s29 =	spop (v2sf)  }
0xe2: {  	s30 =	spop (v2sf)  }
0xe3: {  	s20 =	sadd.s32 s22, s23;
	s22 =	spop (v2sf);
	(v2sf) =	vpush v6, $0x7;
	_ =	sdelay $0x1  }
0xe4: {  	s24 =	sand.u32 $0x1C00, s31  }
0xe5: {  	s20 =	sadd.s32 s24, s20;
	s19 =	sand.u32 $0x380, s31;
	(v2sf) =	vpush v62, $0x7  }
0xe6: {  	s19 =	sor.u32 s19, s20;
	(v2sf) =	vpush v7, $0x7  }
0xe7: {  	s26 =	sld [smem:$0x7E9];
	s19 =	sadd.s32 s25, s19;
	s24 =	spop (v2sf);
	(v2sf) =	vpush v9, $0x7  }
0xe8: {  	s19 =	sshrl.u32 s19, $0x3  }
0xe9: {  	s19 =	sadd.s32 s4, s19  }
0xea: {  	[tilespmem:s26], [sflag:$0x1] =	stream.linear.gather [hbm4b:s19+s2], $0x80, $0x38;
	[tilespmem:$0x1880] =	vst v63  }
0xeb: {  	s25 =	spop (v2sf)  }
0xec: {  	s26 =	spop (v2sf)  }
0xed: {  	s31 =	sand.u32 $0x1C00, s28;
	s20 =	sadd.s32 s29, s30;
	s29 =	spop (v2sf);
	(v2sf) =	vpush v6, $0x8  }
0xee: {  	s19 =	sand.u32 $0x380, s28;
	s20 =	sadd.s32 s31, s20  }
0xef: {  	s19 =	sor.u32 s19, s20;
	(v2sf) =	vpush v62, $0x8  }
0xf0: {  	s23 =	sld [smem:$0x7EA];
	s19 =	sadd.s32 s22, s19;
	(v2sf) =	vpush v7, $0x8  }
0xf1: {  	s19 =	sshrl.u32 s19, $0x3;
	s31 =	spop (v2sf);
	(v2sf) =	vpush v9, $0x8  }
0xf2: {  	s19 =	sadd.s32 s4, s19  }
0xf3: {  	[tilespmem:s23], [sflag:$0x1] =	stream.linear.gather [hbm4b:s19+s2], $0x80, $0x38;
	[tilespmem:$0x1880] =	vst v63  }
0xf4: {  	s22 =	spop (v2sf)  }
0xf5: {  	s23 =	spop (v2sf)  }
0xf6: {  	s20 =	sadd.s32 s25, s26;
	s25 =	spop (v2sf);
	(v2sf) =	vpush v6, $0x9  }
0xf7: {  	s28 =	sand.u32 $0x1C00, s24  }
0xf8: {  	s19 =	sand.u32 $0x380, s24;
	s20 =	sadd.s32 s28, s20  }
0xf9: {  	s19 =	sor.u32 s19, s20  }
0xfa: {  	s30 =	sld [smem:$0x7EB];
	s19 =	sadd.s32 s29, s19;
	(v2sf) =	vpush v62, $0x9  }
0xfb: {  	s19 =	sshrl.u32 s19, $0x3;
	(v2sf) =	vpush v7, $0x9  }
0xfc: {  	s19 =	sadd.s32 s4, s19;
	s28 =	spop (v2sf);
	(v2sf) =	vpush v9, $0x9  }
0xfd: {  	[tilespmem:s30], [sflag:$0x1] =	stream.linear.gather [hbm4b:s19+s2], $0x80, $0x38;
	[tilespmem:$0x1880] =	vst v63  }
0xfe: {  	s24 =	sand.u32 $0x1C00, s31;
	s20 =	sadd.s32 s22, s23;
	s29 =	spop (v2sf)  }
0xff: {  	s19 =	sand.u32 $0x380, s31;
	s20 =	sadd.s32 s24, s20;
	s30 =	spop (v2sf)  }
0x100: {  	s19 =	sor.u32 s19, s20;
	s22 =	spop (v2sf);
	(v2sf) =	vpush v6, $0xA  }
0x101: {  	s26 =	sld [smem:$0x7EC];
	s19 =	sadd.s32 s25, s19  }
0x102: {  	s19 =	sshrl.u32 s19, $0x3;
	(v2sf) =	vpush v62, $0xA  }
0x103: {  	s19 =	sadd.s32 s4, s19;
	(v2sf) =	vpush v7, $0xA  }
0x104: {  	[tilespmem:s26], [sflag:$0x1] =	stream.linear.gather [hbm4b:s19+s2], $0x80, $0x38;
	[tilespmem:$0x1880] =	vst v63  }
0x105: {  	s24 =	spop (v2sf);
	(v2sf) =	vpush v9, $0xA  }
0x106: {  	s31 =	sand.u32 $0x1C00, s28;
	s20 =	sadd.s32 s29, s30  }
0x107: {  	s19 =	sand.u32 $0x380, s28;
	s20 =	sadd.s32 s31, s20  }
0x108: {  	s19 =	sor.u32 s19, s20  }
0x109: {  	s23 =	sld [smem:$0x7ED];
	s19 =	sadd.s32 s22, s19;
	s25 =	spop (v2sf);
	(v2sf) =	vpush v6, $0xB  }
0x10a: {  	s19 =	sshrl.u32 s19, $0x3;
	s26 =	spop (v2sf);
	(v2sf) =	vpush v62, $0xB  }
0x10b: {  	s19 =	sadd.s32 s4, s19;
	s29 =	spop (v2sf);
	(v2sf) =	vpush v7, $0xB  }
0x10c: {  	[tilespmem:s23], [sflag:$0x1] =	stream.linear.gather [hbm4b:s19+s2], $0x80, $0x38;
	[tilespmem:$0x1880] =	vst v63  }
0x10d: {  	s28 =	sand.u32 $0x1C00, s24;
	s20 =	sadd.s32 s25, s26  }
0x10e: {  	s19 =	sand.u32 $0x380, s24;
	s20 =	sadd.s32 s28, s20  }
0x10f: {  	s19 =	sor.u32 s19, s20;
	s31 =	spop (v2sf);
	(v2sf) =	vpush v9, $0xB  }
0x110: {  	s30 =	sld [smem:$0x7EE];
	s19 =	sadd.s32 s29, s19  }
0x111: {  	s19 =	sshrl.u32 s19, $0x3;
	s22 =	spop (v2sf)  }
0x112: {  	s19 =	sadd.s32 s4, s19;
	s23 =	spop (v2sf)  }
0x113: {  	[tilespmem:s30], [sflag:$0x1] =	stream.linear.gather [hbm4b:s19+s2], $0x80, $0x38;
	[tilespmem:$0x1880] =	vst v63  }
0x114: {  	s25 =	spop (v2sf);
	(v2sf) =	vpush v6, $0xC  }
0x115: {  	s24 =	sand.u32 $0x1C00, s31;
	s20 =	sadd.s32 s22, s23;
	(v2sf) =	vpush v62, $0xC  }
0x116: {  	s19 =	sand.u32 $0x380, s31;
	s20 =	sadd.s32 s24, s20;
	(v2sf) =	vpush v7, $0xC  }
0x117: {  	s19 =	sor.u32 s19, s20  }
0x118: {  	s26 =	sld [smem:$0x7EF];
	s19 =	sadd.s32 s25, s19;
	s28 =	spop (v2sf);
	(v2sf) =	vpush v9, $0xC  }
0x119: {  	s19 =	sshrl.u32 s19, $0x3;
	s29 =	spop (v2sf)  }
0x11a: {  	s19 =	sadd.s32 s4, s19;
	s30 =	spop (v2sf);
	(v2sf) =	vpush v6, $0xD  }
0x11b: {  	[tilespmem:s26], [sflag:$0x1] =	stream.linear.gather [hbm4b:s19+s2], $0x80, $0x38;
	(v2sf) =	vpush v62, $0xD;
	[tilespmem:$0x1880] =	vst v63  }
0x11c: {  	s31 =	sand.u32 $0x1C00, s28;
	s20 =	sadd.s32 s29, s30;
	(v2sf) =	vpush v7, $0xD  }
0x11d: {  	s19 =	sand.u32 $0x380, s28;
	s20 =	sadd.s32 s31, s20  }
0x11e: {  	s19 =	sor.u32 s19, s20;
	s22 =	spop (v2sf)  }
0x11f: {  	s23 =	sld [smem:$0x7F0];
	s19 =	sadd.s32 s22, s19  }
0x120: {  	(v2sf) =	vpush v9, $0xD;
	s19 =	sshrl.u32 s19, $0x3  }
0x121: {  	s19 =	sadd.s32 s4, s19  }
0x122: {  	(v2sf) =	vpush v6, $0xE;
	[tilespmem:s23], [sflag:$0x1] =	stream.linear.gather [hbm4b:s19+s2], $0x80, $0x38;
	[tilespmem:$0x1880] =	vst v63  }
0x123: {  	s24 =	spop (v2sf);
	(v2sf) =	vpush v62, $0xE  }
0x124: {  	s25 =	spop (v2sf)  }
0x125: {  	(v2sf) =	vpush v7, $0xE;
	s26 =	spop (v2sf)  }
0x126: {  	s28 =	sand.u32 $0x1C00, s24;
	s20 =	sadd.s32 s25, s26  }
0x127: {  	s19 =	sand.u32 $0x380, s24;
	s29 =	spop (v2sf);
	(v2sf) =	vpush v9, $0xE;
	s20 =	sadd.s32 s28, s20  }
0x128: {  	(v2sf) =	vpush v62, $0xF;
	s19 =	sor.u32 s19, s20  }
0x129: {  	s30 =	sld [smem:$0x7F1];
	s31 =	spop (v2sf);
	(v2sf) =	vpush v9, $0xF;
	s19 =	sadd.s32 s29, s19  }
0x12a: {  	s23 =	spop (v2sf);
	(v2sf) =	vpush v7, $0xF;
	s19 =	sshrl.u32 s19, $0x3  }
0x12b: {  	s24 =	spop (v2sf);
	(v2sf) =	vpush v6, $0xF;
	s19 =	sadd.s32 s4, s19  }
0x12c: {  	[tilespmem:s30], [sflag:$0x1] =	stream.linear.gather [hbm4b:s19+s2], $0x80, $0x38;
	[tilespmem:$0x1880] =	vst v63  }
0x12d: {  	s25 =	sand.u32 $0x1C00, s31;
	s19 =	sadd.s32 s23, s24  }
0x12e: {  	s26 =	sand.u32 $0x380, s31;
	s19 =	sadd.s32 s25, s19  }
0x12f: {  	s28 =	spop (v2sf);
	s19 =	sor.u32 s26, s19  }
0x130: {  	s30 =	sld [smem:$0x7F2];
	s19 =	sadd.s32 s28, s19  }
0x131: {  	s29 =	spop (v2sf);
	s19 =	sshrl.u32 s19, $0x3  }
0x132: {  	s19 =	sadd.s32 s4, s19;
	s31 =	spop (v2sf)  }
0x133: {  	[tilespmem:s30], [sflag:$0x1] =	stream.linear.gather [hbm4b:s19+s2], $0x80, $0x38;
	[tilespmem:$0x1880] =	vst v63  }
0x134: {  	s23 =	spop (v2sf)  }
0x135: {  	s21 =	sand.u32 $0x1C00, s29;
	s22 =	sadd.s32 s31, s23  }
0x136: {  	s20 =	sand.u32 $0x380, s29;
	s19 =	sadd.s32 s21, s22;
	s23 =	spop (v2sf)  }
0x137: {  	s19 =	sor.u32 s20, s19;
	s24 =	spop (v2sf)  }
0x138: {  	s25 =	sld [smem:$0x7F3];
	s19 =	sadd.s32 s23, s19;
	s26 =	spop (v2sf)  }
0x139: {  	s19 =	sshrl.u32 s19, $0x3;
	s28 =	spop (v2sf)  }
0x13a: {  	s19 =	sadd.s32 s4, s19;
	s29 =	spop (v2sf)  }
0x13b: {  	[tilespmem:s25], [sflag:$0x1] =	stream.linear.gather [hbm4b:s19+s2], $0x80, $0x38;
	[tilespmem:$0x1880] =	vst v63  }
0x13c: {  	s20 =	sadd.s32 s24, s28;
	s30 =	sand.u32 $0x1C00, s29  }
0x13d: {  	s19 =	sand.u32 $0x380, s29;
	s20 =	sadd.s32 s30, s20  }
0x13e: {  	s19 =	sor.u32 s19, s20  }
0x13f: {  	s31 =	sld [smem:$0x7F4];
	s19 =	sadd.s32 s26, s19  }
0x140: {  	s19 =	sshrl.u32 s19, $0x3  }
0x141: {  	s19 =	sadd.s32 s4, s19  }
0x142: {  	[tilespmem:s31], [sflag:$0x1] =	stream.linear.gather [hbm4b:s19+s2], $0x80, $0x38;
	[tilespmem:$0x1880] =	vst v63  }
0x143: {  	_ =	swait.ge [sflag:s7], $0x10  }
0x144: {  	[sflag:s7] =	ssyncset.done $0x0  }
0x145: {  	[sflag:s7] =	ssyncadd.s32 $0xFFFFFFF0  }
0x146: {  	_ =	swait.ge [sflag:s7], $0x10  }
0x147: {  	[sflag:s7] =	ssyncset.done $0x0  }
0x148: {  	[sflag:s7] =	ssyncadd.s32 $0xFFFFFFF0  }
0x149: {  	_ =	swait.ge [sflag:s7], $0x10  }
0x14a: {  	[sflag:s7] =	ssyncset.done $0x0  }
0x14b: {  	[sflag:s7] =	ssyncadd.s32 $0xFFFFFFF0  }
0x14c: {  	_ =	swait.ge [sflag:s7], $0x10  }
0x14d: {  	[sflag:s7] =	ssyncset.done $0x0  }
0x14e: {  	[sflag:s7] =	ssyncadd.s32 $0xFFFFFFF0  }
0x14f: {  	_ =	swait.ge [sflag:s7], $0x10  }
0x150: {  	[sflag:s7] =	ssyncset.done $0x0  }
0x151: {  	[sflag:s7] =	ssyncadd.s32 $0xFFFFFFF0  }
0x152: {  	_ =	swait.ge [sflag:s7], $0x10  }
0x153: {  	[sflag:s7] =	ssyncset.done $0x0  }
0x154: {  	[sflag:s7] =	ssyncadd.s32 $0xFFFFFFF0  }
0x155: {  	_ =	swait.ge [sflag:s7], $0x10  }
0x156: {  	[sflag:s7] =	ssyncset.done $0x0  }
0x157: {  	[sflag:s7] =	ssyncadd.s32 $0xFFFFFFF0  }
0x158: {  	_ =	swait.ge [sflag:s7], $0x10  }
0x159: {  	[sflag:s7] =	ssyncset.done $0x0  }
0x15a: {  	[sflag:s7] =	ssyncadd.s32 $0xFFFFFFF0  }
0x15b: {  	_ =	swait.ge [sflag:s7], $0x80  }
0x15c: {  	[sflag:s7] =	ssyncset.done $0x0  }
0x15d: {  	[sflag:s7] =	ssyncadd.s32 $0xFFFFFF80  }
0x15e: {  	_ =	swait.ge [sflag:s7], $0x80  }
0x15f: {  	[sflag:s7] =	ssyncset.done $0x0  }
0x160: {  	[sflag:s7] =	ssyncadd.s32 $0xFFFFFF80  }
0x161: {  	_ =	swait.ge [sflag:s7], $0x80  }
0x162: {  	[sflag:s7] =	ssyncset.done $0x0  }
0x163: {  	[sflag:s7] =	ssyncadd.s32 $0xFFFFFF80  }
0x164: {  	_ =	swait.ge [sflag:s7], $0x80  }
0x165: {  	[sflag:s7] =	ssyncset.done $0x0  }
0x166: {  	[sflag:s7] =	ssyncadd.s32 $0xFFFFFF80  }
0x167: {  	_ =	swait.ge [sflag:s7], $0x80  }
0x168: {  	[sflag:s7] =	ssyncset.done $0x0  }
0x169: {  	[sflag:s7] =	ssyncadd.s32 $0xFFFFFF80  }
0x16a: {  	_ =	swait.ge [sflag:s7], $0x80  }
0x16b: {  	[sflag:s7] =	ssyncset.done $0x0  }
0x16c: {  	[sflag:s7] =	ssyncadd.s32 $0xFFFFFF80  }
0x16d: {  	_ =	swait.ge [sflag:s7], $0x80  }
0x16e: {  	[sflag:s7] =	ssyncset.done $0x0  }
0x16f: {  	[sflag:s7] =	ssyncadd.s32 $0xFFFFFF80  }
0x170: {  	_ =	swait.ge [sflag:s7], $0x80  }
0x171: {  	[sflag:s7] =	ssyncset.done $0x0  }
0x172: {  	[sflag:s7] =	ssyncadd.s32 $0xFFFFFF80  }
0x173: {  	_ =	swait.ge [sflag:s7], $0x80  }
0x174: {  	[sflag:s7] =	ssyncset.done $0x0  }
0x175: {  	[sflag:s7] =	ssyncadd.s32 $0xFFFFFF80  }
0x176: {  	_ =	swait.ge [sflag:s7], $0x80  }
0x177: {  	[sflag:s7] =	ssyncset.done $0x0  }
0x178: {  	[sflag:s7] =	ssyncadd.s32 $0xFFFFFF80  }
0x179: {  	_ =	swait.ge [sflag:s7], $0x80  }
0x17a: {  	[sflag:s7] =	ssyncset.done $0x0  }
0x17b: {  	[sflag:s7] =	ssyncadd.s32 $0xFFFFFF80  }
0x17c: {  	_ =	swait.ge [sflag:s7], $0x80  }
0x17d: {  	[sflag:s7] =	ssyncset.done $0x0  }
0x17e: {  	[sflag:s7] =	ssyncadd.s32 $0xFFFFFF80  }
0x17f: {  	_ =	swait.ge [sflag:s7], $0x80  }
0x180: {  	[sflag:s7] =	ssyncset.done $0x0  }
0x181: {  	[sflag:s7] =	ssyncadd.s32 $0xFFFFFF80  }
0x182: {  	_ =	swait.ge [sflag:s7], $0x80  }
0x183: {  	[sflag:s7] =	ssyncset.done $0x0  }
0x184: {  	[sflag:s7] =	ssyncadd.s32 $0xFFFFFF80  }
0x185: {  	_ =	swait.ge [sflag:s7], $0x80  }
0x186: {  	[sflag:s7] =	ssyncset.done $0x0  }
0x187: {  	[sflag:s7] =	ssyncadd.s32 $0xFFFFFF80  }
0x188: {  	_ =	swait.ge [sflag:s7], $0x80  }
0x189: {  	s21 =	rddreg [dreg:$0x8]  }
0x18a: {  	s22 =	sld [smem:$0x7F5]  }
0x18b: {  	s23 =	rddreg [dreg:$0x9]  }
0x18c: {  	s24 =	sld [smem:$0x7F6]  }
0x18d: {  	s25 =	rddreg [dreg:$0xa]  }
0x18e: {  	s26 =	sld [smem:$0x7F7]  }
0x18f: {  	s28 =	rddreg [dreg:$0xb]  }
0x190: {  	[sflag:s7] =	ssyncset.done $0x0;
	s29 =	sld [smem:$0x7F8]  }
0x191: {  	s30 =	rddreg [dreg:$0xc];
	[sflag:s7] =	ssyncadd.s32 $0xFFFFFF80  }
0x192: {  	[hbm4b:s21+s2] =	stream.linear.scatter [tilespmem:s22], [sflag:$0x1], $0x10, $0x38;
	[tilespmem:$0x1880] =	vst v63  }
0x193: {  	s31 =	sld [smem:$0x7F9]  }
0x194: {  	[hbm4b:s23+s2] =	stream.linear.scatter [tilespmem:s24], [sflag:$0x1], $0x10, $0x38;
	[tilespmem:$0x1880] =	vst v63  }
0x195: {  	s23 =	rddreg [dreg:$0xd]  }
0x196: {  	s24 =	sld [smem:$0x7FA]  }
0x197: {  	[hbm4b:s25+s2] =	stream.linear.scatter [tilespmem:s26], [sflag:$0x1], $0x10, $0x38;
	[tilespmem:$0x1880] =	vst v63  }
0x198: {  	s25 =	rddreg [dreg:$0xe]  }
0x199: {  	[hbm4b:s28+s2] =	stream.linear.scatter [tilespmem:s29], [sflag:$0x1], $0x10, $0x38;
	[tilespmem:$0x1880] =	vst v63  }
0x19a: {  	s26 =	sld [smem:$0x7FB]  }
0x19b: {  	[hbm4b:s30+s2] =	stream.linear.scatter [tilespmem:s31], [sflag:$0x1], $0x10, $0x38;
	[tilespmem:$0x1880] =	vst v63  }
0x19c: {  	s28 =	rddreg [dreg:$0xf]  }
0x19d: {  	[hbm4b:s23+s2] =	stream.linear.scatter [tilespmem:s24], [sflag:$0x1], $0x10, $0x38;
	[tilespmem:$0x1880] =	vst v63  }
0x19e: {  	s29 =	sld [smem:$0x7FC]  }
0x19f: {  	[hbm4b:s25+s2] =	stream.linear.scatter [tilespmem:s26], [sflag:$0x1], $0x10, $0x38;
	[tilespmem:$0x1880] =	vst v63  }
0x1a0: {  	s31 =	sld [smem:$0x7FD]  }
0x1a1: {  	[hbm4b:s28+s2] =	stream.linear.scatter [tilespmem:s29], [sflag:$0x1], $0x10, $0x38;
	[tilespmem:$0x1880] =	vst v63  }
0x1a2: {  	s30 =	rddreg [dreg:$0x10]  }
0x1a3: {  	[hbm4b:s30+s2] =	stream.linear.scatter [tilespmem:s31], [sflag:$0x1], $0x10, $0x38;
	[tilespmem:$0x1880] =	vst v63  }
0x1a4: {  	s20 =	rddreg [dreg:$0x11]  }
0x1a5: {  	[hbm4b:s20+s2] =	stream.linear.scatter [tilespmem:s10], [sflag:$0x1], $0x10, $0x38;
	[tilespmem:$0x1880] =	vst v63  }
0x1a6: {  	s23 =	rddreg [dreg:$0x12]  }
0x1a7: {  	[hbm4b:s23+s2] =	stream.linear.scatter [tilespmem:s11], [sflag:$0x1], $0x10, $0x38;
	[tilespmem:$0x1880] =	vst v63  }
0x1a8: {  	s24 =	rddreg [dreg:$0x13]  }
0x1a9: {  	[hbm4b:s24+s2] =	stream.linear.scatter [tilespmem:s12], [sflag:$0x1], $0x10, $0x38;
	[tilespmem:$0x1880] =	vst v63  }
0x1aa: {  	s25 =	rddreg [dreg:$0x14]  }
0x1ab: {  	[hbm4b:s25+s2] =	stream.linear.scatter [tilespmem:s13], [sflag:$0x1], $0x10, $0x38;
	[tilespmem:$0x1880] =	vst v63  }
0x1ac: {  	s26 =	rddreg [dreg:$0x15]  }
0x1ad: {  	[hbm4b:s26+s2] =	stream.linear.scatter [tilespmem:s14], [sflag:$0x1], $0x10, $0x38;
	[tilespmem:$0x1880] =	vst v63  }
0x1ae: {  	s28 =	rddreg [dreg:$0x16]  }
0x1af: {  	[hbm4b:s28+s2] =	stream.linear.scatter [tilespmem:s15], [sflag:$0x1], $0x10, $0x38;
	[tilespmem:$0x1880] =	vst v63  }
0x1b0: {  	s29 =	rddreg [dreg:$0x17]  }
0x1b1: {  	[hbm4b:s29+s2] =	stream.linear.scatter [tilespmem:s16], [sflag:$0x1], $0x10, $0x38;
	[tilespmem:$0x1880] =	vst v63  }
0x1b2: {  	s30 =	rddreg [dreg:$0x18]  }
0x1b3: {  	[hbm4b:s30+s2] =	stream.linear.scatter [tilespmem:s17], [sflag:$0x1], $0x10, $0x38;
	[tilespmem:$0x1880] =	vst v63  }
0x1b4: {  	s31 =	rddreg [dreg:$0x19]  }
0x1b5: {  	[hbm4b:s31+s2] =	stream.linear.scatter [tilespmem:s18], [sflag:$0x1], $0x800, $0x38;
	[tilespmem:$0x1880] =	vst v63  }
0x1b6: {  	_ =	swait.ge [sflag:s7], $0x10  }
0x1b7: {  	[sflag:s7] =	ssyncset.done $0x0  }
0x1b8: {  	[sflag:s7] =	ssyncadd.s32 $0xFFFFFFF0  }
0x1b9: {  	_ =	swait.ge [sflag:s7], $0x10  }
0x1ba: {  	[sflag:s7] =	ssyncset.done $0x0  }
0x1bb: {  	[sflag:s7] =	ssyncadd.s32 $0xFFFFFFF0  }
0x1bc: {  	_ =	swait.ge [sflag:s7], $0x10  }
0x1bd: {  	[sflag:s7] =	ssyncset.done $0x0  }
0x1be: {  	[sflag:s7] =	ssyncadd.s32 $0xFFFFFFF0  }
0x1bf: {  	_ =	swait.ge [sflag:s7], $0x10  }
0x1c0: {  	[sflag:s7] =	ssyncset.done $0x0  }
0x1c1: {  	[sflag:s7] =	ssyncadd.s32 $0xFFFFFFF0  }
0x1c2: {  	_ =	swait.ge [sflag:s7], $0x10  }
0x1c3: {  	[sflag:s7] =	ssyncset.done $0x0  }
0x1c4: {  	[sflag:s7] =	ssyncadd.s32 $0xFFFFFFF0  }
0x1c5: {  	_ =	swait.ge [sflag:s7], $0x10  }
0x1c6: {  	[sflag:s7] =	ssyncset.done $0x0  }
0x1c7: {  	[sflag:s7] =	ssyncadd.s32 $0xFFFFFFF0  }
0x1c8: {  	_ =	swait.ge [sflag:s7], $0x10  }
0x1c9: {  	[sflag:s7] =	ssyncset.done $0x0  }
0x1ca: {  	[sflag:s7] =	ssyncadd.s32 $0xFFFFFFF0  }
0x1cb: {  	_ =	swait.ge [sflag:s7], $0x10  }
0x1cc: {  	[sflag:s7] =	ssyncset.done $0x0  }
0x1cd: {  	[sflag:s7] =	ssyncadd.s32 $0xFFFFFFF0  }
0x1ce: {  	_ =	swait.ge [sflag:s7], $0x10  }
0x1cf: {  	[sflag:s7] =	ssyncset.done $0x0  }
0x1d0: {  	[sflag:s7] =	ssyncadd.s32 $0xFFFFFFF0  }
0x1d1: {  	_ =	swait.ge [sflag:s7], $0x10  }
0x1d2: {  	[sflag:s7] =	ssyncset.done $0x0  }
0x1d3: {  	[sflag:s7] =	ssyncadd.s32 $0xFFFFFFF0  }
0x1d4: {  	_ =	swait.ge [sflag:s7], $0x10  }
0x1d5: {  	[sflag:s7] =	ssyncset.done $0x0  }
0x1d6: {  	[sflag:s7] =	ssyncadd.s32 $0xFFFFFFF0  }
0x1d7: {  	_ =	swait.ge [sflag:s7], $0x10  }
0x1d8: {  	[sflag:s7] =	ssyncset.done $0x0  }
0x1d9: {  	[sflag:s7] =	ssyncadd.s32 $0xFFFFFFF0  }
0x1da: {  	_ =	swait.ge [sflag:s7], $0x10  }
0x1db: {  	[sflag:s7] =	ssyncset.done $0x0  }
0x1dc: {  	[sflag:s7] =	ssyncadd.s32 $0xFFFFFFF0  }
0x1dd: {  	_ =	swait.ge [sflag:s7], $0x10  }
0x1de: {  	[sflag:s7] =	ssyncset.done $0x0  }
0x1df: {  	[sflag:s7] =	ssyncadd.s32 $0xFFFFFFF0  }
0x1e0: {  	_ =	swait.ge [sflag:s7], $0x10  }
0x1e1: {  	[sflag:s7] =	ssyncset.done $0x0  }
0x1e2: {  	[sflag:s7] =	ssyncadd.s32 $0xFFFFFFF0  }
0x1e3: {  	_ =	swait.ge [sflag:s7], $0x10  }
0x1e4: {  	[sflag:s7] =	ssyncset.done $0x0  }
0x1e5: {  	[sflag:s7] =	ssyncadd.s32 $0xFFFFFFF0  }
0x1e6: {  	p0 =	sne.s32 s5, $0x1;
	_ =	swait.ge [sflag:s7], $0x10  }
.Ltmp1:
0x1e7: {  	[sflag:s7] =	ssyncset.done $0x0;
	(pc) =	sbr.rel @p0 .LBB2_2-.Ltmp1, $4  }
0x1e8: {  	[sflag:s7] =	ssyncadd.s32 $0xFFFFFFF0  }
0x1e9: {  	_ =	swait.ge [sflag:s7], $0x800  }
0x1ea: {  	[sflag:s7] =	ssyncset.done $0x0  }
0x1eb: {  	s5 =	sadd.s32 $0xFFFFFFFF, s5;
	[sflag:s7] =	ssyncadd.s32 $0xFFFFF800  }
.LBB2_3:
0x1ec: {  	_ =	sfence.sel $0x180000  }
0x1ed: {  	[bflag:$0x0] =	sbarrier.arrive $0xFFFF  }
0x1ee: {  	p0 =	sne.s32 s0, $0x0;
	_ =	strace $0x90000047  }
0x1ef: {  	s0 =	sadd.s32 @!p0 $0x100000, s1;
	[bflag:$0x2] =	sbarrier.arrive $0xFFFF  }
0x1f0: {  	[sflag:s0] =	ssyncadd.tile.s32 @!p0 $0x1;
	_ =	shalt  }
.Lfunc_end2:
_tile_overlayer_lowered:
.L_overlay_start_2:
0x1f1: {  	(tag) =	ssettag $0x2  }
0x1f2: {  	s0 =	rddreg [dreg:$0x0];
	s2 =	stileid.u32  }
0x1f3: {  	s1 =	rddreg [dreg:$0x1];
	p0 =	sne.s32 s2, $0x0  }
0x1f4: {  	s3 =	rddreg [dreg:$0x2];
	[bflag:$0x3] =	sbarrier.arrive $0xFFFF;
	s2 =	simm.s32 @!p0 $0x1C02  }
0x1f5: {  	[timem:s3], [sflag:s2] =	dma.local @!p0 [hbm:s0], s1  }
0x1f6: {  	s0 =	simm.s32 @!p0 $0x2  }
0x1f7: {  	_ =	swait.ge @!p0 [sflag:s0], s1  }
0x1f8: {  	s1 =	ssub.s32 @!p0 $0x0, s1;
	[sflag:s0] =	ssyncset.done @!p0 $0x0  }
0x1f9: {  	[sflag:s0] =	ssyncadd.s32 @!p0 s1  }
0x1fa: {  	[bflag:$0x3] =	sbarrier.arrive $0xFFFF  }
0x1fb: {  	_ =	shalt  }

</sc_bundles>
